<compile_context>
chip_gen: v7x
topology: tpu7x:2x2x1
jax: 0.10.2.dev20260603
libtpu: 0.0.44.dev20260713+nightly
codegen_flags: <defaults>
</compile_context>

<pallas_src>
import functools

import jax
import jax.numpy as jnp
from jax import lax
from jax.experimental import pallas as pl
from jax.experimental.pallas import tpu as pltpu
from jax.experimental.pallas import tpu_sc as plsc

_B = 1024
_D = 64
_V = 100000

_NC = 2
_NS = 16
_NW = _NC * _NS
_B_PER_W = _B // _NW


_NT = 16384
_TG = (_V + _NT - 1) // _NT
_PR = _TG * (_NT // 2)


def _sc_gather(embeddings, center_words):
    table = _pair_table(embeddings)
    mesh = plsc.VectorSubcoreMesh(core_axis_name="c", subcore_axis_name="s")

    @functools.partial(
        pl.kernel,
        out_type=jax.ShapeDtypeStruct((_B, _D), jnp.float32),
        mesh=mesh,
        scratch_types=[
            pltpu.VMEM((_B_PER_W,), jnp.int32),
            pltpu.VMEM((_B_PER_W,), jnp.int32),
            pltpu.VMEM((_B_PER_W, 128), jnp.float32),
            pltpu.VMEM((_B_PER_W, _D), jnp.float32),
            pltpu.SemaphoreType.DMA,
        ],
        compiler_params=pltpu.CompilerParams(skip_device_barrier=True),
    )
    def gather_kernel(table_hbm, idx_hbm, out_hbm, row_v, half_v, rows_v, out_v, sem):
        wid = lax.axis_index("s") * _NC + lax.axis_index("c")
        base = wid * _B_PER_W
        pltpu.sync_copy(idx_hbm.at[pl.ds(base, _B_PER_W)], row_v)
        nt_bits = _NT.bit_length() - 1
        for c in range(_B_PER_W // 16):
            v = row_v[pl.ds(c * 16, 16)]
            g = lax.shift_right_logical(v, nt_bits)
            r = lax.bitwise_and(v, _NT - 1)
            row_v[pl.ds(c * 16, 16)] = (g * (_NT // 2)) + lax.bitwise_and(
                r, _NT // 2 - 1
            )
            half_v[pl.ds(c * 16, 16)] = lax.shift_right_logical(r, nt_bits - 1)
        pltpu.async_copy(table_hbm.at[row_v], rows_v, sem).wait()
        for g in range(_B_PER_W // 16):
            halves = half_v[pl.ds(g * 16, 16)]
            for l in range(16):
                j = g * 16 + l
                take_hi = halves[l] == 1
                for c in range(_D // 16):
                    lo = rows_v[j, pl.ds(c * 16, 16)]
                    hi = rows_v[j, pl.ds(_D + c * 16, 16)]
                    out_v[j, pl.ds(c * 16, 16)] = jnp.where(take_hi, hi, lo)
        pltpu.sync_copy(out_v, out_hbm.at[pl.ds(base, _B_PER_W)])

    return gather_kernel(table, center_words)


def _transpose_body(in_ref, o_ref):
    x = in_ref[...]
    xl = x[:, : _NT // 2]
    xr = x[:, _NT // 2 :]
    o_ref[...] = jnp.concatenate(
        [jnp.transpose(xl, (1, 0)), jnp.transpose(xr, (1, 0))], axis=1
    )


def _pair_table(embeddings):
    return pl.pallas_call(
        _transpose_body,
        grid=(_TG,),
        in_specs=[pl.BlockSpec((_D, _NT), lambda i: (0, i))],
        out_specs=pl.BlockSpec((_NT // 2, 2 * _D), lambda i: (i, 0)),
        out_shape=jax.ShapeDtypeStruct((_PR, 2 * _D), jnp.float32),
        compiler_params=pltpu.CompilerParams(dimension_semantics=("parallel",)),
    )(embeddings.T)


def _mm_body(w_ref, e_ref, b_ref, o_ref):
    acc = lax.dot_general(
        w_ref[...],
        e_ref[...],
        (((0,), (1,)), ((), ())),
        preferred_element_type=jnp.float32,
    )
    o_ref[...] = acc + jnp.reshape(b_ref[...], (b_ref.shape[0], 1))


def _projection(embedded, W_out, b_out, vt=6144):
    grid = (_V + vt - 1) // vt
    logits_t = pl.pallas_call(
        _mm_body,
        grid=(grid,),
        in_specs=[
            pl.BlockSpec((_D, vt), lambda i: (0, i)),
            pl.BlockSpec((_B, _D), lambda i: (0, 0)),
            pl.BlockSpec((vt,), lambda i: (i,)),
        ],
        out_specs=pl.BlockSpec((vt, _B), lambda i: (i, 0)),
        out_shape=jax.ShapeDtypeStruct((_V, _B), jnp.float32),
        compiler_params=pltpu.CompilerParams(
            dimension_semantics=("parallel",), vmem_limit_bytes=100 * 1024 * 1024
        ),
    )(W_out.T, embedded, b_out)
    return logits_t.T


def kernel(center_words, embeddings, W_out, b_out):
    embedded = _sc_gather(embeddings, center_words.astype(jnp.int32))
    return _projection(embedded, W_out, b_out)

# --- scband reference (transcript-rebuilt; emitter-appended) ---
"""Pipeline reference for scband-skip-gram-model-22359599743263 (READ-ONLY COPY).

The authoritative reference and input builder live on the scoring server;
editing this copy changes nothing except your own understanding.
"""

import jax, jax.numpy as jnp
import numpy as np

VOCAB = 100000
DIM = 64
BATCH = 1024

def setup_inputs(seed: int = 0) -> dict:
    key = jax.random.key(seed)
    k1, k2, k3, k4 = jax.random.split(key, 4)
    center_words = jax.random.randint(k1, (BATCH,), 0, VOCAB, dtype=jnp.int64 if jax.config.jax_enable_x64 else jnp.int32)
    embeddings = jax.random.normal(k2, (VOCAB, DIM), dtype=jnp.float32) * 0.02
    W_out = jax.random.normal(k3, (VOCAB, DIM), dtype=jnp.float32) * 0.02
    b_out = jnp.zeros((VOCAB,), dtype=jnp.float32)
    return {"center_words": center_words, "embeddings": embeddings, "W_out": W_out, "b_out": b_out}

def reference(center_words, embeddings, W_out, b_out):
    # embedding lookup (gather)
    embedded = jnp.take(embeddings, center_words, axis=0)  # [B, D]
    # output projection: Linear(embedding_dim, vocab_size)
    logits = embedded @ W_out.T + b_out  # [B, V]
    return logits

if __name__ == "__main__":
    import jax
    _d = setup_inputs()
    print(jax.jit(kernel)(*tuple(_d.values())))

</pallas_src>

<mosaic_0001>
#map = affine_map<(d0, d1) -> (0, 0)>
#map1 = affine_map<(d0, d1) -> (0)>
module attributes {stable_mosaic.version = 14 : i64} {
  func.func @gather_kernel(%arg0: i32, %arg1: i32, %arg2: memref<57344x128xf32, #tpu.memory_space<hbm>>, %arg3: memref<1024xi32, #tpu.memory_space<hbm>>, %arg4: memref<1024x64xf32, #tpu.memory_space<hbm>>, %arg5: memref<32xi32, #tpu.memory_space<vmem>>, %arg6: memref<32xi32, #tpu.memory_space<vmem>>, %arg7: memref<32x128xf32, #tpu.memory_space<vmem>>, %arg8: memref<32x64xf32, #tpu.memory_space<vmem>>, %arg9: memref<!tpu.dma_semaphore, #tpu.memory_space<semaphore_mem>>) attributes {dimension_semantics = [#tpu.dimension_semantics<core_parallel>, #tpu.dimension_semantics<subcore_parallel>], iteration_bounds = array<i64: 2, 16>, scalar_prefetch = 0 : i64, scratch_operands = 5 : i64, tpu.core_type = #tpu.core_type<sc_vector_subcore>, window_params = [{transform_indices = #map}, {transform_indices = #map1}, {transform_indices = #map}]} {
    %mul3A = arith.constant 2 : i32
    %mul3A_0 = arith.muli %arg1, %mul3A : i32
    %add3A = arith.addi %mul3A_0, %arg0 : i32
    %mul3A_1 = arith.constant 32 : i32
    %mul3A_2 = arith.muli %add3A, %mul3A_1 : i32
    "tpu.region"() ({
      %run_scoped3A = tpu.sem_alloc : memref<!tpu.dma_semaphore, #tpu.memory_space<semaphore_mem>>
      %dma_start3A_2363 = tpu.memref_slice %arg3[%mul3A_2] : memref<1024xi32, #tpu.memory_space<hbm>> -> memref<32xi32, #tpu.memory_space<hbm>>
      %dma_start3A_2364 = tpu.memref_slice %arg3[%mul3A_2] : memref<1024xi32, #tpu.memory_space<hbm>> -> memref<32xi32, #tpu.memory_space<hbm>>
      tpu.enqueue_dma source(%dma_start3A_2364 : memref<32xi32, #tpu.memory_space<hbm>>) target(%arg5 : memref<32xi32, #tpu.memory_space<vmem>>) target_semaphore(%run_scoped3A : memref<!tpu.dma_semaphore, #tpu.memory_space<semaphore_mem>>)
      %dma_wait3A_2365 = tpu.memref_slice %arg3[%mul3A_2] : memref<1024xi32, #tpu.memory_space<hbm>> -> memref<32xi32, #tpu.memory_space<hbm>>
      %dma_wait3A_2366 = tpu.memref_slice %arg3[%mul3A_2] : memref<1024xi32, #tpu.memory_space<hbm>> -> memref<32xi32, #tpu.memory_space<hbm>>
      tpu.wait_dma2 semaphore(%run_scoped3A : memref<!tpu.dma_semaphore, #tpu.memory_space<semaphore_mem>>) src(%dma_wait3A_2366 : memref<32xi32, #tpu.memory_space<hbm>>) dst(%arg5 : memref<32xi32, #tpu.memory_space<vmem>>)
      tpu.yield
    }) : () -> ()
    %get3A = arith.constant 0 : index
    %get3A_3 = tpu.vector_load %arg5[%get3A] {strides = array<i32>} : memref<32xi32, #tpu.memory_space<vmem>>, vector<16xi32>,
    %get3A_4 = vector.shape_cast %get3A_3 : vector<16xi32> to vector<16xi32>
    %shift_right_logical3A = arith.constant 14 : i32
    %shift_right_logical3A_5 = vector.broadcast %shift_right_logical3A : i32 to vector<16xi32>
    %shift_right_logical3A_6 = arith.shrui %get3A_4, %shift_right_logical3A_5 : vector<16xi32>
    %and3A = arith.constant 16383 : i32
    %and3A_7 = vector.broadcast %and3A : i32 to vector<16xi32>
    %and3A_8 = arith.andi %get3A_4, %and3A_7 : vector<16xi32>
    %mul3A_9 = arith.constant 8192 : i32
    %mul3A_10 = vector.broadcast %mul3A_9 : i32 to vector<16xi32>
    %mul3A_11 = arith.muli %shift_right_logical3A_6, %mul3A_10 : vector<16xi32>
    %and3A_12 = arith.constant 8191 : i32
    %and3A_13 = vector.broadcast %and3A_12 : i32 to vector<16xi32>
    %and3A_14 = arith.andi %and3A_8, %and3A_13 : vector<16xi32>
    %add3A_15 = arith.addi %mul3A_11, %and3A_14 : vector<16xi32>
    %swap3A = arith.constant 0 : index
    %swap3A_16 = tpu.vector_load %arg5[%swap3A] {strides = array<i32>} : memref<32xi32, #tpu.memory_space<vmem>>, vector<16xi32>,
    %swap3A_17 = vector.shape_cast %swap3A_16 : vector<16xi32> to vector<16xi32>
    %swap3A_18 = vector.shape_cast %add3A_15 : vector<16xi32> to vector<16xi32>
    tpu.vector_store %arg5[%swap3A], %swap3A_18 {strides = array<i32>} : memref<32xi32, #tpu.memory_space<vmem>>, vector<16xi32>,
    %shift_right_logical3A_19 = arith.constant 13 : i32
    %shift_right_logical3A_20 = vector.broadcast %shift_right_logical3A_19 : i32 to vector<16xi32>
    %shift_right_logical3A_21 = arith.shrui %and3A_8, %shift_right_logical3A_20 : vector<16xi32>
    %swap3A_22 = arith.constant 0 : index
    %swap3A_23 = tpu.vector_load %arg6[%swap3A_22] {strides = array<i32>} : memref<32xi32, #tpu.memory_space<vmem>>, vector<16xi32>,
    %swap3A_24 = vector.shape_cast %swap3A_23 : vector<16xi32> to vector<16xi32>
    %swap3A_25 = vector.shape_cast %shift_right_logical3A_21 : vector<16xi32> to vector<16xi32>
    tpu.vector_store %arg6[%swap3A_22], %swap3A_25 {strides = array<i32>} : memref<32xi32, #tpu.memory_space<vmem>>, vector<16xi32>,
    %get3A_26 = arith.constant 16 : index
    %get3A_27 = tpu.vector_load %arg5[%get3A_26] {strides = array<i32>} : memref<32xi32, #tpu.memory_space<vmem>>, vector<16xi32>,
    %get3A_28 = vector.shape_cast %get3A_27 : vector<16xi32> to vector<16xi32>
    %shift_right_logical3A_29 = arith.constant 14 : i32
    %shift_right_logical3A_30 = vector.broadcast %shift_right_logical3A_29 : i32 to vector<16xi32>
    %shift_right_logical3A_31 = arith.shrui %get3A_28, %shift_right_logical3A_30 : vector<16xi32>
    %and3A_32 = arith.constant 16383 : i32
    %and3A_33 = vector.broadcast %and3A_32 : i32 to vector<16xi32>
    %and3A_34 = arith.andi %get3A_28, %and3A_33 : vector<16xi32>
    %mul3A_35 = arith.constant 8192 : i32
    %mul3A_36 = vector.broadcast %mul3A_35 : i32 to vector<16xi32>
    %mul3A_37 = arith.muli %shift_right_logical3A_31, %mul3A_36 : vector<16xi32>
    %and3A_38 = arith.constant 8191 : i32
    %and3A_39 = vector.broadcast %and3A_38 : i32 to vector<16xi32>
    %and3A_40 = arith.andi %and3A_34, %and3A_39 : vector<16xi32>
    %add3A_41 = arith.addi %mul3A_37, %and3A_40 : vector<16xi32>
    %swap3A_42 = arith.constant 16 : index
    %swap3A_43 = tpu.vector_load %arg5[%swap3A_42] {strides = array<i32>} : memref<32xi32, #tpu.memory_space<vmem>>, vector<16xi32>,
    %swap3A_44 = vector.shape_cast %swap3A_43 : vector<16xi32> to vector<16xi32>
    %swap3A_45 = vector.shape_cast %add3A_41 : vector<16xi32> to vector<16xi32>
    tpu.vector_store %arg5[%swap3A_42], %swap3A_45 {strides = array<i32>} : memref<32xi32, #tpu.memory_space<vmem>>, vector<16xi32>,
    %shift_right_logical3A_46 = arith.constant 13 : i32
    %shift_right_logical3A_47 = vector.broadcast %shift_right_logical3A_46 : i32 to vector<16xi32>
    %shift_right_logical3A_48 = arith.shrui %and3A_34, %shift_right_logical3A_47 : vector<16xi32>
    %swap3A_49 = arith.constant 16 : index
    %swap3A_50 = tpu.vector_load %arg6[%swap3A_49] {strides = array<i32>} : memref<32xi32, #tpu.memory_space<vmem>>, vector<16xi32>,
    %swap3A_51 = vector.shape_cast %swap3A_50 : vector<16xi32> to vector<16xi32>
    %swap3A_52 = vector.shape_cast %shift_right_logical3A_48 : vector<16xi32> to vector<16xi32>
    tpu.vector_store %arg6[%swap3A_49], %swap3A_52 {strides = array<i32>} : memref<32xi32, #tpu.memory_space<vmem>>, vector<16xi32>,
    %dma_start3A = arith.constant 0 : i32
    %dma_start3A_53 = arith.constant 0 : i32
    %dma_start3A_54 = tpu.memref_slice %arg2[%dma_start3A, %dma_start3A_53] : memref<57344x128xf32, #tpu.memory_space<hbm>> -> memref<57344x128xf32, #tpu.memory_space<hbm>>
    tpu.enqueue_indirect_dma source(%dma_start3A_54 : memref<57344x128xf32, #tpu.memory_space<hbm>>) target(%arg7 : memref<32x128xf32, #tpu.memory_space<vmem>>) offsets(%arg5 : memref<32xi32, #tpu.memory_space<vmem>>) semaphore(%arg9 : memref<!tpu.dma_semaphore, #tpu.memory_space<semaphore_mem>>)
    %dma_wait3A = arith.constant 0 : i32
    %dma_wait3A_55 = arith.constant 0 : i32
    %dma_wait3A_56 = tpu.memref_slice %arg2[%dma_wait3A, %dma_wait3A_55] : memref<57344x128xf32, #tpu.memory_space<hbm>> -> memref<57344x128xf32, #tpu.memory_space<hbm>>
    tpu.wait_indirect_dma semaphore(%arg9 : memref<!tpu.dma_semaphore, #tpu.memory_space<semaphore_mem>>) src(%dma_wait3A_56 : memref<57344x128xf32, #tpu.memory_space<hbm>>) dst(%arg7 : memref<32x128xf32, #tpu.memory_space<vmem>>)
    %get3A_57 = arith.constant 0 : index
    %get3A_58 = tpu.vector_load %arg6[%get3A_57] {strides = array<i32>} : memref<32xi32, #tpu.memory_space<vmem>>, vector<16xi32>,
    %get3A_59 = vector.shape_cast %get3A_58 : vector<16xi32> to vector<16xi32>
    %slice3A = vector.extract_strided_slice %get3A_59 {offsets = [0], sizes = [1], strides = [1]} : vector<16xi32> to vector<1xi32>
    %squeeze3A = vector.extract %slice3A[0] : i32 from vector<1xi32>
    %eq3A = arith.constant 1 : i32
    %eq3A_60 = arith.cmpi eq, %squeeze3A, %eq3A : i32
    %get3A_61 = arith.constant 0 : i32
    %get3A_62 = arith.index_cast %get3A_61 : i32 to index
    %get3A_63 = arith.constant 0 : index
    %get3A_64 = tpu.vector_load %arg7[%get3A_62, %get3A_63] {strides = array<i32>} : memref<32x128xf32, #tpu.memory_space<vmem>>, vector<1x16xf32>,
    %get3A_65 = vector.shape_cast %get3A_64 : vector<1x16xf32> to vector<16xf32>
    %get3A_66 = arith.constant 0 : i32
    %get3A_67 = arith.index_cast %get3A_66 : i32 to index
    %get3A_68 = arith.constant 64 : index
    %get3A_69 = tpu.vector_load %arg7[%get3A_67, %get3A_68] {strides = array<i32>} : memref<32x128xf32, #tpu.memory_space<vmem>>, vector<1x16xf32>,
    %get3A_70 = vector.shape_cast %get3A_69 : vector<1x16xf32> to vector<16xf32>
    %select_n3A = arith.select %eq3A_60, %get3A_70, %get3A_65 : vector<16xf32>
    %swap3A_71 = arith.constant 0 : i32
    %swap3A_72 = arith.index_cast %swap3A_71 : i32 to index
    %swap3A_73 = arith.constant 0 : index
    %swap3A_74 = tpu.vector_load %arg8[%swap3A_72, %swap3A_73] {strides = array<i32>} : memref<32x64xf32, #tpu.memory_space<vmem>>, vector<1x16xf32>,
    %swap3A_75 = vector.shape_cast %swap3A_74 : vector<1x16xf32> to vector<16xf32>
    %swap3A_76 = vector.shape_cast %select_n3A : vector<16xf32> to vector<1x16xf32>
    tpu.vector_store %arg8[%swap3A_72, %swap3A_73], %swap3A_76 {strides = array<i32>} : memref<32x64xf32, #tpu.memory_space<vmem>>, vector<1x16xf32>,
    %get3A_77 = arith.constant 0 : i32
    %get3A_78 = arith.index_cast %get3A_77 : i32 to index
    %get3A_79 = arith.constant 16 : index
    %get3A_80 = tpu.vector_load %arg7[%get3A_78, %get3A_79] {strides = array<i32>} : memref<32x128xf32, #tpu.memory_space<vmem>>, vector<1x16xf32>,
    %get3A_81 = vector.shape_cast %get3A_80 : vector<1x16xf32> to vector<16xf32>
    %get3A_82 = arith.constant 0 : i32
    %get3A_83 = arith.index_cast %get3A_82 : i32 to index
    %get3A_84 = arith.constant 80 : index
    %get3A_85 = tpu.vector_load %arg7[%get3A_83, %get3A_84] {strides = array<i32>} : memref<32x128xf32, #tpu.memory_space<vmem>>, vector<1x16xf32>,
    %get3A_86 = vector.shape_cast %get3A_85 : vector<1x16xf32> to vector<16xf32>
    %select_n3A_87 = arith.select %eq3A_60, %get3A_86, %get3A_81 : vector<16xf32>
    %swap3A_88 = arith.constant 0 : i32
    %swap3A_89 = arith.index_cast %swap3A_88 : i32 to index
    %swap3A_90 = arith.constant 16 : index
    %swap3A_91 = tpu.vector_load %arg8[%swap3A_89, %swap3A_90] {strides = array<i32>} : memref<32x64xf32, #tpu.memory_space<vmem>>, vector<1x16xf32>,
    %swap3A_92 = vector.shape_cast %swap3A_91 : vector<1x16xf32> to vector<16xf32>
    %swap3A_93 = vector.shape_cast %select_n3A_87 : vector<16xf32> to vector<1x16xf32>
    tpu.vector_store %arg8[%swap3A_89, %swap3A_90], %swap3A_93 {strides = array<i32>} : memref<32x64xf32, #tpu.memory_space<vmem>>, vector<1x16xf32>,
    %get3A_94 = arith.constant 0 : i32
    %get3A_95 = arith.index_cast %get3A_94 : i32 to index
    %get3A_96 = arith.constant 32 : index
    %get3A_97 = tpu.vector_load %arg7[%get3A_95, %get3A_96] {strides = array<i32>} : memref<32x128xf32, #tpu.memory_space<vmem>>, vector<1x16xf32>,
    %get3A_98 = vector.shape_cast %get3A_97 : vector<1x16xf32> to vector<16xf32>
    %get3A_99 = arith.constant 0 : i32
    %get3A_100 = arith.index_cast %get3A_99 : i32 to index
    %get3A_101 = arith.constant 96 : index
    %get3A_102 = tpu.vector_load %arg7[%get3A_100, %get3A_101] {strides = array<i32>} : memref<32x128xf32, #tpu.memory_space<vmem>>, vector<1x16xf32>,
    %get3A_103 = vector.shape_cast %get3A_102 : vector<1x16xf32> to vector<16xf32>
    %select_n3A_104 = arith.select %eq3A_60, %get3A_103, %get3A_98 : vector<16xf32>
    %swap3A_105 = arith.constant 0 : i32
    %swap3A_106 = arith.index_cast %swap3A_105 : i32 to index
    %swap3A_107 = arith.constant 32 : index
    %swap3A_108 = tpu.vector_load %arg8[%swap3A_106, %swap3A_107] {strides = array<i32>} : memref<32x64xf32, #tpu.memory_space<vmem>>, vector<1x16xf32>,
    %swap3A_109 = vector.shape_cast %swap3A_108 : vector<1x16xf32> to vector<16xf32>
    %swap3A_110 = vector.shape_cast %select_n3A_104 : vector<16xf32> to vector<1x16xf32>
    tpu.vector_store %arg8[%swap3A_106, %swap3A_107], %swap3A_110 {strides = array<i32>} : memref<32x64xf32, #tpu.memory_space<vmem>>, vector<1x16xf32>,
    %get3A_111 = arith.constant 0 : i32
    %get3A_112 = arith.index_cast %get3A_111 : i32 to index
    %get3A_113 = arith.constant 48 : index
    %get3A_114 = tpu.vector_load %arg7[%get3A_112, %get3A_113] {strides = array<i32>} : memref<32x128xf32, #tpu.memory_space<vmem>>, vector<1x16xf32>,
    %get3A_115 = vector.shape_cast %get3A_114 : vector<1x16xf32> to vector<16xf32>
    %get3A_116 = arith.constant 0 : i32
    %get3A_117 = arith.index_cast %get3A_116 : i32 to index
    %get3A_118 = arith.constant 112 : index
    %get3A_119 = tpu.vector_load %arg7[%get3A_117, %get3A_118] {strides = array<i32>} : memref<32x128xf32, #tpu.memory_space<vmem>>, vector<1x16xf32>,
    %get3A_120 = vector.shape_cast %get3A_119 : vector<1x16xf32> to vector<16xf32>
    %select_n3A_121 = arith.select %eq3A_60, %get3A_120, %get3A_115 : vector<16xf32>
    %swap3A_122 = arith.constant 0 : i32
    %swap3A_123 = arith.index_cast %swap3A_122 : i32 to index
    %swap3A_124 = arith.constant 48 : index
    %swap3A_125 = tpu.vector_load %arg8[%swap3A_123, %swap3A_124] {strides = array<i32>} : memref<32x64xf32, #tpu.memory_space<vmem>>, vector<1x16xf32>,
    %swap3A_126 = vector.shape_cast %swap3A_125 : vector<1x16xf32> to vector<16xf32>
    %swap3A_127 = vector.shape_cast %select_n3A_121 : vector<16xf32> to vector<1x16xf32>
    tpu.vector_store %arg8[%swap3A_123, %swap3A_124], %swap3A_127 {strides = array<i32>} : memref<32x64xf32, #tpu.memory_space<vmem>>, vector<1x16xf32>,
    %slice3A_128 = vector.extract_strided_slice %get3A_59 {offsets = [1], sizes = [1], strides = [1]} : vector<16xi32> to vector<1xi32>
    %squeeze3A_129 = vector.extract %slice3A_128[0] : i32 from vector<1xi32>
    %eq3A_130 = arith.constant 1 : i32
    %eq3A_131 = arith.cmpi eq, %squeeze3A_129, %eq3A_130 : i32
    %get3A_132 = arith.constant 1 : i32
    %get3A_133 = arith.index_cast %get3A_132 : i32 to index
    %get3A_134 = arith.constant 0 : index
    %get3A_135 = tpu.vector_load %arg7[%get3A_133, %get3A_134] {strides = array<i32>} : memref<32x128xf32, #tpu.memory_space<vmem>>, vector<1x16xf32>,
    %get3A_136 = vector.shape_cast %get3A_135 : vector<1x16xf32> to vector<16xf32>
    %get3A_137 = arith.constant 1 : i32
    %get3A_138 = arith.index_cast %get3A_137 : i32 to index
    %get3A_139 = arith.constant 64 : index
    %get3A_140 = tpu.vector_load %arg7[%get3A_138, %get3A_139] {strides = array<i32>} : memref<32x128xf32, #tpu.memory_space<vmem>>, vector<1x16xf32>,
    %get3A_141 = vector.shape_cast %get3A_140 : vector<1x16xf32> to vector<16xf32>
    %select_n3A_142 = arith.select %eq3A_131, %get3A_141, %get3A_136 : vector<16xf32>
    %swap3A_143 = arith.constant 1 : i32
    %swap3A_144 = arith.index_cast %swap3A_143 : i32 to index
    %swap3A_145 = arith.constant 0 : index
    %swap3A_146 = tpu.vector_load %arg8[%swap3A_144, %swap3A_145] {strides = array<i32>} : memref<32x64xf32, #tpu.memory_space<vmem>>, vector<1x16xf32>,
    %swap3A_147 = vector.shape_cast %swap3A_146 : vector<1x16xf32> to vector<16xf32>
    %swap3A_148 = vector.shape_cast %select_n3A_142 : vector<16xf32> to vector<1x16xf32>
    tpu.vector_store %arg8[%swap3A_144, %swap3A_145], %swap3A_148 {strides = array<i32>} : memref<32x64xf32, #tpu.memory_space<vmem>>, vector<1x16xf32>,
    %get3A_149 = arith.constant 1 : i32
    %get3A_150 = arith.index_cast %get3A_149 : i32 to index
    %get3A_151 = arith.constant 16 : index
    %get3A_152 = tpu.vector_load %arg7[%get3A_150, %get3A_151] {strides = array<i32>} : memref<32x128xf32, #tpu.memory_space<vmem>>, vector<1x16xf32>,
    %get3A_153 = vector.shape_cast %get3A_152 : vector<1x16xf32> to vector<16xf32>
    %get3A_154 = arith.constant 1 : i32
    %get3A_155 = arith.index_cast %get3A_154 : i32 to index
    %get3A_156 = arith.constant 80 : index
    %get3A_157 = tpu.vector_load %arg7[%get3A_155, %get3A_156] {strides = array<i32>} : memref<32x128xf32, #tpu.memory_space<vmem>>, vector<1x16xf32>,
    %get3A_158 = vector.shape_cast %get3A_157 : vector<1x16xf32> to vector<16xf32>
    %select_n3A_159 = arith.select %eq3A_131, %get3A_158, %get3A_153 : vector<16xf32>
    %swap3A_160 = arith.constant 1 : i32
    %swap3A_161 = arith.index_cast %swap3A_160 : i32 to index
    %swap3A_162 = arith.constant 16 : index
    %swap3A_163 = tpu.vector_load %arg8[%swap3A_161, %swap3A_162] {strides = array<i32>} : memref<32x64xf32, #tpu.memory_space<vmem>>, vector<1x16xf32>,
    %swap3A_164 = vector.shape_cast %swap3A_163 : vector<1x16xf32> to vector<16xf32>
    %swap3A_165 = vector.shape_cast %select_n3A_159 : vector<16xf32> to vector<1x16xf32>
    tpu.vector_store %arg8[%swap3A_161, %swap3A_162], %swap3A_165 {strides = array<i32>} : memref<32x64xf32, #tpu.memory_space<vmem>>, vector<1x16xf32>,
    %get3A_166 = arith.constant 1 : i32
    %get3A_167 = arith.index_cast %get3A_166 : i32 to index
    %get3A_168 = arith.constant 32 : index
    %get3A_169 = tpu.vector_load %arg7[%get3A_167, %get3A_168] {strides = array<i32>} : memref<32x128xf32, #tpu.memory_space<vmem>>, vector<1x16xf32>,
    %get3A_170 = vector.shape_cast %get3A_169 : vector<1x16xf32> to vector<16xf32>
    %get3A_171 = arith.constant 1 : i32
    %get3A_172 = arith.index_cast %get3A_171 : i32 to index
    %get3A_173 = arith.constant 96 : index
    %get3A_174 = tpu.vector_load %arg7[%get3A_172, %get3A_173] {strides = array<i32>} : memref<32x128xf32, #tpu.memory_space<vmem>>, vector<1x16xf32>,
    %get3A_175 = vector.shape_cast %get3A_174 : vector<1x16xf32> to vector<16xf32>
    %select_n3A_176 = arith.select %eq3A_131, %get3A_175, %get3A_170 : vector<16xf32>
    %swap3A_177 = arith.constant 1 : i32
    %swap3A_178 = arith.index_cast %swap3A_177 : i32 to index
    %swap3A_179 = arith.constant 32 : index
    %swap3A_180 = tpu.vector_load %arg8[%swap3A_178, %swap3A_179] {strides = array<i32>} : memref<32x64xf32, #tpu.memory_space<vmem>>, vector<1x16xf32>,
    %swap3A_181 = vector.shape_cast %swap3A_180 : vector<1x16xf32> to vector<16xf32>
    %swap3A_182 = vector.shape_cast %select_n3A_176 : vector<16xf32> to vector<1x16xf32>
    tpu.vector_store %arg8[%swap3A_178, %swap3A_179], %swap3A_182 {strides = array<i32>} : memref<32x64xf32, #tpu.memory_space<vmem>>, vector<1x16xf32>,
    %get3A_183 = arith.constant 1 : i32
    %get3A_184 = arith.index_cast %get3A_183 : i32 to index
    %get3A_185 = arith.constant 48 : index
    %get3A_186 = tpu.vector_load %arg7[%get3A_184, %get3A_185] {strides = array<i32>} : memref<32x128xf32, #tpu.memory_space<vmem>>, vector<1x16xf32>,
    %get3A_187 = vector.shape_cast %get3A_186 : vector<1x16xf32> to vector<16xf32>
    %get3A_188 = arith.constant 1 : i32
    %get3A_189 = arith.index_cast %get3A_188 : i32 to index
    %get3A_190 = arith.constant 112 : index
    %get3A_191 = tpu.vector_load %arg7[%get3A_189, %get3A_190] {strides = array<i32>} : memref<32x128xf32, #tpu.memory_space<vmem>>, vector<1x16xf32>,
    %get3A_192 = vector.shape_cast %get3A_191 : vector<1x16xf32> to vector<16xf32>
    %select_n3A_193 = arith.select %eq3A_131, %get3A_192, %get3A_187 : vector<16xf32>
    %swap3A_194 = arith.constant 1 : i32
    %swap3A_195 = arith.index_cast %swap3A_194 : i32 to index
    %swap3A_196 = arith.constant 48 : index
    %swap3A_197 = tpu.vector_load %arg8[%swap3A_195, %swap3A_196] {strides = array<i32>} : memref<32x64xf32, #tpu.memory_space<vmem>>, vector<1x16xf32>,
    %swap3A_198 = vector.shape_cast %swap3A_197 : vector<1x16xf32> to vector<16xf32>
    %swap3A_199 = vector.shape_cast %select_n3A_193 : vector<16xf32> to vector<1x16xf32>
    tpu.vector_store %arg8[%swap3A_195, %swap3A_196], %swap3A_199 {strides = array<i32>} : memref<32x64xf32, #tpu.memory_space<vmem>>, vector<1x16xf32>,
    %slice3A_200 = vector.extract_strided_slice %get3A_59 {offsets = [2], sizes = [1], strides = [1]} : vector<16xi32> to vector<1xi32>
    %squeeze3A_201 = vector.extract %slice3A_200[0] : i32 from vector<1xi32>
    %eq3A_202 = arith.constant 1 : i32
    %eq3A_203 = arith.cmpi eq, %squeeze3A_201, %eq3A_202 : i32
    %get3A_204 = arith.constant 2 : i32
    %get3A_205 = arith.index_cast %get3A_204 : i32 to index
    %get3A_206 = arith.constant 0 : index
    %get3A_207 = tpu.vector_load %arg7[%get3A_205, %get3A_206] {strides = array<i32>} : memref<32x128xf32, #tpu.memory_space<vmem>>, vector<1x16xf32>,
    %get3A_208 = vector.shape_cast %get3A_207 : vector<1x16xf32> to vector<16xf32>
    %get3A_209 = arith.constant 2 : i32
    %get3A_210 = arith.index_cast %get3A_209 : i32 to index
    %get3A_211 = arith.constant 64 : index
    %get3A_212 = tpu.vector_load %arg7[%get3A_210, %get3A_211] {strides = array<i32>} : memref<32x128xf32, #tpu.memory_space<vmem>>, vector<1x16xf32>,
    %get3A_213 = vector.shape_cast %get3A_212 : vector<1x16xf32> to vector<16xf32>
    %select_n3A_214 = arith.select %eq3A_203, %get3A_213, %get3A_208 : vector<16xf32>
    %swap3A_215 = arith.constant 2 : i32
    %swap3A_216 = arith.index_cast %swap3A_215 : i32 to index
    %swap3A_217 = arith.constant 0 : index
    %swap3A_218 = tpu.vector_load %arg8[%swap3A_216, %swap3A_217] {strides = array<i32>} : memref<32x64xf32, #tpu.memory_space<vmem>>, vector<1x16xf32>,
    %swap3A_219 = vector.shape_cast %swap3A_218 : vector<1x16xf32> to vector<16xf32>
    %swap3A_220 = vector.shape_cast %select_n3A_214 : vector<16xf32> to vector<1x16xf32>
    tpu.vector_store %arg8[%swap3A_216, %swap3A_217], %swap3A_220 {strides = array<i32>} : memref<32x64xf32, #tpu.memory_space<vmem>>, vector<1x16xf32>,
    %get3A_221 = arith.constant 2 : i32
    %get3A_222 = arith.index_cast %get3A_221 : i32 to index
    %get3A_223 = arith.constant 16 : index
    %get3A_224 = tpu.vector_load %arg7[%get3A_222, %get3A_223] {strides = array<i32>} : memref<32x128xf32, #tpu.memory_space<vmem>>, vector<1x16xf32>,
    %get3A_225 = vector.shape_cast %get3A_224 : vector<1x16xf32> to vector<16xf32>
    %get3A_226 = arith.constant 2 : i32
    %get3A_227 = arith.index_cast %get3A_226 : i32 to index
    %get3A_228 = arith.constant 80 : index
    %get3A_229 = tpu.vector_load %arg7[%get3A_227, %get3A_228] {strides = array<i32>} : memref<32x128xf32, #tpu.memory_space<vmem>>, vector<1x16xf32>,
    %get3A_230 = vector.shape_cast %get3A_229 : vector<1x16xf32> to vector<16xf32>
    %select_n3A_231 = arith.select %eq3A_203, %get3A_230, %get3A_225 : vector<16xf32>
    %swap3A_232 = arith.constant 2 : i32
    %swap3A_233 = arith.index_cast %swap3A_232 : i32 to index
    %swap3A_234 = arith.constant 16 : index
    %swap3A_235 = tpu.vector_load %arg8[%swap3A_233, %swap3A_234] {strides = array<i32>} : memref<32x64xf32, #tpu.memory_space<vmem>>, vector<1x16xf32>,
    %swap3A_236 = vector.shape_cast %swap3A_235 : vector<1x16xf32> to vector<16xf32>
    %swap3A_237 = vector.shape_cast %select_n3A_231 : vector<16xf32> to vector<1x16xf32>
    tpu.vector_store %arg8[%swap3A_233, %swap3A_234], %swap3A_237 {strides = array<i32>} : memref<32x64xf32, #tpu.memory_space<vmem>>, vector<1x16xf32>,
    %get3A_238 = arith.constant 2 : i32
    %get3A_239 = arith.index_cast %get3A_238 : i32 to index
    %get3A_240 = arith.constant 32 : index
    %get3A_241 = tpu.vector_load %arg7[%get3A_239, %get3A_240] {strides = array<i32>} : memref<32x128xf32, #tpu.memory_space<vmem>>, vector<1x16xf32>,
    %get3A_242 = vector.shape_cast %get3A_241 : vector<1x16xf32> to vector<16xf32>
    %get3A_243 = arith.constant 2 : i32
    %get3A_244 = arith.index_cast %get3A_243 : i32 to index
    %get3A_245 = arith.constant 96 : index
    %get3A_246 = tpu.vector_load %arg7[%get3A_244, %get3A_245] {strides = array<i32>} : memref<32x128xf32, #tpu.memory_space<vmem>>, vector<1x16xf32>,
    %get3A_247 = vector.shape_cast %get3A_246 : vector<1x16xf32> to vector<16xf32>
    %select_n3A_248 = arith.select %eq3A_203, %get3A_247, %get3A_242 : vector<16xf32>
    %swap3A_249 = arith.constant 2 : i32
    %swap3A_250 = arith.index_cast %swap3A_249 : i32 to index
    %swap3A_251 = arith.constant 32 : index
    %swap3A_252 = tpu.vector_load %arg8[%swap3A_250, %swap3A_251] {strides = array<i32>} : memref<32x64xf32, #tpu.memory_space<vmem>>, vector<1x16xf32>,
    %swap3A_253 = vector.shape_cast %swap3A_252 : vector<1x16xf32> to vector<16xf32>
    %swap3A_254 = vector.shape_cast %select_n3A_248 : vector<16xf32> to vector<1x16xf32>
    tpu.vector_store %arg8[%swap3A_250, %swap3A_251], %swap3A_254 {strides = array<i32>} : memref<32x64xf32, #tpu.memory_space<vmem>>, vector<1x16xf32>,
    %get3A_255 = arith.constant 2 : i32
    %get3A_256 = arith.index_cast %get3A_255 : i32 to index
    %get3A_257 = arith.constant 48 : index
    %get3A_258 = tpu.vector_load %arg7[%get3A_256, %get3A_257] {strides = array<i32>} : memref<32x128xf32, #tpu.memory_space<vmem>>, vector<1x16xf32>,
    %get3A_259 = vector.shape_cast %get3A_258 : vector<1x16xf32> to vector<16xf32>
    %get3A_260 = arith.constant 2 : i32
    %get3A_261 = arith.index_cast %get3A_260 : i32 to index
    %get3A_262 = arith.constant 112 : index
    %get3A_263 = tpu.vector_load %arg7[%get3A_261, %get3A_262] {strides = array<i32>} : memref<32x128xf32, #tpu.memory_space<vmem>>, vector<1x16xf32>,
    %get3A_264 = vector.shape_cast %get3A_263 : vector<1x16xf32> to vector<16xf32>
    %select_n3A_265 = arith.select %eq3A_203, %get3A_264, %get3A_259 : vector<16xf32>
    %swap3A_266 = arith.constant 2 : i32
    %swap3A_267 = arith.index_cast %swap3A_266 : i32 to index
    %swap3A_268 = arith.constant 48 : index
    %swap3A_269 = tpu.vector_load %arg8[%swap3A_267, %swap3A_268] {strides = array<i32>} : memref<32x64xf32, #tpu.memory_space<vmem>>, vector<1x16xf32>,
    %swap3A_270 = vector.shape_cast %swap3A_269 : vector<1x16xf32> to vector<16xf32>
    %swap3A_271 = vector.shape_cast %select_n3A_265 : vector<16xf32> to vector<1x16xf32>
    tpu.vector_store %arg8[%swap3A_267, %swap3A_268], %swap3A_271 {strides = array<i32>} : memref<32x64xf32, #tpu.memory_space<vmem>>, vector<1x16xf32>,
    %slice3A_272 = vector.extract_strided_slice %get3A_59 {offsets = [3], sizes = [1], strides = [1]} : vector<16xi32> to vector<1xi32>
    %squeeze3A_273 = vector.extract %slice3A_272[0] : i32 from vector<1xi32>
    %eq3A_274 = arith.constant 1 : i32
    %eq3A_275 = arith.cmpi eq, %squeeze3A_273, %eq3A_274 : i32
    %get3A_276 = arith.constant 3 : i32
    %get3A_277 = arith.index_cast %get3A_276 : i32 to index
    %get3A_278 = arith.constant 0 : index
    %get3A_279 = tpu.vector_load %arg7[%get3A_277, %get3A_278] {strides = array<i32>} : memref<32x128xf32, #tpu.memory_space<vmem>>, vector<1x16xf32>,
    %get3A_280 = vector.shape_cast %get3A_279 : vector<1x16xf32> to vector<16xf32>
    %get3A_281 = arith.constant 3 : i32
    %get3A_282 = arith.index_cast %get3A_281 : i32 to index
    %get3A_283 = arith.constant 64 : index
    %get3A_284 = tpu.vector_load %arg7[%get3A_282, %get3A_283] {strides = array<i32>} : memref<32x128xf32, #tpu.memory_space<vmem>>, vector<1x16xf32>,
    %get3A_285 = vector.shape_cast %get3A_284 : vector<1x16xf32> to vector<16xf32>
    %select_n3A_286 = arith.select %eq3A_275, %get3A_285, %get3A_280 : vector<16xf32>
    %swap3A_287 = arith.constant 3 : i32
    %swap3A_288 = arith.index_cast %swap3A_287 : i32 to index
    %swap3A_289 = arith.constant 0 : index
    %swap3A_290 = tpu.vector_load %arg8[%swap3A_288, %swap3A_289] {strides = array<i32>} : memref<32x64xf32, #tpu.memory_space<vmem>>, vector<1x16xf32>,
    %swap3A_291 = vector.shape_cast %swap3A_290 : vector<1x16xf32> to vector<16xf32>
    %swap3A_292 = vector.shape_cast %select_n3A_286 : vector<16xf32> to vector<1x16xf32>
    tpu.vector_store %arg8[%swap3A_288, %swap3A_289], %swap3A_292 {strides = array<i32>} : memref<32x64xf32, #tpu.memory_space<vmem>>, vector<1x16xf32>,
    %get3A_293 = arith.constant 3 : i32
    %get3A_294 = arith.index_cast %get3A_293 : i32 to index
    %get3A_295 = arith.constant 16 : index
    %get3A_296 = tpu.vector_load %arg7[%get3A_294, %get3A_295] {strides = array<i32>} : memref<32x128xf32, #tpu.memory_space<vmem>>, vector<1x16xf32>,
    %get3A_297 = vector.shape_cast %get3A_296 : vector<1x16xf32> to vector<16xf32>
    %get3A_298 = arith.constant 3 : i32
    %get3A_299 = arith.index_cast %get3A_298 : i32 to index
    %get3A_300 = arith.constant 80 : index
    %get3A_301 = tpu.vector_load %arg7[%get3A_299, %get3A_300] {strides = array<i32>} : memref<32x128xf32, #tpu.memory_space<vmem>>, vector<1x16xf32>,
    %get3A_302 = vector.shape_cast %get3A_301 : vector<1x16xf32> to vector<16xf32>
    %select_n3A_303 = arith.select %eq3A_275, %get3A_302, %get3A_297 : vector<16xf32>
    %swap3A_304 = arith.constant 3 : i32
    %swap3A_305 = arith.index_cast %swap3A_304 : i32 to index
    %swap3A_306 = arith.constant 16 : index
    %swap3A_307 = tpu.vector_load %arg8[%swap3A_305, %swap3A_306] {strides = array<i32>} : memref<32x64xf32, #tpu.memory_space<vmem>>, vector<1x16xf32>,
    %swap3A_308 = vector.shape_cast %swap3A_307 : vector<1x16xf32> to vector<16xf32>
    %swap3A_309 = vector.shape_cast %select_n3A_303 : vector<16xf32> to vector<1x16xf32>
    tpu.vector_store %arg8[%swap3A_305, %swap3A_306], %swap3A_309 {strides = array<i32>} : memref<32x64xf32, #tpu.memory_space<vmem>>, vector<1x16xf32>,
    %get3A_310 = arith.constant 3 : i32
    %get3A_311 = arith.index_cast %get3A_310 : i32 to index
    %get3A_312 = arith.constant 32 : index
    %get3A_313 = tpu.vector_load %arg7[%get3A_311, %get3A_312] {strides = array<i32>} : memref<32x128xf32, #tpu.memory_space<vmem>>, vector<1x16xf32>,
    %get3A_314 = vector.shape_cast %get3A_313 : vector<1x16xf32> to vector<16xf32>
    %get3A_315 = arith.constant 3 : i32
    %get3A_316 = arith.index_cast %get3A_315 : i32 to index
    %get3A_317 = arith.constant 96 : index
    %get3A_318 = tpu.vector_load %arg7[%get3A_316, %get3A_317] {strides = array<i32>} : memref<32x128xf32, #tpu.memory_space<vmem>>, vector<1x16xf32>,
    %get3A_319 = vector.shape_cast %get3A_318 : vector<1x16xf32> to vector<16xf32>
    %select_n3A_320 = arith.select %eq3A_275, %get3A_319, %get3A_314 : vector<16xf32>
    %swap3A_321 = arith.constant 3 : i32
    %swap3A_322 = arith.index_cast %swap3A_321 : i32 to index
    %swap3A_323 = arith.constant 32 : index
    %swap3A_324 = tpu.vector_load %arg8[%swap3A_322, %swap3A_323] {strides = array<i32>} : memref<32x64xf32, #tpu.memory_space<vmem>>, vector<1x16xf32>,
    %swap3A_325 = vector.shape_cast %swap3A_324 : vector<1x16xf32> to vector<16xf32>
    %swap3A_326 = vector.shape_cast %select_n3A_320 : vector<16xf32> to vector<1x16xf32>
    tpu.vector_store %arg8[%swap3A_322, %swap3A_323], %swap3A_326 {strides = array<i32>} : memref<32x64xf32, #tpu.memory_space<vmem>>, vector<1x16xf32>,
    %get3A_327 = arith.constant 3 : i32
    %get3A_328 = arith.index_cast %get3A_327 : i32 to index
    %get3A_329 = arith.constant 48 : index
    %get3A_330 = tpu.vector_load %arg7[%get3A_328, %get3A_329] {strides = array<i32>} : memref<32x128xf32, #tpu.memory_space<vmem>>, vector<1x16xf32>,
    %get3A_331 = vector.shape_cast %get3A_330 : vector<1x16xf32> to vector<16xf32>
    %get3A_332 = arith.constant 3 : i32
    %get3A_333 = arith.index_cast %get3A_332 : i32 to index
    %get3A_334 = arith.constant 112 : index
    %get3A_335 = tpu.vector_load %arg7[%get3A_333, %get3A_334] {strides = array<i32>} : memref<32x128xf32, #tpu.memory_space<vmem>>, vector<1x16xf32>,
    %get3A_336 = vector.shape_cast %get3A_335 : vector<1x16xf32> to vector<16xf32>
    %select_n3A_337 = arith.select %eq3A_275, %get3A_336, %get3A_331 : vector<16xf32>
    %swap3A_338 = arith.constant 3 : i32
    %swap3A_339 = arith.index_cast %swap3A_338 : i32 to index
    %swap3A_340 = arith.constant 48 : index
    %swap3A_341 = tpu.vector_load %arg8[%swap3A_339, %swap3A_340] {strides = array<i32>} : memref<32x64xf32, #tpu.memory_space<vmem>>, vector<1x16xf32>,
    %swap3A_342 = vector.shape_cast %swap3A_341 : vector<1x16xf32> to vector<16xf32>
    %swap3A_343 = vector.shape_cast %select_n3A_337 : vector<16xf32> to vector<1x16xf32>
    tpu.vector_store %arg8[%swap3A_339, %swap3A_340], %swap3A_343 {strides = array<i32>} : memref<32x64xf32, #tpu.memory_space<vmem>>, vector<1x16xf32>,
    %slice3A_344 = vector.extract_strided_slice %get3A_59 {offsets = [4], sizes = [1], strides = [1]} : vector<16xi32> to vector<1xi32>
    %squeeze3A_345 = vector.extract %slice3A_344[0] : i32 from vector<1xi32>
    %eq3A_346 = arith.constant 1 : i32
    %eq3A_347 = arith.cmpi eq, %squeeze3A_345, %eq3A_346 : i32
    %get3A_348 = arith.constant 4 : i32
    %get3A_349 = arith.index_cast %get3A_348 : i32 to index
    %get3A_350 = arith.constant 0 : index
    %get3A_351 = tpu.vector_load %arg7[%get3A_349, %get3A_350] {strides = array<i32>} : memref<32x128xf32, #tpu.memory_space<vmem>>, vector<1x16xf32>,
    %get3A_352 = vector.shape_cast %get3A_351 : vector<1x16xf32> to vector<16xf32>
    %get3A_353 = arith.constant 4 : i32
    %get3A_354 = arith.index_cast %get3A_353 : i32 to index
    %get3A_355 = arith.constant 64 : index
    %get3A_356 = tpu.vector_load %arg7[%get3A_354, %get3A_355] {strides = array<i32>} : memref<32x128xf32, #tpu.memory_space<vmem>>, vector<1x16xf32>,
    %get3A_357 = vector.shape_cast %get3A_356 : vector<1x16xf32> to vector<16xf32>
    %select_n3A_358 = arith.select %eq3A_347, %get3A_357, %get3A_352 : vector<16xf32>
    %swap3A_359 = arith.constant 4 : i32
    %swap3A_360 = arith.index_cast %swap3A_359 : i32 to index
    %swap3A_361 = arith.constant 0 : index
    %swap3A_362 = tpu.vector_load %arg8[%swap3A_360, %swap3A_361] {strides = array<i32>} : memref<32x64xf32, #tpu.memory_space<vmem>>, vector<1x16xf32>,
    %swap3A_363 = vector.shape_cast %swap3A_362 : vector<1x16xf32> to vector<16xf32>
    %swap3A_364 = vector.shape_cast %select_n3A_358 : vector<16xf32> to vector<1x16xf32>
    tpu.vector_store %arg8[%swap3A_360, %swap3A_361], %swap3A_364 {strides = array<i32>} : memref<32x64xf32, #tpu.memory_space<vmem>>, vector<1x16xf32>,
    %get3A_365 = arith.constant 4 : i32
    %get3A_366 = arith.index_cast %get3A_365 : i32 to index
    %get3A_367 = arith.constant 16 : index
    %get3A_368 = tpu.vector_load %arg7[%get3A_366, %get3A_367] {strides = array<i32>} : memref<32x128xf32, #tpu.memory_space<vmem>>, vector<1x16xf32>,
    %get3A_369 = vector.shape_cast %get3A_368 : vector<1x16xf32> to vector<16xf32>
    %get3A_370 = arith.constant 4 : i32
    %get3A_371 = arith.index_cast %get3A_370 : i32 to index
    %get3A_372 = arith.constant 80 : index
    %get3A_373 = tpu.vector_load %arg7[%get3A_371, %get3A_372] {strides = array<i32>} : memref<32x128xf32, #tpu.memory_space<vmem>>, vector<1x16xf32>,
    %get3A_374 = vector.shape_cast %get3A_373 : vector<1x16xf32> to vector<16xf32>
    %select_n3A_375 = arith.select %eq3A_347, %get3A_374, %get3A_369 : vector<16xf32>
    %swap3A_376 = arith.constant 4 : i32
    %swap3A_377 = arith.index_cast %swap3A_376 : i32 to index
    %swap3A_378 = arith.constant 16 : index
    %swap3A_379 = tpu.vector_load %arg8[%swap3A_377, %swap3A_378] {strides = array<i32>} : memref<32x64xf32, #tpu.memory_space<vmem>>, vector<1x16xf32>,
    %swap3A_380 = vector.shape_cast %swap3A_379 : vector<1x16xf32> to vector<16xf32>
    %swap3A_381 = vector.shape_cast %select_n3A_375 : vector<16xf32> to vector<1x16xf32>
    tpu.vector_store %arg8[%swap3A_377, %swap3A_378], %swap3A_381 {strides = array<i32>} : memref<32x64xf32, #tpu.memory_space<vmem>>, vector<1x16xf32>,
    %get3A_382 = arith.constant 4 : i32
    %get3A_383 = arith.index_cast %get3A_382 : i32 to index
    %get3A_384 = arith.constant 32 : index
    %get3A_385 = tpu.vector_load %arg7[%get3A_383, %get3A_384] {strides = array<i32>} : memref<32x128xf32, #tpu.memory_space<vmem>>, vector<1x16xf32>,
    %get3A_386 = vector.shape_cast %get3A_385 : vector<1x16xf32> to vector<16xf32>
    %get3A_387 = arith.constant 4 : i32
    %get3A_388 = arith.index_cast %get3A_387 : i32 to index
    %get3A_389 = arith.constant 96 : index
    %get3A_390 = tpu.vector_load %arg7[%get3A_388, %get3A_389] {strides = array<i32>} : memref<32x128xf32, #tpu.memory_space<vmem>>, vector<1x16xf32>,
    %get3A_391 = vector.shape_cast %get3A_390 : vector<1x16xf32> to vector<16xf32>
    %select_n3A_392 = arith.select %eq3A_347, %get3A_391, %get3A_386 : vector<16xf32>
    %swap3A_393 = arith.constant 4 : i32
    %swap3A_394 = arith.index_cast %swap3A_393 : i32 to index
    %swap3A_395 = arith.constant 32 : index
    %swap3A_396 = tpu.vector_load %arg8[%swap3A_394, %swap3A_395] {strides = array<i32>} : memref<32x64xf32, #tpu.memory_space<vmem>>, vector<1x16xf32>,
    %swap3A_397 = vector.shape_cast %swap3A_396 : vector<1x16xf32> to vector<16xf32>
    %swap3A_398 = vector.shape_cast %select_n3A_392 : vector<16xf32> to vector<1x16xf32>
    tpu.vector_store %arg8[%swap3A_394, %swap3A_395], %swap3A_398 {strides = array<i32>} : memref<32x64xf32, #tpu.memory_space<vmem>>, vector<1x16xf32>,
    %get3A_399 = arith.constant 4 : i32
    %get3A_400 = arith.index_cast %get3A_399 : i32 to index
    %get3A_401 = arith.constant 48 : index
    %get3A_402 = tpu.vector_load %arg7[%get3A_400, %get3A_401] {strides = array<i32>} : memref<32x128xf32, #tpu.memory_space<vmem>>, vector<1x16xf32>,
    %get3A_403 = vector.shape_cast %get3A_402 : vector<1x16xf32> to vector<16xf32>
    %get3A_404 = arith.constant 4 : i32
    %get3A_405 = arith.index_cast %get3A_404 : i32 to index
    %get3A_406 = arith.constant 112 : index
    %get3A_407 = tpu.vector_load %arg7[%get3A_405, %get3A_406] {strides = array<i32>} : memref<32x128xf32, #tpu.memory_space<vmem>>, vector<1x16xf32>,
    %get3A_408 = vector.shape_cast %get3A_407 : vector<1x16xf32> to vector<16xf32>
    %select_n3A_409 = arith.select %eq3A_347, %get3A_408, %get3A_403 : vector<16xf32>
    %swap3A_410 = arith.constant 4 : i32
    %swap3A_411 = arith.index_cast %swap3A_410 : i32 to index
    %swap3A_412 = arith.constant 48 : index
    %swap3A_413 = tpu.vector_load %arg8[%swap3A_411, %swap3A_412] {strides = array<i32>} : memref<32x64xf32, #tpu.memory_space<vmem>>, vector<1x16xf32>,
    %swap3A_414 = vector.shape_cast %swap3A_413 : vector<1x16xf32> to vector<16xf32>
    %swap3A_415 = vector.shape_cast %select_n3A_409 : vector<16xf32> to vector<1x16xf32>
    tpu.vector_store %arg8[%swap3A_411, %swap3A_412], %swap3A_415 {strides = array<i32>} : memref<32x64xf32, #tpu.memory_space<vmem>>, vector<1x16xf32>,
    %slice3A_416 = vector.extract_strided_slice %get3A_59 {offsets = [5], sizes = [1], strides = [1]} : vector<16xi32> to vector<1xi32>
    %squeeze3A_417 = vector.extract %slice3A_416[0] : i32 from vector<1xi32>
    %eq3A_418 = arith.constant 1 : i32
    %eq3A_419 = arith.cmpi eq, %squeeze3A_417, %eq3A_418 : i32
    %get3A_420 = arith.constant 5 : i32
    %get3A_421 = arith.index_cast %get3A_420 : i32 to index
    %get3A_422 = arith.constant 0 : index
    %get3A_423 = tpu.vector_load %arg7[%get3A_421, %get3A_422] {strides = array<i32>} : memref<32x128xf32, #tpu.memory_space<vmem>>, vector<1x16xf32>,
    %get3A_424 = vector.shape_cast %get3A_423 : vector<1x16xf32> to vector<16xf32>
    %get3A_425 = arith.constant 5 : i32
    %get3A_426 = arith.index_cast %get3A_425 : i32 to index
    %get3A_427 = arith.constant 64 : index
    %get3A_428 = tpu.vector_load %arg7[%get3A_426, %get3A_427] {strides = array<i32>} : memref<32x128xf32, #tpu.memory_space<vmem>>, vector<1x16xf32>,
    %get3A_429 = vector.shape_cast %get3A_428 : vector<1x16xf32> to vector<16xf32>
    %select_n3A_430 = arith.select %eq3A_419, %get3A_429, %get3A_424 : vector<16xf32>
    %swap3A_431 = arith.constant 5 : i32
    %swap3A_432 = arith.index_cast %swap3A_431 : i32 to index
    %swap3A_433 = arith.constant 0 : index
    %swap3A_434 = tpu.vector_load %arg8[%swap3A_432, %swap3A_433] {strides = array<i32>} : memref<32x64xf32, #tpu.memory_space<vmem>>, vector<1x16xf32>,
    %swap3A_435 = vector.shape_cast %swap3A_434 : vector<1x16xf32> to vector<16xf32>
    %swap3A_436 = vector.shape_cast %select_n3A_430 : vector<16xf32> to vector<1x16xf32>
    tpu.vector_store %arg8[%swap3A_432, %swap3A_433], %swap3A_436 {strides = array<i32>} : memref<32x64xf32, #tpu.memory_space<vmem>>, vector<1x16xf32>,
    %get3A_437 = arith.constant 5 : i32
    %get3A_438 = arith.index_cast %get3A_437 : i32 to index
    %get3A_439 = arith.constant 16 : index
    %get3A_440 = tpu.vector_load %arg7[%get3A_438, %get3A_439] {strides = array<i32>} : memref<32x128xf32, #tpu.memory_space<vmem>>, vector<1x16xf32>,
    %get3A_441 = vector.shape_cast %get3A_440 : vector<1x16xf32> to vector<16xf32>
    %get3A_442 = arith.constant 5 : i32
    %get3A_443 = arith.index_cast %get3A_442 : i32 to index
    %get3A_444 = arith.constant 80 : index
    %get3A_445 = tpu.vector_load %arg7[%get3A_443, %get3A_444] {strides = array<i32>} : memref<32x128xf32, #tpu.memory_space<vmem>>, vector<1x16xf32>,
    %get3A_446 = vector.shape_cast %get3A_445 : vector<1x16xf32> to vector<16xf32>
    %select_n3A_447 = arith.select %eq3A_419, %get3A_446, %get3A_441 : vector<16xf32>
    %swap3A_448 = arith.constant 5 : i32
    %swap3A_449 = arith.index_cast %swap3A_448 : i32 to index
    %swap3A_450 = arith.constant 16 : index
    %swap3A_451 = tpu.vector_load %arg8[%swap3A_449, %swap3A_450] {strides = array<i32>} : memref<32x64xf32, #tpu.memory_space<vmem>>, vector<1x16xf32>,
    %swap3A_452 = vector.shape_cast %swap3A_451 : vector<1x16xf32> to vector<16xf32>
    %swap3A_453 = vector.shape_cast %select_n3A_447 : vector<16xf32> to vector<1x16xf32>
    tpu.vector_store %arg8[%swap3A_449, %swap3A_450], %swap3A_453 {strides = array<i32>} : memref<32x64xf32, #tpu.memory_space<vmem>>, vector<1x16xf32>,
    %get3A_454 = arith.constant 5 : i32
    %get3A_455 = arith.index_cast %get3A_454 : i32 to index
    %get3A_456 = arith.constant 32 : index
    %get3A_457 = tpu.vector_load %arg7[%get3A_455, %get3A_456] {strides = array<i32>} : memref<32x128xf32, #tpu.memory_space<vmem>>, vector<1x16xf32>,
    %get3A_458 = vector.shape_cast %get3A_457 : vector<1x16xf32> to vector<16xf32>
    %get3A_459 = arith.constant 5 : i32
    %get3A_460 = arith.index_cast %get3A_459 : i32 to index
    %get3A_461 = arith.constant 96 : index
    %get3A_462 = tpu.vector_load %arg7[%get3A_460, %get3A_461] {strides = array<i32>} : memref<32x128xf32, #tpu.memory_space<vmem>>, vector<1x16xf32>,
    %get3A_463 = vector.shape_cast %get3A_462 : vector<1x16xf32> to vector<16xf32>
    %select_n3A_464 = arith.select %eq3A_419, %get3A_463, %get3A_458 : vector<16xf32>
    %swap3A_465 = arith.constant 5 : i32
    %swap3A_466 = arith.index_cast %swap3A_465 : i32 to index
    %swap3A_467 = arith.constant 32 : index
    %swap3A_468 = tpu.vector_load %arg8[%swap3A_466, %swap3A_467] {strides = array<i32>} : memref<32x64xf32, #tpu.memory_space<vmem>>, vector<1x16xf32>,
    %swap3A_469 = vector.shape_cast %swap3A_468 : vector<1x16xf32> to vector<16xf32>
    %swap3A_470 = vector.shape_cast %select_n3A_464 : vector<16xf32> to vector<1x16xf32>
    tpu.vector_store %arg8[%swap3A_466, %swap3A_467], %swap3A_470 {strides = array<i32>} : memref<32x64xf32, #tpu.memory_space<vmem>>, vector<1x16xf32>,
    %get3A_471 = arith.constant 5 : i32
    %get3A_472 = arith.index_cast %get3A_471 : i32 to index
    %get3A_473 = arith.constant 48 : index
    %get3A_474 = tpu.vector_load %arg7[%get3A_472, %get3A_473] {strides = array<i32>} : memref<32x128xf32, #tpu.memory_space<vmem>>, vector<1x16xf32>,
    %get3A_475 = vector.shape_cast %get3A_474 : vector<1x16xf32> to vector<16xf32>
    %get3A_476 = arith.constant 5 : i32
    %get3A_477 = arith.index_cast %get3A_476 : i32 to index
    %get3A_478 = arith.constant 112 : index
    %get3A_479 = tpu.vector_load %arg7[%get3A_477, %get3A_478] {strides = array<i32>} : memref<32x128xf32, #tpu.memory_space<vmem>>, vector<1x16xf32>,
    %get3A_480 = vector.shape_cast %get3A_479 : vector<1x16xf32> to vector<16xf32>
    %select_n3A_481 = arith.select %eq3A_419, %get3A_480, %get3A_475 : vector<16xf32>
    %swap3A_482 = arith.constant 5 : i32
    %swap3A_483 = arith.index_cast %swap3A_482 : i32 to index
    %swap3A_484 = arith.constant 48 : index
    %swap3A_485 = tpu.vector_load %arg8[%swap3A_483, %swap3A_484] {strides = array<i32>} : memref<32x64xf32, #tpu.memory_space<vmem>>, vector<1x16xf32>,
    %swap3A_486 = vector.shape_cast %swap3A_485 : vector<1x16xf32> to vector<16xf32>
    %swap3A_487 = vector.shape_cast %select_n3A_481 : vector<16xf32> to vector<1x16xf32>
    tpu.vector_store %arg8[%swap3A_483, %swap3A_484], %swap3A_487 {strides = array<i32>} : memref<32x64xf32, #tpu.memory_space<vmem>>, vector<1x16xf32>,
    %slice3A_488 = vector.extract_strided_slice %get3A_59 {offsets = [6], sizes = [1], strides = [1]} : vector<16xi32> to vector<1xi32>
    %squeeze3A_489 = vector.extract %slice3A_488[0] : i32 from vector<1xi32>
    %eq3A_490 = arith.constant 1 : i32
    %eq3A_491 = arith.cmpi eq, %squeeze3A_489, %eq3A_490 : i32
    %get3A_492 = arith.constant 6 : i32
    %get3A_493 = arith.index_cast %get3A_492 : i32 to index
    %get3A_494 = arith.constant 0 : index
    %get3A_495 = tpu.vector_load %arg7[%get3A_493, %get3A_494] {strides = array<i32>} : memref<32x128xf32, #tpu.memory_space<vmem>>, vector<1x16xf32>,
    %get3A_496 = vector.shape_cast %get3A_495 : vector<1x16xf32> to vector<16xf32>
    %get3A_497 = arith.constant 6 : i32
    %get3A_498 = arith.index_cast %get3A_497 : i32 to index
    %get3A_499 = arith.constant 64 : index
    %get3A_500 = tpu.vector_load %arg7[%get3A_498, %get3A_499] {strides = array<i32>} : memref<32x128xf32, #tpu.memory_space<vmem>>, vector<1x16xf32>,
    %get3A_501 = vector.shape_cast %get3A_500 : vector<1x16xf32> to vector<16xf32>
    %select_n3A_502 = arith.select %eq3A_491, %get3A_501, %get3A_496 : vector<16xf32>
    %swap3A_503 = arith.constant 6 : i32
    %swap3A_504 = arith.index_cast %swap3A_503 : i32 to index
    %swap3A_505 = arith.constant 0 : index
    %swap3A_506 = tpu.vector_load %arg8[%swap3A_504, %swap3A_505] {strides = array<i32>} : memref<32x64xf32, #tpu.memory_space<vmem>>, vector<1x16xf32>,
    %swap3A_507 = vector.shape_cast %swap3A_506 : vector<1x16xf32> to vector<16xf32>
    %swap3A_508 = vector.shape_cast %select_n3A_502 : vector<16xf32> to vector<1x16xf32>
    tpu.vector_store %arg8[%swap3A_504, %swap3A_505], %swap3A_508 {strides = array<i32>} : memref<32x64xf32, #tpu.memory_space<vmem>>, vector<1x16xf32>,
    %get3A_509 = arith.constant 6 : i32
    %get3A_510 = arith.index_cast %get3A_509 : i32 to index
    %get3A_511 = arith.constant 16 : index
    %get3A_512 = tpu.vector_load %arg7[%get3A_510, %get3A_511] {strides = array<i32>} : memref<32x128xf32, #tpu.memory_space<vmem>>, vector<1x16xf32>,
    %get3A_513 = vector.shape_cast %get3A_512 : vector<1x16xf32> to vector<16xf32>
    %get3A_514 = arith.constant 6 : i32
    %get3A_515 = arith.index_cast %get3A_514 : i32 to index
    %get3A_516 = arith.constant 80 : index
    %get3A_517 = tpu.vector_load %arg7[%get3A_515, %get3A_516] {strides = array<i32>} : memref<32x128xf32, #tpu.memory_space<vmem>>, vector<1x16xf32>,
    %get3A_518 = vector.shape_cast %get3A_517 : vector<1x16xf32> to vector<16xf32>
    %select_n3A_519 = arith.select %eq3A_491, %get3A_518, %get3A_513 : vector<16xf32>
    %swap3A_520 = arith.constant 6 : i32
    %swap3A_521 = arith.index_cast %swap3A_520 : i32 to index
    %swap3A_522 = arith.constant 16 : index
    %swap3A_523 = tpu.vector_load %arg8[%swap3A_521, %swap3A_522] {strides = array<i32>} : memref<32x64xf32, #tpu.memory_space<vmem>>, vector<1x16xf32>,
    %swap3A_524 = vector.shape_cast %swap3A_523 : vector<1x16xf32> to vector<16xf32>
    %swap3A_525 = vector.shape_cast %select_n3A_519 : vector<16xf32> to vector<1x16xf32>
    tpu.vector_store %arg8[%swap3A_521, %swap3A_522], %swap3A_525 {strides = array<i32>} : memref<32x64xf32, #tpu.memory_space<vmem>>, vector<1x16xf32>,
    %get3A_526 = arith.constant 6 : i32
    %get3A_527 = arith.index_cast %get3A_526 : i32 to index
    %get3A_528 = arith.constant 32 : index
    %get3A_529 = tpu.vector_load %arg7[%get3A_527, %get3A_528] {strides = array<i32>} : memref<32x128xf32, #tpu.memory_space<vmem>>, vector<1x16xf32>,
    %get3A_530 = vector.shape_cast %get3A_529 : vector<1x16xf32> to vector<16xf32>
    %get3A_531 = arith.constant 6 : i32
    %get3A_532 = arith.index_cast %get3A_531 : i32 to index
    %get3A_533 = arith.constant 96 : index
    %get3A_534 = tpu.vector_load %arg7[%get3A_532, %get3A_533] {strides = array<i32>} : memref<32x128xf32, #tpu.memory_space<vmem>>, vector<1x16xf32>,
    %get3A_535 = vector.shape_cast %get3A_534 : vector<1x16xf32> to vector<16xf32>
    %select_n3A_536 = arith.select %eq3A_491, %get3A_535, %get3A_530 : vector<16xf32>
    %swap3A_537 = arith.constant 6 : i32
    %swap3A_538 = arith.index_cast %swap3A_537 : i32 to index
    %swap3A_539 = arith.constant 32 : index
    %swap3A_540 = tpu.vector_load %arg8[%swap3A_538, %swap3A_539] {strides = array<i32>} : memref<32x64xf32, #tpu.memory_space<vmem>>, vector<1x16xf32>,
    %swap3A_541 = vector.shape_cast %swap3A_540 : vector<1x16xf32> to vector<16xf32>
    %swap3A_542 = vector.shape_cast %select_n3A_536 : vector<16xf32> to vector<1x16xf32>
    tpu.vector_store %arg8[%swap3A_538, %swap3A_539], %swap3A_542 {strides = array<i32>} : memref<32x64xf32, #tpu.memory_space<vmem>>, vector<1x16xf32>,
    %get3A_543 = arith.constant 6 : i32
    %get3A_544 = arith.index_cast %get3A_543 : i32 to index
    %get3A_545 = arith.constant 48 : index
    %get3A_546 = tpu.vector_load %arg7[%get3A_544, %get3A_545] {strides = array<i32>} : memref<32x128xf32, #tpu.memory_space<vmem>>, vector<1x16xf32>,
    %get3A_547 = vector.shape_cast %get3A_546 : vector<1x16xf32> to vector<16xf32>
    %get3A_548 = arith.constant 6 : i32
    %get3A_549 = arith.index_cast %get3A_548 : i32 to index
    %get3A_550 = arith.constant 112 : index
    %get3A_551 = tpu.vector_load %arg7[%get3A_549, %get3A_550] {strides = array<i32>} : memref<32x128xf32, #tpu.memory_space<vmem>>, vector<1x16xf32>,
    %get3A_552 = vector.shape_cast %get3A_551 : vector<1x16xf32> to vector<16xf32>
    %select_n3A_553 = arith.select %eq3A_491, %get3A_552, %get3A_547 : vector<16xf32>
    %swap3A_554 = arith.constant 6 : i32
    %swap3A_555 = arith.index_cast %swap3A_554 : i32 to index
    %swap3A_556 = arith.constant 48 : index
    %swap3A_557 = tpu.vector_load %arg8[%swap3A_555, %swap3A_556] {strides = array<i32>} : memref<32x64xf32, #tpu.memory_space<vmem>>, vector<1x16xf32>,
    %swap3A_558 = vector.shape_cast %swap3A_557 : vector<1x16xf32> to vector<16xf32>
    %swap3A_559 = vector.shape_cast %select_n3A_553 : vector<16xf32> to vector<1x16xf32>
    tpu.vector_store %arg8[%swap3A_555, %swap3A_556], %swap3A_559 {strides = array<i32>} : memref<32x64xf32, #tpu.memory_space<vmem>>, vector<1x16xf32>,
    %slice3A_560 = vector.extract_strided_slice %get3A_59 {offsets = [7], sizes = [1], strides = [1]} : vector<16xi32> to vector<1xi32>
    %squeeze3A_561 = vector.extract %slice3A_560[0] : i32 from vector<1xi32>
    %eq3A_562 = arith.constant 1 : i32
    %eq3A_563 = arith.cmpi eq, %squeeze3A_561, %eq3A_562 : i32
    %get3A_564 = arith.constant 7 : i32
    %get3A_565 = arith.index_cast %get3A_564 : i32 to index
    %get3A_566 = arith.constant 0 : index
    %get3A_567 = tpu.vector_load %arg7[%get3A_565, %get3A_566] {strides = array<i32>} : memref<32x128xf32, #tpu.memory_space<vmem>>, vector<1x16xf32>,
    %get3A_568 = vector.shape_cast %get3A_567 : vector<1x16xf32> to vector<16xf32>
    %get3A_569 = arith.constant 7 : i32
    %get3A_570 = arith.index_cast %get3A_569 : i32 to index
    %get3A_571 = arith.constant 64 : index
    %get3A_572 = tpu.vector_load %arg7[%get3A_570, %get3A_571] {strides = array<i32>} : memref<32x128xf32, #tpu.memory_space<vmem>>, vector<1x16xf32>,
    %get3A_573 = vector.shape_cast %get3A_572 : vector<1x16xf32> to vector<16xf32>
    %select_n3A_574 = arith.select %eq3A_563, %get3A_573, %get3A_568 : vector<16xf32>
    %swap3A_575 = arith.constant 7 : i32
    %swap3A_576 = arith.index_cast %swap3A_575 : i32 to index
    %swap3A_577 = arith.constant 0 : index
    %swap3A_578 = tpu.vector_load %arg8[%swap3A_576, %swap3A_577] {strides = array<i32>} : memref<32x64xf32, #tpu.memory_space<vmem>>, vector<1x16xf32>,
    %swap3A_579 = vector.shape_cast %swap3A_578 : vector<1x16xf32> to vector<16xf32>
    %swap3A_580 = vector.shape_cast %select_n3A_574 : vector<16xf32> to vector<1x16xf32>
    tpu.vector_store %arg8[%swap3A_576, %swap3A_577], %swap3A_580 {strides = array<i32>} : memref<32x64xf32, #tpu.memory_space<vmem>>, vector<1x16xf32>,
    %get3A_581 = arith.constant 7 : i32
    %get3A_582 = arith.index_cast %get3A_581 : i32 to index
    %get3A_583 = arith.constant 16 : index
    %get3A_584 = tpu.vector_load %arg7[%get3A_582, %get3A_583] {strides = array<i32>} : memref<32x128xf32, #tpu.memory_space<vmem>>, vector<1x16xf32>,
    %get3A_585 = vector.shape_cast %get3A_584 : vector<1x16xf32> to vector<16xf32>
    %get3A_586 = arith.constant 7 : i32
    %get3A_587 = arith.index_cast %get3A_586 : i32 to index
    %get3A_588 = arith.constant 80 : index
    %get3A_589 = tpu.vector_load %arg7[%get3A_587, %get3A_588] {strides = array<i32>} : memref<32x128xf32, #tpu.memory_space<vmem>>, vector<1x16xf32>,
    %get3A_590 = vector.shape_cast %get3A_589 : vector<1x16xf32> to vector<16xf32>
    %select_n3A_591 = arith.select %eq3A_563, %get3A_590, %get3A_585 : vector<16xf32>
    %swap3A_592 = arith.constant 7 : i32
    %swap3A_593 = arith.index_cast %swap3A_592 : i32 to index
    %swap3A_594 = arith.constant 16 : index
    %swap3A_595 = tpu.vector_load %arg8[%swap3A_593, %swap3A_594] {strides = array<i32>} : memref<32x64xf32, #tpu.memory_space<vmem>>, vector<1x16xf32>,
    %swap3A_596 = vector.shape_cast %swap3A_595 : vector<1x16xf32> to vector<16xf32>
    %swap3A_597 = vector.shape_cast %select_n3A_591 : vector<16xf32> to vector<1x16xf32>
    tpu.vector_store %arg8[%swap3A_593, %swap3A_594], %swap3A_597 {strides = array<i32>} : memref<32x64xf32, #tpu.memory_space<vmem>>, vector<1x16xf32>,
    %get3A_598 = arith.constant 7 : i32
    %get3A_599 = arith.index_cast %get3A_598 : i32 to index
    %get3A_600 = arith.constant 32 : index
    %get3A_601 = tpu.vector_load %arg7[%get3A_599, %get3A_600] {strides = array<i32>} : memref<32x128xf32, #tpu.memory_space<vmem>>, vector<1x16xf32>,
    %get3A_602 = vector.shape_cast %get3A_601 : vector<1x16xf32> to vector<16xf32>
    %get3A_603 = arith.constant 7 : i32
    %get3A_604 = arith.index_cast %get3A_603 : i32 to index
    %get3A_605 = arith.constant 96 : index
    %get3A_606 = tpu.vector_load %arg7[%get3A_604, %get3A_605] {strides = array<i32>} : memref<32x128xf32, #tpu.memory_space<vmem>>, vector<1x16xf32>,
    %get3A_607 = vector.shape_cast %get3A_606 : vector<1x16xf32> to vector<16xf32>
    %select_n3A_608 = arith.select %eq3A_563, %get3A_607, %get3A_602 : vector<16xf32>
    %swap3A_609 = arith.constant 7 : i32
    %swap3A_610 = arith.index_cast %swap3A_609 : i32 to index
    %swap3A_611 = arith.constant 32 : index
    %swap3A_612 = tpu.vector_load %arg8[%swap3A_610, %swap3A_611] {strides = array<i32>} : memref<32x64xf32, #tpu.memory_space<vmem>>, vector<1x16xf32>,
    %swap3A_613 = vector.shape_cast %swap3A_612 : vector<1x16xf32> to vector<16xf32>
    %swap3A_614 = vector.shape_cast %select_n3A_608 : vector<16xf32> to vector<1x16xf32>
    tpu.vector_store %arg8[%swap3A_610, %swap3A_611], %swap3A_614 {strides = array<i32>} : memref<32x64xf32, #tpu.memory_space<vmem>>, vector<1x16xf32>,
    %get3A_615 = arith.constant 7 : i32
    %get3A_616 = arith.index_cast %get3A_615 : i32 to index
    %get3A_617 = arith.constant 48 : index
    %get3A_618 = tpu.vector_load %arg7[%get3A_616, %get3A_617] {strides = array<i32>} : memref<32x128xf32, #tpu.memory_space<vmem>>, vector<1x16xf32>,
    %get3A_619 = vector.shape_cast %get3A_618 : vector<1x16xf32> to vector<16xf32>
    %get3A_620 = arith.constant 7 : i32
    %get3A_621 = arith.index_cast %get3A_620 : i32 to index
    %get3A_622 = arith.constant 112 : index
    %get3A_623 = tpu.vector_load %arg7[%get3A_621, %get3A_622] {strides = array<i32>} : memref<32x128xf32, #tpu.memory_space<vmem>>, vector<1x16xf32>,
    %get3A_624 = vector.shape_cast %get3A_623 : vector<1x16xf32> to vector<16xf32>
    %select_n3A_625 = arith.select %eq3A_563, %get3A_624, %get3A_619 : vector<16xf32>
    %swap3A_626 = arith.constant 7 : i32
    %swap3A_627 = arith.index_cast %swap3A_626 : i32 to index
    %swap3A_628 = arith.constant 48 : index
    %swap3A_629 = tpu.vector_load %arg8[%swap3A_627, %swap3A_628] {strides = array<i32>} : memref<32x64xf32, #tpu.memory_space<vmem>>, vector<1x16xf32>,
    %swap3A_630 = vector.shape_cast %swap3A_629 : vector<1x16xf32> to vector<16xf32>
    %swap3A_631 = vector.shape_cast %select_n3A_625 : vector<16xf32> to vector<1x16xf32>
    tpu.vector_store %arg8[%swap3A_627, %swap3A_628], %swap3A_631 {strides = array<i32>} : memref<32x64xf32, #tpu.memory_space<vmem>>, vector<1x16xf32>,
    %slice3A_632 = vector.extract_strided_slice %get3A_59 {offsets = [8], sizes = [1], strides = [1]} : vector<16xi32> to vector<1xi32>
    %squeeze3A_633 = vector.extract %slice3A_632[0] : i32 from vector<1xi32>
    %eq3A_634 = arith.constant 1 : i32
    %eq3A_635 = arith.cmpi eq, %squeeze3A_633, %eq3A_634 : i32
    %get3A_636 = arith.constant 8 : i32
    %get3A_637 = arith.index_cast %get3A_636 : i32 to index
    %get3A_638 = arith.constant 0 : index
    %get3A_639 = tpu.vector_load %arg7[%get3A_637, %get3A_638] {strides = array<i32>} : memref<32x128xf32, #tpu.memory_space<vmem>>, vector<1x16xf32>,
    %get3A_640 = vector.shape_cast %get3A_639 : vector<1x16xf32> to vector<16xf32>
    %get3A_641 = arith.constant 8 : i32
    %get3A_642 = arith.index_cast %get3A_641 : i32 to index
    %get3A_643 = arith.constant 64 : index
    %get3A_644 = tpu.vector_load %arg7[%get3A_642, %get3A_643] {strides = array<i32>} : memref<32x128xf32, #tpu.memory_space<vmem>>, vector<1x16xf32>,
    %get3A_645 = vector.shape_cast %get3A_644 : vector<1x16xf32> to vector<16xf32>
    %select_n3A_646 = arith.select %eq3A_635, %get3A_645, %get3A_640 : vector<16xf32>
    %swap3A_647 = arith.constant 8 : i32
    %swap3A_648 = arith.index_cast %swap3A_647 : i32 to index
    %swap3A_649 = arith.constant 0 : index
    %swap3A_650 = tpu.vector_load %arg8[%swap3A_648, %swap3A_649] {strides = array<i32>} : memref<32x64xf32, #tpu.memory_space<vmem>>, vector<1x16xf32>,
    %swap3A_651 = vector.shape_cast %swap3A_650 : vector<1x16xf32> to vector<16xf32>
    %swap3A_652 = vector.shape_cast %select_n3A_646 : vector<16xf32> to vector<1x16xf32>
    tpu.vector_store %arg8[%swap3A_648, %swap3A_649], %swap3A_652 {strides = array<i32>} : memref<32x64xf32, #tpu.memory_space<vmem>>, vector<1x16xf32>,
    %get3A_653 = arith.constant 8 : i32
    %get3A_654 = arith.index_cast %get3A_653 : i32 to index
    %get3A_655 = arith.constant 16 : index
    %get3A_656 = tpu.vector_load %arg7[%get3A_654, %get3A_655] {strides = array<i32>} : memref<32x128xf32, #tpu.memory_space<vmem>>, vector<1x16xf32>,
    %get3A_657 = vector.shape_cast %get3A_656 : vector<1x16xf32> to vector<16xf32>
    %get3A_658 = arith.constant 8 : i32
    %get3A_659 = arith.index_cast %get3A_658 : i32 to index
    %get3A_660 = arith.constant 80 : index
    %get3A_661 = tpu.vector_load %arg7[%get3A_659, %get3A_660] {strides = array<i32>} : memref<32x128xf32, #tpu.memory_space<vmem>>, vector<1x16xf32>,
    %get3A_662 = vector.shape_cast %get3A_661 : vector<1x16xf32> to vector<16xf32>
    %select_n3A_663 = arith.select %eq3A_635, %get3A_662, %get3A_657 : vector<16xf32>
    %swap3A_664 = arith.constant 8 : i32
    %swap3A_665 = arith.index_cast %swap3A_664 : i32 to index
    %swap3A_666 = arith.constant 16 : index
    %swap3A_667 = tpu.vector_load %arg8[%swap3A_665, %swap3A_666] {strides = array<i32>} : memref<32x64xf32, #tpu.memory_space<vmem>>, vector<1x16xf32>,
    %swap3A_668 = vector.shape_cast %swap3A_667 : vector<1x16xf32> to vector<16xf32>
    %swap3A_669 = vector.shape_cast %select_n3A_663 : vector<16xf32> to vector<1x16xf32>
    tpu.vector_store %arg8[%swap3A_665, %swap3A_666], %swap3A_669 {strides = array<i32>} : memref<32x64xf32, #tpu.memory_space<vmem>>, vector<1x16xf32>,
    %get3A_670 = arith.constant 8 : i32
    %get3A_671 = arith.index_cast %get3A_670 : i32 to index
    %get3A_672 = arith.constant 32 : index
    %get3A_673 = tpu.vector_load %arg7[%get3A_671, %get3A_672] {strides = array<i32>} : memref<32x128xf32, #tpu.memory_space<vmem>>, vector<1x16xf32>,
    %get3A_674 = vector.shape_cast %get3A_673 : vector<1x16xf32> to vector<16xf32>
    %get3A_675 = arith.constant 8 : i32
    %get3A_676 = arith.index_cast %get3A_675 : i32 to index
    %get3A_677 = arith.constant 96 : index
    %get3A_678 = tpu.vector_load %arg7[%get3A_676, %get3A_677] {strides = array<i32>} : memref<32x128xf32, #tpu.memory_space<vmem>>, vector<1x16xf32>,
    %get3A_679 = vector.shape_cast %get3A_678 : vector<1x16xf32> to vector<16xf32>
    %select_n3A_680 = arith.select %eq3A_635, %get3A_679, %get3A_674 : vector<16xf32>
    %swap3A_681 = arith.constant 8 : i32
    %swap3A_682 = arith.index_cast %swap3A_681 : i32 to index
    %swap3A_683 = arith.constant 32 : index
    %swap3A_684 = tpu.vector_load %arg8[%swap3A_682, %swap3A_683] {strides = array<i32>} : memref<32x64xf32, #tpu.memory_space<vmem>>, vector<1x16xf32>,
    %swap3A_685 = vector.shape_cast %swap3A_684 : vector<1x16xf32> to vector<16xf32>
    %swap3A_686 = vector.shape_cast %select_n3A_680 : vector<16xf32> to vector<1x16xf32>
    tpu.vector_store %arg8[%swap3A_682, %swap3A_683], %swap3A_686 {strides = array<i32>} : memref<32x64xf32, #tpu.memory_space<vmem>>, vector<1x16xf32>,
    %get3A_687 = arith.constant 8 : i32
    %get3A_688 = arith.index_cast %get3A_687 : i32 to index
    %get3A_689 = arith.constant 48 : index
    %get3A_690 = tpu.vector_load %arg7[%get3A_688, %get3A_689] {strides = array<i32>} : memref<32x128xf32, #tpu.memory_space<vmem>>, vector<1x16xf32>,
    %get3A_691 = vector.shape_cast %get3A_690 : vector<1x16xf32> to vector<16xf32>
    %get3A_692 = arith.constant 8 : i32
    %get3A_693 = arith.index_cast %get3A_692 : i32 to index
    %get3A_694 = arith.constant 112 : index
    %get3A_695 = tpu.vector_load %arg7[%get3A_693, %get3A_694] {strides = array<i32>} : memref<32x128xf32, #tpu.memory_space<vmem>>, vector<1x16xf32>,
    %get3A_696 = vector.shape_cast %get3A_695 : vector<1x16xf32> to vector<16xf32>
    %select_n3A_697 = arith.select %eq3A_635, %get3A_696, %get3A_691 : vector<16xf32>
    %swap3A_698 = arith.constant 8 : i32
    %swap3A_699 = arith.index_cast %swap3A_698 : i32 to index
    %swap3A_700 = arith.constant 48 : index
    %swap3A_701 = tpu.vector_load %arg8[%swap3A_699, %swap3A_700] {strides = array<i32>} : memref<32x64xf32, #tpu.memory_space<vmem>>, vector<1x16xf32>,
    %swap3A_702 = vector.shape_cast %swap3A_701 : vector<1x16xf32> to vector<16xf32>
    %swap3A_703 = vector.shape_cast %select_n3A_697 : vector<16xf32> to vector<1x16xf32>
    tpu.vector_store %arg8[%swap3A_699, %swap3A_700], %swap3A_703 {strides = array<i32>} : memref<32x64xf32, #tpu.memory_space<vmem>>, vector<1x16xf32>,
    %slice3A_704 = vector.extract_strided_slice %get3A_59 {offsets = [9], sizes = [1], strides = [1]} : vector<16xi32> to vector<1xi32>
    %squeeze3A_705 = vector.extract %slice3A_704[0] : i32 from vector<1xi32>
    %eq3A_706 = arith.constant 1 : i32
    %eq3A_707 = arith.cmpi eq, %squeeze3A_705, %eq3A_706 : i32
    %get3A_708 = arith.constant 9 : i32
    %get3A_709 = arith.index_cast %get3A_708 : i32 to index
    %get3A_710 = arith.constant 0 : index
    %get3A_711 = tpu.vector_load %arg7[%get3A_709, %get3A_710] {strides = array<i32>} : memref<32x128xf32, #tpu.memory_space<vmem>>, vector<1x16xf32>,
    %get3A_712 = vector.shape_cast %get3A_711 : vector<1x16xf32> to vector<16xf32>
    %get3A_713 = arith.constant 9 : i32
    %get3A_714 = arith.index_cast %get3A_713 : i32 to index
    %get3A_715 = arith.constant 64 : index
    %get3A_716 = tpu.vector_load %arg7[%get3A_714, %get3A_715] {strides = array<i32>} : memref<32x128xf32, #tpu.memory_space<vmem>>, vector<1x16xf32>,
    %get3A_717 = vector.shape_cast %get3A_716 : vector<1x16xf32> to vector<16xf32>
    %select_n3A_718 = arith.select %eq3A_707, %get3A_717, %get3A_712 : vector<16xf32>
    %swap3A_719 = arith.constant 9 : i32
    %swap3A_720 = arith.index_cast %swap3A_719 : i32 to index
    %swap3A_721 = arith.constant 0 : index
    %swap3A_722 = tpu.vector_load %arg8[%swap3A_720, %swap3A_721] {strides = array<i32>} : memref<32x64xf32, #tpu.memory_space<vmem>>, vector<1x16xf32>,
    %swap3A_723 = vector.shape_cast %swap3A_722 : vector<1x16xf32> to vector<16xf32>
    %swap3A_724 = vector.shape_cast %select_n3A_718 : vector<16xf32> to vector<1x16xf32>
    tpu.vector_store %arg8[%swap3A_720, %swap3A_721], %swap3A_724 {strides = array<i32>} : memref<32x64xf32, #tpu.memory_space<vmem>>, vector<1x16xf32>,
    %get3A_725 = arith.constant 9 : i32
    %get3A_726 = arith.index_cast %get3A_725 : i32 to index
    %get3A_727 = arith.constant 16 : index
    %get3A_728 = tpu.vector_load %arg7[%get3A_726, %get3A_727] {strides = array<i32>} : memref<32x128xf32, #tpu.memory_space<vmem>>, vector<1x16xf32>,
    %get3A_729 = vector.shape_cast %get3A_728 : vector<1x16xf32> to vector<16xf32>
    %get3A_730 = arith.constant 9 : i32
    %get3A_731 = arith.index_cast %get3A_730 : i32 to index
    %get3A_732 = arith.constant 80 : index
    %get3A_733 = tpu.vector_load %arg7[%get3A_731, %get3A_732] {strides = array<i32>} : memref<32x128xf32, #tpu.memory_space<vmem>>, vector<1x16xf32>,
    %get3A_734 = vector.shape_cast %get3A_733 : vector<1x16xf32> to vector<16xf32>
    %select_n3A_735 = arith.select %eq3A_707, %get3A_734, %get3A_729 : vector<16xf32>
    %swap3A_736 = arith.constant 9 : i32
    %swap3A_737 = arith.index_cast %swap3A_736 : i32 to index
    %swap3A_738 = arith.constant 16 : index
    %swap3A_739 = tpu.vector_load %arg8[%swap3A_737, %swap3A_738] {strides = array<i32>} : memref<32x64xf32, #tpu.memory_space<vmem>>, vector<1x16xf32>,
    %swap3A_740 = vector.shape_cast %swap3A_739 : vector<1x16xf32> to vector<16xf32>
    %swap3A_741 = vector.shape_cast %select_n3A_735 : vector<16xf32> to vector<1x16xf32>
    tpu.vector_store %arg8[%swap3A_737, %swap3A_738], %swap3A_741 {strides = array<i32>} : memref<32x64xf32, #tpu.memory_space<vmem>>, vector<1x16xf32>,
    %get3A_742 = arith.constant 9 : i32
    %get3A_743 = arith.index_cast %get3A_742 : i32 to index
    %get3A_744 = arith.constant 32 : index
    %get3A_745 = tpu.vector_load %arg7[%get3A_743, %get3A_744] {strides = array<i32>} : memref<32x128xf32, #tpu.memory_space<vmem>>, vector<1x16xf32>,
    %get3A_746 = vector.shape_cast %get3A_745 : vector<1x16xf32> to vector<16xf32>
    %get3A_747 = arith.constant 9 : i32
    %get3A_748 = arith.index_cast %get3A_747 : i32 to index
    %get3A_749 = arith.constant 96 : index
    %get3A_750 = tpu.vector_load %arg7[%get3A_748, %get3A_749] {strides = array<i32>} : memref<32x128xf32, #tpu.memory_space<vmem>>, vector<1x16xf32>,
    %get3A_751 = vector.shape_cast %get3A_750 : vector<1x16xf32> to vector<16xf32>
    %select_n3A_752 = arith.select %eq3A_707, %get3A_751, %get3A_746 : vector<16xf32>
    %swap3A_753 = arith.constant 9 : i32
    %swap3A_754 = arith.index_cast %swap3A_753 : i32 to index
    %swap3A_755 = arith.constant 32 : index
    %swap3A_756 = tpu.vector_load %arg8[%swap3A_754, %swap3A_755] {strides = array<i32>} : memref<32x64xf32, #tpu.memory_space<vmem>>, vector<1x16xf32>,
    %swap3A_757 = vector.shape_cast %swap3A_756 : vector<1x16xf32> to vector<16xf32>
    %swap3A_758 = vector.shape_cast %select_n3A_752 : vector<16xf32> to vector<1x16xf32>
    tpu.vector_store %arg8[%swap3A_754, %swap3A_755], %swap3A_758 {strides = array<i32>} : memref<32x64xf32, #tpu.memory_space<vmem>>, vector<1x16xf32>,
    %get3A_759 = arith.constant 9 : i32
    %get3A_760 = arith.index_cast %get3A_759 : i32 to index
    %get3A_761 = arith.constant 48 : index
    %get3A_762 = tpu.vector_load %arg7[%get3A_760, %get3A_761] {strides = array<i32>} : memref<32x128xf32, #tpu.memory_space<vmem>>, vector<1x16xf32>,
    %get3A_763 = vector.shape_cast %get3A_762 : vector<1x16xf32> to vector<16xf32>
    %get3A_764 = arith.constant 9 : i32
    %get3A_765 = arith.index_cast %get3A_764 : i32 to index
    %get3A_766 = arith.constant 112 : index
    %get3A_767 = tpu.vector_load %arg7[%get3A_765, %get3A_766] {strides = array<i32>} : memref<32x128xf32, #tpu.memory_space<vmem>>, vector<1x16xf32>,
    %get3A_768 = vector.shape_cast %get3A_767 : vector<1x16xf32> to vector<16xf32>
    %select_n3A_769 = arith.select %eq3A_707, %get3A_768, %get3A_763 : vector<16xf32>
    %swap3A_770 = arith.constant 9 : i32
    %swap3A_771 = arith.index_cast %swap3A_770 : i32 to index
    %swap3A_772 = arith.constant 48 : index
    %swap3A_773 = tpu.vector_load %arg8[%swap3A_771, %swap3A_772] {strides = array<i32>} : memref<32x64xf32, #tpu.memory_space<vmem>>, vector<1x16xf32>,
    %swap3A_774 = vector.shape_cast %swap3A_773 : vector<1x16xf32> to vector<16xf32>
    %swap3A_775 = vector.shape_cast %select_n3A_769 : vector<16xf32> to vector<1x16xf32>
    tpu.vector_store %arg8[%swap3A_771, %swap3A_772], %swap3A_775 {strides = array<i32>} : memref<32x64xf32, #tpu.memory_space<vmem>>, vector<1x16xf32>,
    %slice3A_776 = vector.extract_strided_slice %get3A_59 {offsets = [10], sizes = [1], strides = [1]} : vector<16xi32> to vector<1xi32>
    %squeeze3A_777 = vector.extract %slice3A_776[0] : i32 from vector<1xi32>
    %eq3A_778 = arith.constant 1 : i32
    %eq3A_779 = arith.cmpi eq, %squeeze3A_777, %eq3A_778 : i32
    %get3A_780 = arith.constant 10 : i32
    %get3A_781 = arith.index_cast %get3A_780 : i32 to index
    %get3A_782 = arith.constant 0 : index
    %get3A_783 = tpu.vector_load %arg7[%get3A_781, %get3A_782] {strides = array<i32>} : memref<32x128xf32, #tpu.memory_space<vmem>>, vector<1x16xf32>,
    %get3A_784 = vector.shape_cast %get3A_783 : vector<1x16xf32> to vector<16xf32>
    %get3A_785 = arith.constant 10 : i32
    %get3A_786 = arith.index_cast %get3A_785 : i32 to index
    %get3A_787 = arith.constant 64 : index
    %get3A_788 = tpu.vector_load %arg7[%get3A_786, %get3A_787] {strides = array<i32>} : memref<32x128xf32, #tpu.memory_space<vmem>>, vector<1x16xf32>,
    %get3A_789 = vector.shape_cast %get3A_788 : vector<1x16xf32> to vector<16xf32>
    %select_n3A_790 = arith.select %eq3A_779, %get3A_789, %get3A_784 : vector<16xf32>
    %swap3A_791 = arith.constant 10 : i32
    %swap3A_792 = arith.index_cast %swap3A_791 : i32 to index
    %swap3A_793 = arith.constant 0 : index
    %swap3A_794 = tpu.vector_load %arg8[%swap3A_792, %swap3A_793] {strides = array<i32>} : memref<32x64xf32, #tpu.memory_space<vmem>>, vector<1x16xf32>,
    %swap3A_795 = vector.shape_cast %swap3A_794 : vector<1x16xf32> to vector<16xf32>
    %swap3A_796 = vector.shape_cast %select_n3A_790 : vector<16xf32> to vector<1x16xf32>
    tpu.vector_store %arg8[%swap3A_792, %swap3A_793], %swap3A_796 {strides = array<i32>} : memref<32x64xf32, #tpu.memory_space<vmem>>, vector<1x16xf32>,
    %get3A_797 = arith.constant 10 : i32
    %get3A_798 = arith.index_cast %get3A_797 : i32 to index
    %get3A_799 = arith.constant 16 : index
    %get3A_800 = tpu.vector_load %arg7[%get3A_798, %get3A_799] {strides = array<i32>} : memref<32x128xf32, #tpu.memory_space<vmem>>, vector<1x16xf32>,
    %get3A_801 = vector.shape_cast %get3A_800 : vector<1x16xf32> to vector<16xf32>
    %get3A_802 = arith.constant 10 : i32
    %get3A_803 = arith.index_cast %get3A_802 : i32 to index
    %get3A_804 = arith.constant 80 : index
    %get3A_805 = tpu.vector_load %arg7[%get3A_803, %get3A_804] {strides = array<i32>} : memref<32x128xf32, #tpu.memory_space<vmem>>, vector<1x16xf32>,
    %get3A_806 = vector.shape_cast %get3A_805 : vector<1x16xf32> to vector<16xf32>
    %select_n3A_807 = arith.select %eq3A_779, %get3A_806, %get3A_801 : vector<16xf32>
    %swap3A_808 = arith.constant 10 : i32
    %swap3A_809 = arith.index_cast %swap3A_808 : i32 to index
    %swap3A_810 = arith.constant 16 : index
    %swap3A_811 = tpu.vector_load %arg8[%swap3A_809, %swap3A_810] {strides = array<i32>} : memref<32x64xf32, #tpu.memory_space<vmem>>, vector<1x16xf32>,
    %swap3A_812 = vector.shape_cast %swap3A_811 : vector<1x16xf32> to vector<16xf32>
    %swap3A_813 = vector.shape_cast %select_n3A_807 : vector<16xf32> to vector<1x16xf32>
    tpu.vector_store %arg8[%swap3A_809, %swap3A_810], %swap3A_813 {strides = array<i32>} : memref<32x64xf32, #tpu.memory_space<vmem>>, vector<1x16xf32>,
    %get3A_814 = arith.constant 10 : i32
    %get3A_815 = arith.index_cast %get3A_814 : i32 to index
    %get3A_816 = arith.constant 32 : index
    %get3A_817 = tpu.vector_load %arg7[%get3A_815, %get3A_816] {strides = array<i32>} : memref<32x128xf32, #tpu.memory_space<vmem>>, vector<1x16xf32>,
    %get3A_818 = vector.shape_cast %get3A_817 : vector<1x16xf32> to vector<16xf32>
    %get3A_819 = arith.constant 10 : i32
    %get3A_820 = arith.index_cast %get3A_819 : i32 to index
    %get3A_821 = arith.constant 96 : index
    %get3A_822 = tpu.vector_load %arg7[%get3A_820, %get3A_821] {strides = array<i32>} : memref<32x128xf32, #tpu.memory_space<vmem>>, vector<1x16xf32>,
    %get3A_823 = vector.shape_cast %get3A_822 : vector<1x16xf32> to vector<16xf32>
    %select_n3A_824 = arith.select %eq3A_779, %get3A_823, %get3A_818 : vector<16xf32>
    %swap3A_825 = arith.constant 10 : i32
    %swap3A_826 = arith.index_cast %swap3A_825 : i32 to index
    %swap3A_827 = arith.constant 32 : index
    %swap3A_828 = tpu.vector_load %arg8[%swap3A_826, %swap3A_827] {strides = array<i32>} : memref<32x64xf32, #tpu.memory_space<vmem>>, vector<1x16xf32>,
    %swap3A_829 = vector.shape_cast %swap3A_828 : vector<1x16xf32> to vector<16xf32>
    %swap3A_830 = vector.shape_cast %select_n3A_824 : vector<16xf32> to vector<1x16xf32>
    tpu.vector_store %arg8[%swap3A_826, %swap3A_827], %swap3A_830 {strides = array<i32>} : memref<32x64xf32, #tpu.memory_space<vmem>>, vector<1x16xf32>,
    %get3A_831 = arith.constant 10 : i32
    %get3A_832 = arith.index_cast %get3A_831 : i32 to index
    %get3A_833 = arith.constant 48 : index
    %get3A_834 = tpu.vector_load %arg7[%get3A_832, %get3A_833] {strides = array<i32>} : memref<32x128xf32, #tpu.memory_space<vmem>>, vector<1x16xf32>,
    %get3A_835 = vector.shape_cast %get3A_834 : vector<1x16xf32> to vector<16xf32>
    %get3A_836 = arith.constant 10 : i32
    %get3A_837 = arith.index_cast %get3A_836 : i32 to index
    %get3A_838 = arith.constant 112 : index
    %get3A_839 = tpu.vector_load %arg7[%get3A_837, %get3A_838] {strides = array<i32>} : memref<32x128xf32, #tpu.memory_space<vmem>>, vector<1x16xf32>,
    %get3A_840 = vector.shape_cast %get3A_839 : vector<1x16xf32> to vector<16xf32>
    %select_n3A_841 = arith.select %eq3A_779, %get3A_840, %get3A_835 : vector<16xf32>
    %swap3A_842 = arith.constant 10 : i32
    %swap3A_843 = arith.index_cast %swap3A_842 : i32 to index
    %swap3A_844 = arith.constant 48 : index
    %swap3A_845 = tpu.vector_load %arg8[%swap3A_843, %swap3A_844] {strides = array<i32>} : memref<32x64xf32, #tpu.memory_space<vmem>>, vector<1x16xf32>,
    %swap3A_846 = vector.shape_cast %swap3A_845 : vector<1x16xf32> to vector<16xf32>
    %swap3A_847 = vector.shape_cast %select_n3A_841 : vector<16xf32> to vector<1x16xf32>
    tpu.vector_store %arg8[%swap3A_843, %swap3A_844], %swap3A_847 {strides = array<i32>} : memref<32x64xf32, #tpu.memory_space<vmem>>, vector<1x16xf32>,
    %slice3A_848 = vector.extract_strided_slice %get3A_59 {offsets = [11], sizes = [1], strides = [1]} : vector<16xi32> to vector<1xi32>
    %squeeze3A_849 = vector.extract %slice3A_848[0] : i32 from vector<1xi32>
    %eq3A_850 = arith.constant 1 : i32
    %eq3A_851 = arith.cmpi eq, %squeeze3A_849, %eq3A_850 : i32
    %get3A_852 = arith.constant 11 : i32
    %get3A_853 = arith.index_cast %get3A_852 : i32 to index
    %get3A_854 = arith.constant 0 : index
    %get3A_855 = tpu.vector_load %arg7[%get3A_853, %get3A_854] {strides = array<i32>} : memref<32x128xf32, #tpu.memory_space<vmem>>, vector<1x16xf32>,
    %get3A_856 = vector.shape_cast %get3A_855 : vector<1x16xf32> to vector<16xf32>
    %get3A_857 = arith.constant 11 : i32
    %get3A_858 = arith.index_cast %get3A_857 : i32 to index
    %get3A_859 = arith.constant 64 : index
    %get3A_860 = tpu.vector_load %arg7[%get3A_858, %get3A_859] {strides = array<i32>} : memref<32x128xf32, #tpu.memory_space<vmem>>, vector<1x16xf32>,
    %get3A_861 = vector.shape_cast %get3A_860 : vector<1x16xf32> to vector<16xf32>
    %select_n3A_862 = arith.select %eq3A_851, %get3A_861, %get3A_856 : vector<16xf32>
    %swap3A_863 = arith.constant 11 : i32
    %swap3A_864 = arith.index_cast %swap3A_863 : i32 to index
    %swap3A_865 = arith.constant 0 : index
    %swap3A_866 = tpu.vector_load %arg8[%swap3A_864, %swap3A_865] {strides = array<i32>} : memref<32x64xf32, #tpu.memory_space<vmem>>, vector<1x16xf32>,
    %swap3A_867 = vector.shape_cast %swap3A_866 : vector<1x16xf32> to vector<16xf32>
    %swap3A_868 = vector.shape_cast %select_n3A_862 : vector<16xf32> to vector<1x16xf32>
    tpu.vector_store %arg8[%swap3A_864, %swap3A_865], %swap3A_868 {strides = array<i32>} : memref<32x64xf32, #tpu.memory_space<vmem>>, vector<1x16xf32>,
    %get3A_869 = arith.constant 11 : i32
    %get3A_870 = arith.index_cast %get3A_869 : i32 to index
    %get3A_871 = arith.constant 16 : index
    %get3A_872 = tpu.vector_load %arg7[%get3A_870, %get3A_871] {strides = array<i32>} : memref<32x128xf32, #tpu.memory_space<vmem>>, vector<1x16xf32>,
    %get3A_873 = vector.shape_cast %get3A_872 : vector<1x16xf32> to vector<16xf32>
    %get3A_874 = arith.constant 11 : i32
    %get3A_875 = arith.index_cast %get3A_874 : i32 to index
    %get3A_876 = arith.constant 80 : index
    %get3A_877 = tpu.vector_load %arg7[%get3A_875, %get3A_876] {strides = array<i32>} : memref<32x128xf32, #tpu.memory_space<vmem>>, vector<1x16xf32>,
    %get3A_878 = vector.shape_cast %get3A_877 : vector<1x16xf32> to vector<16xf32>
    %select_n3A_879 = arith.select %eq3A_851, %get3A_878, %get3A_873 : vector<16xf32>
    %swap3A_880 = arith.constant 11 : i32
    %swap3A_881 = arith.index_cast %swap3A_880 : i32 to index
    %swap3A_882 = arith.constant 16 : index
    %swap3A_883 = tpu.vector_load %arg8[%swap3A_881, %swap3A_882] {strides = array<i32>} : memref<32x64xf32, #tpu.memory_space<vmem>>, vector<1x16xf32>,
    %swap3A_884 = vector.shape_cast %swap3A_883 : vector<1x16xf32> to vector<16xf32>
    %swap3A_885 = vector.shape_cast %select_n3A_879 : vector<16xf32> to vector<1x16xf32>
    tpu.vector_store %arg8[%swap3A_881, %swap3A_882], %swap3A_885 {strides = array<i32>} : memref<32x64xf32, #tpu.memory_space<vmem>>, vector<1x16xf32>,
    %get3A_886 = arith.constant 11 : i32
    %get3A_887 = arith.index_cast %get3A_886 : i32 to index
    %get3A_888 = arith.constant 32 : index
    %get3A_889 = tpu.vector_load %arg7[%get3A_887, %get3A_888] {strides = array<i32>} : memref<32x128xf32, #tpu.memory_space<vmem>>, vector<1x16xf32>,
    %get3A_890 = vector.shape_cast %get3A_889 : vector<1x16xf32> to vector<16xf32>
    %get3A_891 = arith.constant 11 : i32
    %get3A_892 = arith.index_cast %get3A_891 : i32 to index
    %get3A_893 = arith.constant 96 : index
    %get3A_894 = tpu.vector_load %arg7[%get3A_892, %get3A_893] {strides = array<i32>} : memref<32x128xf32, #tpu.memory_space<vmem>>, vector<1x16xf32>,
    %get3A_895 = vector.shape_cast %get3A_894 : vector<1x16xf32> to vector<16xf32>
    %select_n3A_896 = arith.select %eq3A_851, %get3A_895, %get3A_890 : vector<16xf32>
    %swap3A_897 = arith.constant 11 : i32
    %swap3A_898 = arith.index_cast %swap3A_897 : i32 to index
    %swap3A_899 = arith.constant 32 : index
    %swap3A_900 = tpu.vector_load %arg8[%swap3A_898, %swap3A_899] {strides = array<i32>} : memref<32x64xf32, #tpu.memory_space<vmem>>, vector<1x16xf32>,
    %swap3A_901 = vector.shape_cast %swap3A_900 : vector<1x16xf32> to vector<16xf32>
    %swap3A_902 = vector.shape_cast %select_n3A_896 : vector<16xf32> to vector<1x16xf32>
    tpu.vector_store %arg8[%swap3A_898, %swap3A_899], %swap3A_902 {strides = array<i32>} : memref<32x64xf32, #tpu.memory_space<vmem>>, vector<1x16xf32>,
    %get3A_903 = arith.constant 11 : i32
    %get3A_904 = arith.index_cast %get3A_903 : i32 to index
    %get3A_905 = arith.constant 48 : index
    %get3A_906 = tpu.vector_load %arg7[%get3A_904, %get3A_905] {strides = array<i32>} : memref<32x128xf32, #tpu.memory_space<vmem>>, vector<1x16xf32>,
    %get3A_907 = vector.shape_cast %get3A_906 : vector<1x16xf32> to vector<16xf32>
    %get3A_908 = arith.constant 11 : i32
    %get3A_909 = arith.index_cast %get3A_908 : i32 to index
    %get3A_910 = arith.constant 112 : index
    %get3A_911 = tpu.vector_load %arg7[%get3A_909, %get3A_910] {strides = array<i32>} : memref<32x128xf32, #tpu.memory_space<vmem>>, vector<1x16xf32>,
    %get3A_912 = vector.shape_cast %get3A_911 : vector<1x16xf32> to vector<16xf32>
    %select_n3A_913 = arith.select %eq3A_851, %get3A_912, %get3A_907 : vector<16xf32>
    %swap3A_914 = arith.constant 11 : i32
    %swap3A_915 = arith.index_cast %swap3A_914 : i32 to index
    %swap3A_916 = arith.constant 48 : index
    %swap3A_917 = tpu.vector_load %arg8[%swap3A_915, %swap3A_916] {strides = array<i32>} : memref<32x64xf32, #tpu.memory_space<vmem>>, vector<1x16xf32>,
    %swap3A_918 = vector.shape_cast %swap3A_917 : vector<1x16xf32> to vector<16xf32>
    %swap3A_919 = vector.shape_cast %select_n3A_913 : vector<16xf32> to vector<1x16xf32>
    tpu.vector_store %arg8[%swap3A_915, %swap3A_916], %swap3A_919 {strides = array<i32>} : memref<32x64xf32, #tpu.memory_space<vmem>>, vector<1x16xf32>,
    %slice3A_920 = vector.extract_strided_slice %get3A_59 {offsets = [12], sizes = [1], strides = [1]} : vector<16xi32> to vector<1xi32>
    %squeeze3A_921 = vector.extract %slice3A_920[0] : i32 from vector<1xi32>
    %eq3A_922 = arith.constant 1 : i32
    %eq3A_923 = arith.cmpi eq, %squeeze3A_921, %eq3A_922 : i32
    %get3A_924 = arith.constant 12 : i32
    %get3A_925 = arith.index_cast %get3A_924 : i32 to index
    %get3A_926 = arith.constant 0 : index
    %get3A_927 = tpu.vector_load %arg7[%get3A_925, %get3A_926] {strides = array<i32>} : memref<32x128xf32, #tpu.memory_space<vmem>>, vector<1x16xf32>,
    %get3A_928 = vector.shape_cast %get3A_927 : vector<1x16xf32> to vector<16xf32>
    %get3A_929 = arith.constant 12 : i32
    %get3A_930 = arith.index_cast %get3A_929 : i32 to index
    %get3A_931 = arith.constant 64 : index
    %get3A_932 = tpu.vector_load %arg7[%get3A_930, %get3A_931] {strides = array<i32>} : memref<32x128xf32, #tpu.memory_space<vmem>>, vector<1x16xf32>,
    %get3A_933 = vector.shape_cast %get3A_932 : vector<1x16xf32> to vector<16xf32>
    %select_n3A_934 = arith.select %eq3A_923, %get3A_933, %get3A_928 : vector<16xf32>
    %swap3A_935 = arith.constant 12 : i32
    %swap3A_936 = arith.index_cast %swap3A_935 : i32 to index
    %swap3A_937 = arith.constant 0 : index
    %swap3A_938 = tpu.vector_load %arg8[%swap3A_936, %swap3A_937] {strides = array<i32>} : memref<32x64xf32, #tpu.memory_space<vmem>>, vector<1x16xf32>,
    %swap3A_939 = vector.shape_cast %swap3A_938 : vector<1x16xf32> to vector<16xf32>
    %swap3A_940 = vector.shape_cast %select_n3A_934 : vector<16xf32> to vector<1x16xf32>
    tpu.vector_store %arg8[%swap3A_936, %swap3A_937], %swap3A_940 {strides = array<i32>} : memref<32x64xf32, #tpu.memory_space<vmem>>, vector<1x16xf32>,
    %get3A_941 = arith.constant 12 : i32
    %get3A_942 = arith.index_cast %get3A_941 : i32 to index
    %get3A_943 = arith.constant 16 : index
    %get3A_944 = tpu.vector_load %arg7[%get3A_942, %get3A_943] {strides = array<i32>} : memref<32x128xf32, #tpu.memory_space<vmem>>, vector<1x16xf32>,
    %get3A_945 = vector.shape_cast %get3A_944 : vector<1x16xf32> to vector<16xf32>
    %get3A_946 = arith.constant 12 : i32
    %get3A_947 = arith.index_cast %get3A_946 : i32 to index
    %get3A_948 = arith.constant 80 : index
    %get3A_949 = tpu.vector_load %arg7[%get3A_947, %get3A_948] {strides = array<i32>} : memref<32x128xf32, #tpu.memory_space<vmem>>, vector<1x16xf32>,
    %get3A_950 = vector.shape_cast %get3A_949 : vector<1x16xf32> to vector<16xf32>
    %select_n3A_951 = arith.select %eq3A_923, %get3A_950, %get3A_945 : vector<16xf32>
    %swap3A_952 = arith.constant 12 : i32
    %swap3A_953 = arith.index_cast %swap3A_952 : i32 to index
    %swap3A_954 = arith.constant 16 : index
    %swap3A_955 = tpu.vector_load %arg8[%swap3A_953, %swap3A_954] {strides = array<i32>} : memref<32x64xf32, #tpu.memory_space<vmem>>, vector<1x16xf32>,
    %swap3A_956 = vector.shape_cast %swap3A_955 : vector<1x16xf32> to vector<16xf32>
    %swap3A_957 = vector.shape_cast %select_n3A_951 : vector<16xf32> to vector<1x16xf32>
    tpu.vector_store %arg8[%swap3A_953, %swap3A_954], %swap3A_957 {strides = array<i32>} : memref<32x64xf32, #tpu.memory_space<vmem>>, vector<1x16xf32>,
    %get3A_958 = arith.constant 12 : i32
    %get3A_959 = arith.index_cast %get3A_958 : i32 to index
    %get3A_960 = arith.constant 32 : index
    %get3A_961 = tpu.vector_load %arg7[%get3A_959, %get3A_960] {strides = array<i32>} : memref<32x128xf32, #tpu.memory_space<vmem>>, vector<1x16xf32>,
    %get3A_962 = vector.shape_cast %get3A_961 : vector<1x16xf32> to vector<16xf32>
    %get3A_963 = arith.constant 12 : i32
    %get3A_964 = arith.index_cast %get3A_963 : i32 to index
    %get3A_965 = arith.constant 96 : index
    %get3A_966 = tpu.vector_load %arg7[%get3A_964, %get3A_965] {strides = array<i32>} : memref<32x128xf32, #tpu.memory_space<vmem>>, vector<1x16xf32>,
    %get3A_967 = vector.shape_cast %get3A_966 : vector<1x16xf32> to vector<16xf32>
    %select_n3A_968 = arith.select %eq3A_923, %get3A_967, %get3A_962 : vector<16xf32>
    %swap3A_969 = arith.constant 12 : i32
    %swap3A_970 = arith.index_cast %swap3A_969 : i32 to index
    %swap3A_971 = arith.constant 32 : index
    %swap3A_972 = tpu.vector_load %arg8[%swap3A_970, %swap3A_971] {strides = array<i32>} : memref<32x64xf32, #tpu.memory_space<vmem>>, vector<1x16xf32>,
    %swap3A_973 = vector.shape_cast %swap3A_972 : vector<1x16xf32> to vector<16xf32>
    %swap3A_974 = vector.shape_cast %select_n3A_968 : vector<16xf32> to vector<1x16xf32>
    tpu.vector_store %arg8[%swap3A_970, %swap3A_971], %swap3A_974 {strides = array<i32>} : memref<32x64xf32, #tpu.memory_space<vmem>>, vector<1x16xf32>,
    %get3A_975 = arith.constant 12 : i32
    %get3A_976 = arith.index_cast %get3A_975 : i32 to index
    %get3A_977 = arith.constant 48 : index
    %get3A_978 = tpu.vector_load %arg7[%get3A_976, %get3A_977] {strides = array<i32>} : memref<32x128xf32, #tpu.memory_space<vmem>>, vector<1x16xf32>,
    %get3A_979 = vector.shape_cast %get3A_978 : vector<1x16xf32> to vector<16xf32>
    %get3A_980 = arith.constant 12 : i32
    %get3A_981 = arith.index_cast %get3A_980 : i32 to index
    %get3A_982 = arith.constant 112 : index
    %get3A_983 = tpu.vector_load %arg7[%get3A_981, %get3A_982] {strides = array<i32>} : memref<32x128xf32, #tpu.memory_space<vmem>>, vector<1x16xf32>,
    %get3A_984 = vector.shape_cast %get3A_983 : vector<1x16xf32> to vector<16xf32>
    %select_n3A_985 = arith.select %eq3A_923, %get3A_984, %get3A_979 : vector<16xf32>
    %swap3A_986 = arith.constant 12 : i32
    %swap3A_987 = arith.index_cast %swap3A_986 : i32 to index
    %swap3A_988 = arith.constant 48 : index
    %swap3A_989 = tpu.vector_load %arg8[%swap3A_987, %swap3A_988] {strides = array<i32>} : memref<32x64xf32, #tpu.memory_space<vmem>>, vector<1x16xf32>,
    %swap3A_990 = vector.shape_cast %swap3A_989 : vector<1x16xf32> to vector<16xf32>
    %swap3A_991 = vector.shape_cast %select_n3A_985 : vector<16xf32> to vector<1x16xf32>
    tpu.vector_store %arg8[%swap3A_987, %swap3A_988], %swap3A_991 {strides = array<i32>} : memref<32x64xf32, #tpu.memory_space<vmem>>, vector<1x16xf32>,
    %slice3A_992 = vector.extract_strided_slice %get3A_59 {offsets = [13], sizes = [1], strides = [1]} : vector<16xi32> to vector<1xi32>
    %squeeze3A_993 = vector.extract %slice3A_992[0] : i32 from vector<1xi32>
    %eq3A_994 = arith.constant 1 : i32
    %eq3A_995 = arith.cmpi eq, %squeeze3A_993, %eq3A_994 : i32
    %get3A_996 = arith.constant 13 : i32
    %get3A_997 = arith.index_cast %get3A_996 : i32 to index
    %get3A_998 = arith.constant 0 : index
    %get3A_999 = tpu.vector_load %arg7[%get3A_997, %get3A_998] {strides = array<i32>} : memref<32x128xf32, #tpu.memory_space<vmem>>, vector<1x16xf32>,
    %get3A_1000 = vector.shape_cast %get3A_999 : vector<1x16xf32> to vector<16xf32>
    %get3A_1001 = arith.constant 13 : i32
    %get3A_1002 = arith.index_cast %get3A_1001 : i32 to index
    %get3A_1003 = arith.constant 64 : index
    %get3A_1004 = tpu.vector_load %arg7[%get3A_1002, %get3A_1003] {strides = array<i32>} : memref<32x128xf32, #tpu.memory_space<vmem>>, vector<1x16xf32>,
    %get3A_1005 = vector.shape_cast %get3A_1004 : vector<1x16xf32> to vector<16xf32>
    %select_n3A_1006 = arith.select %eq3A_995, %get3A_1005, %get3A_1000 : vector<16xf32>
    %swap3A_1007 = arith.constant 13 : i32
    %swap3A_1008 = arith.index_cast %swap3A_1007 : i32 to index
    %swap3A_1009 = arith.constant 0 : index
    %swap3A_1010 = tpu.vector_load %arg8[%swap3A_1008, %swap3A_1009] {strides = array<i32>} : memref<32x64xf32, #tpu.memory_space<vmem>>, vector<1x16xf32>,
    %swap3A_1011 = vector.shape_cast %swap3A_1010 : vector<1x16xf32> to vector<16xf32>
    %swap3A_1012 = vector.shape_cast %select_n3A_1006 : vector<16xf32> to vector<1x16xf32>
    tpu.vector_store %arg8[%swap3A_1008, %swap3A_1009], %swap3A_1012 {strides = array<i32>} : memref<32x64xf32, #tpu.memory_space<vmem>>, vector<1x16xf32>,
    %get3A_1013 = arith.constant 13 : i32
    %get3A_1014 = arith.index_cast %get3A_1013 : i32 to index
    %get3A_1015 = arith.constant 16 : index
    %get3A_1016 = tpu.vector_load %arg7[%get3A_1014, %get3A_1015] {strides = array<i32>} : memref<32x128xf32, #tpu.memory_space<vmem>>, vector<1x16xf32>,
    %get3A_1017 = vector.shape_cast %get3A_1016 : vector<1x16xf32> to vector<16xf32>
    %get3A_1018 = arith.constant 13 : i32
    %get3A_1019 = arith.index_cast %get3A_1018 : i32 to index
    %get3A_1020 = arith.constant 80 : index
    %get3A_1021 = tpu.vector_load %arg7[%get3A_1019, %get3A_1020] {strides = array<i32>} : memref<32x128xf32, #tpu.memory_space<vmem>>, vector<1x16xf32>,
    %get3A_1022 = vector.shape_cast %get3A_1021 : vector<1x16xf32> to vector<16xf32>
    %select_n3A_1023 = arith.select %eq3A_995, %get3A_1022, %get3A_1017 : vector<16xf32>
    %swap3A_1024 = arith.constant 13 : i32
    %swap3A_1025 = arith.index_cast %swap3A_1024 : i32 to index
    %swap3A_1026 = arith.constant 16 : index
    %swap3A_1027 = tpu.vector_load %arg8[%swap3A_1025, %swap3A_1026] {strides = array<i32>} : memref<32x64xf32, #tpu.memory_space<vmem>>, vector<1x16xf32>,
    %swap3A_1028 = vector.shape_cast %swap3A_1027 : vector<1x16xf32> to vector<16xf32>
    %swap3A_1029 = vector.shape_cast %select_n3A_1023 : vector<16xf32> to vector<1x16xf32>
    tpu.vector_store %arg8[%swap3A_1025, %swap3A_1026], %swap3A_1029 {strides = array<i32>} : memref<32x64xf32, #tpu.memory_space<vmem>>, vector<1x16xf32>,
    %get3A_1030 = arith.constant 13 : i32
    %get3A_1031 = arith.index_cast %get3A_1030 : i32 to index
    %get3A_1032 = arith.constant 32 : index
    %get3A_1033 = tpu.vector_load %arg7[%get3A_1031, %get3A_1032] {strides = array<i32>} : memref<32x128xf32, #tpu.memory_space<vmem>>, vector<1x16xf32>,
    %get3A_1034 = vector.shape_cast %get3A_1033 : vector<1x16xf32> to vector<16xf32>
    %get3A_1035 = arith.constant 13 : i32
    %get3A_1036 = arith.index_cast %get3A_1035 : i32 to index
    %get3A_1037 = arith.constant 96 : index
    %get3A_1038 = tpu.vector_load %arg7[%get3A_1036, %get3A_1037] {strides = array<i32>} : memref<32x128xf32, #tpu.memory_space<vmem>>, vector<1x16xf32>,
    %get3A_1039 = vector.shape_cast %get3A_1038 : vector<1x16xf32> to vector<16xf32>
    %select_n3A_1040 = arith.select %eq3A_995, %get3A_1039, %get3A_1034 : vector<16xf32>
    %swap3A_1041 = arith.constant 13 : i32
    %swap3A_1042 = arith.index_cast %swap3A_1041 : i32 to index
    %swap3A_1043 = arith.constant 32 : index
    %swap3A_1044 = tpu.vector_load %arg8[%swap3A_1042, %swap3A_1043] {strides = array<i32>} : memref<32x64xf32, #tpu.memory_space<vmem>>, vector<1x16xf32>,
    %swap3A_1045 = vector.shape_cast %swap3A_1044 : vector<1x16xf32> to vector<16xf32>
    %swap3A_1046 = vector.shape_cast %select_n3A_1040 : vector<16xf32> to vector<1x16xf32>
    tpu.vector_store %arg8[%swap3A_1042, %swap3A_1043], %swap3A_1046 {strides = array<i32>} : memref<32x64xf32, #tpu.memory_space<vmem>>, vector<1x16xf32>,
    %get3A_1047 = arith.constant 13 : i32
    %get3A_1048 = arith.index_cast %get3A_1047 : i32 to index
    %get3A_1049 = arith.constant 48 : index
    %get3A_1050 = tpu.vector_load %arg7[%get3A_1048, %get3A_1049] {strides = array<i32>} : memref<32x128xf32, #tpu.memory_space<vmem>>, vector<1x16xf32>,
    %get3A_1051 = vector.shape_cast %get3A_1050 : vector<1x16xf32> to vector<16xf32>
    %get3A_1052 = arith.constant 13 : i32
    %get3A_1053 = arith.index_cast %get3A_1052 : i32 to index
    %get3A_1054 = arith.constant 112 : index
    %get3A_1055 = tpu.vector_load %arg7[%get3A_1053, %get3A_1054] {strides = array<i32>} : memref<32x128xf32, #tpu.memory_space<vmem>>, vector<1x16xf32>,
    %get3A_1056 = vector.shape_cast %get3A_1055 : vector<1x16xf32> to vector<16xf32>
    %select_n3A_1057 = arith.select %eq3A_995, %get3A_1056, %get3A_1051 : vector<16xf32>
    %swap3A_1058 = arith.constant 13 : i32
    %swap3A_1059 = arith.index_cast %swap3A_1058 : i32 to index
    %swap3A_1060 = arith.constant 48 : index
    %swap3A_1061 = tpu.vector_load %arg8[%swap3A_1059, %swap3A_1060] {strides = array<i32>} : memref<32x64xf32, #tpu.memory_space<vmem>>, vector<1x16xf32>,
    %swap3A_1062 = vector.shape_cast %swap3A_1061 : vector<1x16xf32> to vector<16xf32>
    %swap3A_1063 = vector.shape_cast %select_n3A_1057 : vector<16xf32> to vector<1x16xf32>
    tpu.vector_store %arg8[%swap3A_1059, %swap3A_1060], %swap3A_1063 {strides = array<i32>} : memref<32x64xf32, #tpu.memory_space<vmem>>, vector<1x16xf32>,
    %slice3A_1064 = vector.extract_strided_slice %get3A_59 {offsets = [14], sizes = [1], strides = [1]} : vector<16xi32> to vector<1xi32>
    %squeeze3A_1065 = vector.extract %slice3A_1064[0] : i32 from vector<1xi32>
    %eq3A_1066 = arith.constant 1 : i32
    %eq3A_1067 = arith.cmpi eq, %squeeze3A_1065, %eq3A_1066 : i32
    %get3A_1068 = arith.constant 14 : i32
    %get3A_1069 = arith.index_cast %get3A_1068 : i32 to index
    %get3A_1070 = arith.constant 0 : index
    %get3A_1071 = tpu.vector_load %arg7[%get3A_1069, %get3A_1070] {strides = array<i32>} : memref<32x128xf32, #tpu.memory_space<vmem>>, vector<1x16xf32>,
    %get3A_1072 = vector.shape_cast %get3A_1071 : vector<1x16xf32> to vector<16xf32>
    %get3A_1073 = arith.constant 14 : i32
    %get3A_1074 = arith.index_cast %get3A_1073 : i32 to index
    %get3A_1075 = arith.constant 64 : index
    %get3A_1076 = tpu.vector_load %arg7[%get3A_1074, %get3A_1075] {strides = array<i32>} : memref<32x128xf32, #tpu.memory_space<vmem>>, vector<1x16xf32>,
    %get3A_1077 = vector.shape_cast %get3A_1076 : vector<1x16xf32> to vector<16xf32>
    %select_n3A_1078 = arith.select %eq3A_1067, %get3A_1077, %get3A_1072 : vector<16xf32>
    %swap3A_1079 = arith.constant 14 : i32
    %swap3A_1080 = arith.index_cast %swap3A_1079 : i32 to index
    %swap3A_1081 = arith.constant 0 : index
    %swap3A_1082 = tpu.vector_load %arg8[%swap3A_1080, %swap3A_1081] {strides = array<i32>} : memref<32x64xf32, #tpu.memory_space<vmem>>, vector<1x16xf32>,
    %swap3A_1083 = vector.shape_cast %swap3A_1082 : vector<1x16xf32> to vector<16xf32>
    %swap3A_1084 = vector.shape_cast %select_n3A_1078 : vector<16xf32> to vector<1x16xf32>
    tpu.vector_store %arg8[%swap3A_1080, %swap3A_1081], %swap3A_1084 {strides = array<i32>} : memref<32x64xf32, #tpu.memory_space<vmem>>, vector<1x16xf32>,
    %get3A_1085 = arith.constant 14 : i32
    %get3A_1086 = arith.index_cast %get3A_1085 : i32 to index
    %get3A_1087 = arith.constant 16 : index
    %get3A_1088 = tpu.vector_load %arg7[%get3A_1086, %get3A_1087] {strides = array<i32>} : memref<32x128xf32, #tpu.memory_space<vmem>>, vector<1x16xf32>,
    %get3A_1089 = vector.shape_cast %get3A_1088 : vector<1x16xf32> to vector<16xf32>
    %get3A_1090 = arith.constant 14 : i32
    %get3A_1091 = arith.index_cast %get3A_1090 : i32 to index
    %get3A_1092 = arith.constant 80 : index
    %get3A_1093 = tpu.vector_load %arg7[%get3A_1091, %get3A_1092] {strides = array<i32>} : memref<32x128xf32, #tpu.memory_space<vmem>>, vector<1x16xf32>,
    %get3A_1094 = vector.shape_cast %get3A_1093 : vector<1x16xf32> to vector<16xf32>
    %select_n3A_1095 = arith.select %eq3A_1067, %get3A_1094, %get3A_1089 : vector<16xf32>
    %swap3A_1096 = arith.constant 14 : i32
    %swap3A_1097 = arith.index_cast %swap3A_1096 : i32 to index
    %swap3A_1098 = arith.constant 16 : index
    %swap3A_1099 = tpu.vector_load %arg8[%swap3A_1097, %swap3A_1098] {strides = array<i32>} : memref<32x64xf32, #tpu.memory_space<vmem>>, vector<1x16xf32>,
    %swap3A_1100 = vector.shape_cast %swap3A_1099 : vector<1x16xf32> to vector<16xf32>
    %swap3A_1101 = vector.shape_cast %select_n3A_1095 : vector<16xf32> to vector<1x16xf32>
    tpu.vector_store %arg8[%swap3A_1097, %swap3A_1098], %swap3A_1101 {strides = array<i32>} : memref<32x64xf32, #tpu.memory_space<vmem>>, vector<1x16xf32>,
    %get3A_1102 = arith.constant 14 : i32
    %get3A_1103 = arith.index_cast %get3A_1102 : i32 to index
    %get3A_1104 = arith.constant 32 : index
    %get3A_1105 = tpu.vector_load %arg7[%get3A_1103, %get3A_1104] {strides = array<i32>} : memref<32x128xf32, #tpu.memory_space<vmem>>, vector<1x16xf32>,
    %get3A_1106 = vector.shape_cast %get3A_1105 : vector<1x16xf32> to vector<16xf32>
    %get3A_1107 = arith.constant 14 : i32
    %get3A_1108 = arith.index_cast %get3A_1107 : i32 to index
    %get3A_1109 = arith.constant 96 : index
    %get3A_1110 = tpu.vector_load %arg7[%get3A_1108, %get3A_1109] {strides = array<i32>} : memref<32x128xf32, #tpu.memory_space<vmem>>, vector<1x16xf32>,
    %get3A_1111 = vector.shape_cast %get3A_1110 : vector<1x16xf32> to vector<16xf32>
    %select_n3A_1112 = arith.select %eq3A_1067, %get3A_1111, %get3A_1106 : vector<16xf32>
    %swap3A_1113 = arith.constant 14 : i32
    %swap3A_1114 = arith.index_cast %swap3A_1113 : i32 to index
    %swap3A_1115 = arith.constant 32 : index
    %swap3A_1116 = tpu.vector_load %arg8[%swap3A_1114, %swap3A_1115] {strides = array<i32>} : memref<32x64xf32, #tpu.memory_space<vmem>>, vector<1x16xf32>,
    %swap3A_1117 = vector.shape_cast %swap3A_1116 : vector<1x16xf32> to vector<16xf32>
    %swap3A_1118 = vector.shape_cast %select_n3A_1112 : vector<16xf32> to vector<1x16xf32>
    tpu.vector_store %arg8[%swap3A_1114, %swap3A_1115], %swap3A_1118 {strides = array<i32>} : memref<32x64xf32, #tpu.memory_space<vmem>>, vector<1x16xf32>,
    %get3A_1119 = arith.constant 14 : i32
    %get3A_1120 = arith.index_cast %get3A_1119 : i32 to index
    %get3A_1121 = arith.constant 48 : index
    %get3A_1122 = tpu.vector_load %arg7[%get3A_1120, %get3A_1121] {strides = array<i32>} : memref<32x128xf32, #tpu.memory_space<vmem>>, vector<1x16xf32>,
    %get3A_1123 = vector.shape_cast %get3A_1122 : vector<1x16xf32> to vector<16xf32>
    %get3A_1124 = arith.constant 14 : i32
    %get3A_1125 = arith.index_cast %get3A_1124 : i32 to index
    %get3A_1126 = arith.constant 112 : index
    %get3A_1127 = tpu.vector_load %arg7[%get3A_1125, %get3A_1126] {strides = array<i32>} : memref<32x128xf32, #tpu.memory_space<vmem>>, vector<1x16xf32>,
    %get3A_1128 = vector.shape_cast %get3A_1127 : vector<1x16xf32> to vector<16xf32>
    %select_n3A_1129 = arith.select %eq3A_1067, %get3A_1128, %get3A_1123 : vector<16xf32>
    %swap3A_1130 = arith.constant 14 : i32
    %swap3A_1131 = arith.index_cast %swap3A_1130 : i32 to index
    %swap3A_1132 = arith.constant 48 : index
    %swap3A_1133 = tpu.vector_load %arg8[%swap3A_1131, %swap3A_1132] {strides = array<i32>} : memref<32x64xf32, #tpu.memory_space<vmem>>, vector<1x16xf32>,
    %swap3A_1134 = vector.shape_cast %swap3A_1133 : vector<1x16xf32> to vector<16xf32>
    %swap3A_1135 = vector.shape_cast %select_n3A_1129 : vector<16xf32> to vector<1x16xf32>
    tpu.vector_store %arg8[%swap3A_1131, %swap3A_1132], %swap3A_1135 {strides = array<i32>} : memref<32x64xf32, #tpu.memory_space<vmem>>, vector<1x16xf32>,
    %slice3A_1136 = vector.extract_strided_slice %get3A_59 {offsets = [15], sizes = [1], strides = [1]} : vector<16xi32> to vector<1xi32>
    %squeeze3A_1137 = vector.extract %slice3A_1136[0] : i32 from vector<1xi32>
    %eq3A_1138 = arith.constant 1 : i32
    %eq3A_1139 = arith.cmpi eq, %squeeze3A_1137, %eq3A_1138 : i32
    %get3A_1140 = arith.constant 15 : i32
    %get3A_1141 = arith.index_cast %get3A_1140 : i32 to index
    %get3A_1142 = arith.constant 0 : index
    %get3A_1143 = tpu.vector_load %arg7[%get3A_1141, %get3A_1142] {strides = array<i32>} : memref<32x128xf32, #tpu.memory_space<vmem>>, vector<1x16xf32>,
    %get3A_1144 = vector.shape_cast %get3A_1143 : vector<1x16xf32> to vector<16xf32>
    %get3A_1145 = arith.constant 15 : i32
    %get3A_1146 = arith.index_cast %get3A_1145 : i32 to index
    %get3A_1147 = arith.constant 64 : index
    %get3A_1148 = tpu.vector_load %arg7[%get3A_1146, %get3A_1147] {strides = array<i32>} : memref<32x128xf32, #tpu.memory_space<vmem>>, vector<1x16xf32>,
    %get3A_1149 = vector.shape_cast %get3A_1148 : vector<1x16xf32> to vector<16xf32>
    %select_n3A_1150 = arith.select %eq3A_1139, %get3A_1149, %get3A_1144 : vector<16xf32>
    %swap3A_1151 = arith.constant 15 : i32
    %swap3A_1152 = arith.index_cast %swap3A_1151 : i32 to index
    %swap3A_1153 = arith.constant 0 : index
    %swap3A_1154 = tpu.vector_load %arg8[%swap3A_1152, %swap3A_1153] {strides = array<i32>} : memref<32x64xf32, #tpu.memory_space<vmem>>, vector<1x16xf32>,
    %swap3A_1155 = vector.shape_cast %swap3A_1154 : vector<1x16xf32> to vector<16xf32>
    %swap3A_1156 = vector.shape_cast %select_n3A_1150 : vector<16xf32> to vector<1x16xf32>
    tpu.vector_store %arg8[%swap3A_1152, %swap3A_1153], %swap3A_1156 {strides = array<i32>} : memref<32x64xf32, #tpu.memory_space<vmem>>, vector<1x16xf32>,
    %get3A_1157 = arith.constant 15 : i32
    %get3A_1158 = arith.index_cast %get3A_1157 : i32 to index
    %get3A_1159 = arith.constant 16 : index
    %get3A_1160 = tpu.vector_load %arg7[%get3A_1158, %get3A_1159] {strides = array<i32>} : memref<32x128xf32, #tpu.memory_space<vmem>>, vector<1x16xf32>,
    %get3A_1161 = vector.shape_cast %get3A_1160 : vector<1x16xf32> to vector<16xf32>
    %get3A_1162 = arith.constant 15 : i32
    %get3A_1163 = arith.index_cast %get3A_1162 : i32 to index
    %get3A_1164 = arith.constant 80 : index
    %get3A_1165 = tpu.vector_load %arg7[%get3A_1163, %get3A_1164] {strides = array<i32>} : memref<32x128xf32, #tpu.memory_space<vmem>>, vector<1x16xf32>,
    %get3A_1166 = vector.shape_cast %get3A_1165 : vector<1x16xf32> to vector<16xf32>
    %select_n3A_1167 = arith.select %eq3A_1139, %get3A_1166, %get3A_1161 : vector<16xf32>
    %swap3A_1168 = arith.constant 15 : i32
    %swap3A_1169 = arith.index_cast %swap3A_1168 : i32 to index
    %swap3A_1170 = arith.constant 16 : index
    %swap3A_1171 = tpu.vector_load %arg8[%swap3A_1169, %swap3A_1170] {strides = array<i32>} : memref<32x64xf32, #tpu.memory_space<vmem>>, vector<1x16xf32>,
    %swap3A_1172 = vector.shape_cast %swap3A_1171 : vector<1x16xf32> to vector<16xf32>
    %swap3A_1173 = vector.shape_cast %select_n3A_1167 : vector<16xf32> to vector<1x16xf32>
    tpu.vector_store %arg8[%swap3A_1169, %swap3A_1170], %swap3A_1173 {strides = array<i32>} : memref<32x64xf32, #tpu.memory_space<vmem>>, vector<1x16xf32>,
    %get3A_1174 = arith.constant 15 : i32
    %get3A_1175 = arith.index_cast %get3A_1174 : i32 to index
    %get3A_1176 = arith.constant 32 : index
    %get3A_1177 = tpu.vector_load %arg7[%get3A_1175, %get3A_1176] {strides = array<i32>} : memref<32x128xf32, #tpu.memory_space<vmem>>, vector<1x16xf32>,
    %get3A_1178 = vector.shape_cast %get3A_1177 : vector<1x16xf32> to vector<16xf32>
    %get3A_1179 = arith.constant 15 : i32
    %get3A_1180 = arith.index_cast %get3A_1179 : i32 to index
    %get3A_1181 = arith.constant 96 : index
    %get3A_1182 = tpu.vector_load %arg7[%get3A_1180, %get3A_1181] {strides = array<i32>} : memref<32x128xf32, #tpu.memory_space<vmem>>, vector<1x16xf32>,
    %get3A_1183 = vector.shape_cast %get3A_1182 : vector<1x16xf32> to vector<16xf32>
    %select_n3A_1184 = arith.select %eq3A_1139, %get3A_1183, %get3A_1178 : vector<16xf32>
    %swap3A_1185 = arith.constant 15 : i32
    %swap3A_1186 = arith.index_cast %swap3A_1185 : i32 to index
    %swap3A_1187 = arith.constant 32 : index
    %swap3A_1188 = tpu.vector_load %arg8[%swap3A_1186, %swap3A_1187] {strides = array<i32>} : memref<32x64xf32, #tpu.memory_space<vmem>>, vector<1x16xf32>,
    %swap3A_1189 = vector.shape_cast %swap3A_1188 : vector<1x16xf32> to vector<16xf32>
    %swap3A_1190 = vector.shape_cast %select_n3A_1184 : vector<16xf32> to vector<1x16xf32>
    tpu.vector_store %arg8[%swap3A_1186, %swap3A_1187], %swap3A_1190 {strides = array<i32>} : memref<32x64xf32, #tpu.memory_space<vmem>>, vector<1x16xf32>,
    %get3A_1191 = arith.constant 15 : i32
    %get3A_1192 = arith.index_cast %get3A_1191 : i32 to index
    %get3A_1193 = arith.constant 48 : index
    %get3A_1194 = tpu.vector_load %arg7[%get3A_1192, %get3A_1193] {strides = array<i32>} : memref<32x128xf32, #tpu.memory_space<vmem>>, vector<1x16xf32>,
    %get3A_1195 = vector.shape_cast %get3A_1194 : vector<1x16xf32> to vector<16xf32>
    %get3A_1196 = arith.constant 15 : i32
    %get3A_1197 = arith.index_cast %get3A_1196 : i32 to index
    %get3A_1198 = arith.constant 112 : index
    %get3A_1199 = tpu.vector_load %arg7[%get3A_1197, %get3A_1198] {strides = array<i32>} : memref<32x128xf32, #tpu.memory_space<vmem>>, vector<1x16xf32>,
    %get3A_1200 = vector.shape_cast %get3A_1199 : vector<1x16xf32> to vector<16xf32>
    %select_n3A_1201 = arith.select %eq3A_1139, %get3A_1200, %get3A_1195 : vector<16xf32>
    %swap3A_1202 = arith.constant 15 : i32
    %swap3A_1203 = arith.index_cast %swap3A_1202 : i32 to index
    %swap3A_1204 = arith.constant 48 : index
    %swap3A_1205 = tpu.vector_load %arg8[%swap3A_1203, %swap3A_1204] {strides = array<i32>} : memref<32x64xf32, #tpu.memory_space<vmem>>, vector<1x16xf32>,
    %swap3A_1206 = vector.shape_cast %swap3A_1205 : vector<1x16xf32> to vector<16xf32>
    %swap3A_1207 = vector.shape_cast %select_n3A_1201 : vector<16xf32> to vector<1x16xf32>
    tpu.vector_store %arg8[%swap3A_1203, %swap3A_1204], %swap3A_1207 {strides = array<i32>} : memref<32x64xf32, #tpu.memory_space<vmem>>, vector<1x16xf32>,
    %get3A_1208 = arith.constant 16 : index
    %get3A_1209 = tpu.vector_load %arg6[%get3A_1208] {strides = array<i32>} : memref<32xi32, #tpu.memory_space<vmem>>, vector<16xi32>,
    %get3A_1210 = vector.shape_cast %get3A_1209 : vector<16xi32> to vector<16xi32>
    %slice3A_1211 = vector.extract_strided_slice %get3A_1210 {offsets = [0], sizes = [1], strides = [1]} : vector<16xi32> to vector<1xi32>
    %squeeze3A_1212 = vector.extract %slice3A_1211[0] : i32 from vector<1xi32>
    %eq3A_1213 = arith.constant 1 : i32
    %eq3A_1214 = arith.cmpi eq, %squeeze3A_1212, %eq3A_1213 : i32
    %get3A_1215 = arith.constant 16 : i32
    %get3A_1216 = arith.index_cast %get3A_1215 : i32 to index
    %get3A_1217 = arith.constant 0 : index
    %get3A_1218 = tpu.vector_load %arg7[%get3A_1216, %get3A_1217] {strides = array<i32>} : memref<32x128xf32, #tpu.memory_space<vmem>>, vector<1x16xf32>,
    %get3A_1219 = vector.shape_cast %get3A_1218 : vector<1x16xf32> to vector<16xf32>
    %get3A_1220 = arith.constant 16 : i32
    %get3A_1221 = arith.index_cast %get3A_1220 : i32 to index
    %get3A_1222 = arith.constant 64 : index
    %get3A_1223 = tpu.vector_load %arg7[%get3A_1221, %get3A_1222] {strides = array<i32>} : memref<32x128xf32, #tpu.memory_space<vmem>>, vector<1x16xf32>,
    %get3A_1224 = vector.shape_cast %get3A_1223 : vector<1x16xf32> to vector<16xf32>
    %select_n3A_1225 = arith.select %eq3A_1214, %get3A_1224, %get3A_1219 : vector<16xf32>
    %swap3A_1226 = arith.constant 16 : i32
    %swap3A_1227 = arith.index_cast %swap3A_1226 : i32 to index
    %swap3A_1228 = arith.constant 0 : index
    %swap3A_1229 = tpu.vector_load %arg8[%swap3A_1227, %swap3A_1228] {strides = array<i32>} : memref<32x64xf32, #tpu.memory_space<vmem>>, vector<1x16xf32>,
    %swap3A_1230 = vector.shape_cast %swap3A_1229 : vector<1x16xf32> to vector<16xf32>
    %swap3A_1231 = vector.shape_cast %select_n3A_1225 : vector<16xf32> to vector<1x16xf32>
    tpu.vector_store %arg8[%swap3A_1227, %swap3A_1228], %swap3A_1231 {strides = array<i32>} : memref<32x64xf32, #tpu.memory_space<vmem>>, vector<1x16xf32>,
    %get3A_1232 = arith.constant 16 : i32
    %get3A_1233 = arith.index_cast %get3A_1232 : i32 to index
    %get3A_1234 = arith.constant 16 : index
    %get3A_1235 = tpu.vector_load %arg7[%get3A_1233, %get3A_1234] {strides = array<i32>} : memref<32x128xf32, #tpu.memory_space<vmem>>, vector<1x16xf32>,
    %get3A_1236 = vector.shape_cast %get3A_1235 : vector<1x16xf32> to vector<16xf32>
    %get3A_1237 = arith.constant 16 : i32
    %get3A_1238 = arith.index_cast %get3A_1237 : i32 to index
    %get3A_1239 = arith.constant 80 : index
    %get3A_1240 = tpu.vector_load %arg7[%get3A_1238, %get3A_1239] {strides = array<i32>} : memref<32x128xf32, #tpu.memory_space<vmem>>, vector<1x16xf32>,
    %get3A_1241 = vector.shape_cast %get3A_1240 : vector<1x16xf32> to vector<16xf32>
    %select_n3A_1242 = arith.select %eq3A_1214, %get3A_1241, %get3A_1236 : vector<16xf32>
    %swap3A_1243 = arith.constant 16 : i32
    %swap3A_1244 = arith.index_cast %swap3A_1243 : i32 to index
    %swap3A_1245 = arith.constant 16 : index
    %swap3A_1246 = tpu.vector_load %arg8[%swap3A_1244, %swap3A_1245] {strides = array<i32>} : memref<32x64xf32, #tpu.memory_space<vmem>>, vector<1x16xf32>,
    %swap3A_1247 = vector.shape_cast %swap3A_1246 : vector<1x16xf32> to vector<16xf32>
    %swap3A_1248 = vector.shape_cast %select_n3A_1242 : vector<16xf32> to vector<1x16xf32>
    tpu.vector_store %arg8[%swap3A_1244, %swap3A_1245], %swap3A_1248 {strides = array<i32>} : memref<32x64xf32, #tpu.memory_space<vmem>>, vector<1x16xf32>,
    %get3A_1249 = arith.constant 16 : i32
    %get3A_1250 = arith.index_cast %get3A_1249 : i32 to index
    %get3A_1251 = arith.constant 32 : index
    %get3A_1252 = tpu.vector_load %arg7[%get3A_1250, %get3A_1251] {strides = array<i32>} : memref<32x128xf32, #tpu.memory_space<vmem>>, vector<1x16xf32>,
    %get3A_1253 = vector.shape_cast %get3A_1252 : vector<1x16xf32> to vector<16xf32>
    %get3A_1254 = arith.constant 16 : i32
    %get3A_1255 = arith.index_cast %get3A_1254 : i32 to index
    %get3A_1256 = arith.constant 96 : index
    %get3A_1257 = tpu.vector_load %arg7[%get3A_1255, %get3A_1256] {strides = array<i32>} : memref<32x128xf32, #tpu.memory_space<vmem>>, vector<1x16xf32>,
    %get3A_1258 = vector.shape_cast %get3A_1257 : vector<1x16xf32> to vector<16xf32>
    %select_n3A_1259 = arith.select %eq3A_1214, %get3A_1258, %get3A_1253 : vector<16xf32>
    %swap3A_1260 = arith.constant 16 : i32
    %swap3A_1261 = arith.index_cast %swap3A_1260 : i32 to index
    %swap3A_1262 = arith.constant 32 : index
    %swap3A_1263 = tpu.vector_load %arg8[%swap3A_1261, %swap3A_1262] {strides = array<i32>} : memref<32x64xf32, #tpu.memory_space<vmem>>, vector<1x16xf32>,
    %swap3A_1264 = vector.shape_cast %swap3A_1263 : vector<1x16xf32> to vector<16xf32>
    %swap3A_1265 = vector.shape_cast %select_n3A_1259 : vector<16xf32> to vector<1x16xf32>
    tpu.vector_store %arg8[%swap3A_1261, %swap3A_1262], %swap3A_1265 {strides = array<i32>} : memref<32x64xf32, #tpu.memory_space<vmem>>, vector<1x16xf32>,
    %get3A_1266 = arith.constant 16 : i32
    %get3A_1267 = arith.index_cast %get3A_1266 : i32 to index
    %get3A_1268 = arith.constant 48 : index
    %get3A_1269 = tpu.vector_load %arg7[%get3A_1267, %get3A_1268] {strides = array<i32>} : memref<32x128xf32, #tpu.memory_space<vmem>>, vector<1x16xf32>,
    %get3A_1270 = vector.shape_cast %get3A_1269 : vector<1x16xf32> to vector<16xf32>
    %get3A_1271 = arith.constant 16 : i32
    %get3A_1272 = arith.index_cast %get3A_1271 : i32 to index
    %get3A_1273 = arith.constant 112 : index
    %get3A_1274 = tpu.vector_load %arg7[%get3A_1272, %get3A_1273] {strides = array<i32>} : memref<32x128xf32, #tpu.memory_space<vmem>>, vector<1x16xf32>,
    %get3A_1275 = vector.shape_cast %get3A_1274 : vector<1x16xf32> to vector<16xf32>
    %select_n3A_1276 = arith.select %eq3A_1214, %get3A_1275, %get3A_1270 : vector<16xf32>
    %swap3A_1277 = arith.constant 16 : i32
    %swap3A_1278 = arith.index_cast %swap3A_1277 : i32 to index
    %swap3A_1279 = arith.constant 48 : index
    %swap3A_1280 = tpu.vector_load %arg8[%swap3A_1278, %swap3A_1279] {strides = array<i32>} : memref<32x64xf32, #tpu.memory_space<vmem>>, vector<1x16xf32>,
    %swap3A_1281 = vector.shape_cast %swap3A_1280 : vector<1x16xf32> to vector<16xf32>
    %swap3A_1282 = vector.shape_cast %select_n3A_1276 : vector<16xf32> to vector<1x16xf32>
    tpu.vector_store %arg8[%swap3A_1278, %swap3A_1279], %swap3A_1282 {strides = array<i32>} : memref<32x64xf32, #tpu.memory_space<vmem>>, vector<1x16xf32>,
    %slice3A_1283 = vector.extract_strided_slice %get3A_1210 {offsets = [1], sizes = [1], strides = [1]} : vector<16xi32> to vector<1xi32>
    %squeeze3A_1284 = vector.extract %slice3A_1283[0] : i32 from vector<1xi32>
    %eq3A_1285 = arith.constant 1 : i32
    %eq3A_1286 = arith.cmpi eq, %squeeze3A_1284, %eq3A_1285 : i32
    %get3A_1287 = arith.constant 17 : i32
    %get3A_1288 = arith.index_cast %get3A_1287 : i32 to index
    %get3A_1289 = arith.constant 0 : index
    %get3A_1290 = tpu.vector_load %arg7[%get3A_1288, %get3A_1289] {strides = array<i32>} : memref<32x128xf32, #tpu.memory_space<vmem>>, vector<1x16xf32>,
    %get3A_1291 = vector.shape_cast %get3A_1290 : vector<1x16xf32> to vector<16xf32>
    %get3A_1292 = arith.constant 17 : i32
    %get3A_1293 = arith.index_cast %get3A_1292 : i32 to index
    %get3A_1294 = arith.constant 64 : index
    %get3A_1295 = tpu.vector_load %arg7[%get3A_1293, %get3A_1294] {strides = array<i32>} : memref<32x128xf32, #tpu.memory_space<vmem>>, vector<1x16xf32>,
    %get3A_1296 = vector.shape_cast %get3A_1295 : vector<1x16xf32> to vector<16xf32>
    %select_n3A_1297 = arith.select %eq3A_1286, %get3A_1296, %get3A_1291 : vector<16xf32>
    %swap3A_1298 = arith.constant 17 : i32
    %swap3A_1299 = arith.index_cast %swap3A_1298 : i32 to index
    %swap3A_1300 = arith.constant 0 : index
    %swap3A_1301 = tpu.vector_load %arg8[%swap3A_1299, %swap3A_1300] {strides = array<i32>} : memref<32x64xf32, #tpu.memory_space<vmem>>, vector<1x16xf32>,
    %swap3A_1302 = vector.shape_cast %swap3A_1301 : vector<1x16xf32> to vector<16xf32>
    %swap3A_1303 = vector.shape_cast %select_n3A_1297 : vector<16xf32> to vector<1x16xf32>
    tpu.vector_store %arg8[%swap3A_1299, %swap3A_1300], %swap3A_1303 {strides = array<i32>} : memref<32x64xf32, #tpu.memory_space<vmem>>, vector<1x16xf32>,
    %get3A_1304 = arith.constant 17 : i32
    %get3A_1305 = arith.index_cast %get3A_1304 : i32 to index
    %get3A_1306 = arith.constant 16 : index
    %get3A_1307 = tpu.vector_load %arg7[%get3A_1305, %get3A_1306] {strides = array<i32>} : memref<32x128xf32, #tpu.memory_space<vmem>>, vector<1x16xf32>,
    %get3A_1308 = vector.shape_cast %get3A_1307 : vector<1x16xf32> to vector<16xf32>
    %get3A_1309 = arith.constant 17 : i32
    %get3A_1310 = arith.index_cast %get3A_1309 : i32 to index
    %get3A_1311 = arith.constant 80 : index
    %get3A_1312 = tpu.vector_load %arg7[%get3A_1310, %get3A_1311] {strides = array<i32>} : memref<32x128xf32, #tpu.memory_space<vmem>>, vector<1x16xf32>,
    %get3A_1313 = vector.shape_cast %get3A_1312 : vector<1x16xf32> to vector<16xf32>
    %select_n3A_1314 = arith.select %eq3A_1286, %get3A_1313, %get3A_1308 : vector<16xf32>
    %swap3A_1315 = arith.constant 17 : i32
    %swap3A_1316 = arith.index_cast %swap3A_1315 : i32 to index
    %swap3A_1317 = arith.constant 16 : index
    %swap3A_1318 = tpu.vector_load %arg8[%swap3A_1316, %swap3A_1317] {strides = array<i32>} : memref<32x64xf32, #tpu.memory_space<vmem>>, vector<1x16xf32>,
    %swap3A_1319 = vector.shape_cast %swap3A_1318 : vector<1x16xf32> to vector<16xf32>
    %swap3A_1320 = vector.shape_cast %select_n3A_1314 : vector<16xf32> to vector<1x16xf32>
    tpu.vector_store %arg8[%swap3A_1316, %swap3A_1317], %swap3A_1320 {strides = array<i32>} : memref<32x64xf32, #tpu.memory_space<vmem>>, vector<1x16xf32>,
    %get3A_1321 = arith.constant 17 : i32
    %get3A_1322 = arith.index_cast %get3A_1321 : i32 to index
    %get3A_1323 = arith.constant 32 : index
    %get3A_1324 = tpu.vector_load %arg7[%get3A_1322, %get3A_1323] {strides = array<i32>} : memref<32x128xf32, #tpu.memory_space<vmem>>, vector<1x16xf32>,
    %get3A_1325 = vector.shape_cast %get3A_1324 : vector<1x16xf32> to vector<16xf32>
    %get3A_1326 = arith.constant 17 : i32
    %get3A_1327 = arith.index_cast %get3A_1326 : i32 to index
    %get3A_1328 = arith.constant 96 : index
    %get3A_1329 = tpu.vector_load %arg7[%get3A_1327, %get3A_1328] {strides = array<i32>} : memref<32x128xf32, #tpu.memory_space<vmem>>, vector<1x16xf32>,
    %get3A_1330 = vector.shape_cast %get3A_1329 : vector<1x16xf32> to vector<16xf32>
    %select_n3A_1331 = arith.select %eq3A_1286, %get3A_1330, %get3A_1325 : vector<16xf32>
    %swap3A_1332 = arith.constant 17 : i32
    %swap3A_1333 = arith.index_cast %swap3A_1332 : i32 to index
    %swap3A_1334 = arith.constant 32 : index
    %swap3A_1335 = tpu.vector_load %arg8[%swap3A_1333, %swap3A_1334] {strides = array<i32>} : memref<32x64xf32, #tpu.memory_space<vmem>>, vector<1x16xf32>,
    %swap3A_1336 = vector.shape_cast %swap3A_1335 : vector<1x16xf32> to vector<16xf32>
    %swap3A_1337 = vector.shape_cast %select_n3A_1331 : vector<16xf32> to vector<1x16xf32>
    tpu.vector_store %arg8[%swap3A_1333, %swap3A_1334], %swap3A_1337 {strides = array<i32>} : memref<32x64xf32, #tpu.memory_space<vmem>>, vector<1x16xf32>,
    %get3A_1338 = arith.constant 17 : i32
    %get3A_1339 = arith.index_cast %get3A_1338 : i32 to index
    %get3A_1340 = arith.constant 48 : index
    %get3A_1341 = tpu.vector_load %arg7[%get3A_1339, %get3A_1340] {strides = array<i32>} : memref<32x128xf32, #tpu.memory_space<vmem>>, vector<1x16xf32>,
    %get3A_1342 = vector.shape_cast %get3A_1341 : vector<1x16xf32> to vector<16xf32>
    %get3A_1343 = arith.constant 17 : i32
    %get3A_1344 = arith.index_cast %get3A_1343 : i32 to index
    %get3A_1345 = arith.constant 112 : index
    %get3A_1346 = tpu.vector_load %arg7[%get3A_1344, %get3A_1345] {strides = array<i32>} : memref<32x128xf32, #tpu.memory_space<vmem>>, vector<1x16xf32>,
    %get3A_1347 = vector.shape_cast %get3A_1346 : vector<1x16xf32> to vector<16xf32>
    %select_n3A_1348 = arith.select %eq3A_1286, %get3A_1347, %get3A_1342 : vector<16xf32>
    %swap3A_1349 = arith.constant 17 : i32
    %swap3A_1350 = arith.index_cast %swap3A_1349 : i32 to index
    %swap3A_1351 = arith.constant 48 : index
    %swap3A_1352 = tpu.vector_load %arg8[%swap3A_1350, %swap3A_1351] {strides = array<i32>} : memref<32x64xf32, #tpu.memory_space<vmem>>, vector<1x16xf32>,
    %swap3A_1353 = vector.shape_cast %swap3A_1352 : vector<1x16xf32> to vector<16xf32>
    %swap3A_1354 = vector.shape_cast %select_n3A_1348 : vector<16xf32> to vector<1x16xf32>
    tpu.vector_store %arg8[%swap3A_1350, %swap3A_1351], %swap3A_1354 {strides = array<i32>} : memref<32x64xf32, #tpu.memory_space<vmem>>, vector<1x16xf32>,
    %slice3A_1355 = vector.extract_strided_slice %get3A_1210 {offsets = [2], sizes = [1], strides = [1]} : vector<16xi32> to vector<1xi32>
    %squeeze3A_1356 = vector.extract %slice3A_1355[0] : i32 from vector<1xi32>
    %eq3A_1357 = arith.constant 1 : i32
    %eq3A_1358 = arith.cmpi eq, %squeeze3A_1356, %eq3A_1357 : i32
    %get3A_1359 = arith.constant 18 : i32
    %get3A_1360 = arith.index_cast %get3A_1359 : i32 to index
    %get3A_1361 = arith.constant 0 : index
    %get3A_1362 = tpu.vector_load %arg7[%get3A_1360, %get3A_1361] {strides = array<i32>} : memref<32x128xf32, #tpu.memory_space<vmem>>, vector<1x16xf32>,
    %get3A_1363 = vector.shape_cast %get3A_1362 : vector<1x16xf32> to vector<16xf32>
    %get3A_1364 = arith.constant 18 : i32
    %get3A_1365 = arith.index_cast %get3A_1364 : i32 to index
    %get3A_1366 = arith.constant 64 : index
    %get3A_1367 = tpu.vector_load %arg7[%get3A_1365, %get3A_1366] {strides = array<i32>} : memref<32x128xf32, #tpu.memory_space<vmem>>, vector<1x16xf32>,
    %get3A_1368 = vector.shape_cast %get3A_1367 : vector<1x16xf32> to vector<16xf32>
    %select_n3A_1369 = arith.select %eq3A_1358, %get3A_1368, %get3A_1363 : vector<16xf32>
    %swap3A_1370 = arith.constant 18 : i32
    %swap3A_1371 = arith.index_cast %swap3A_1370 : i32 to index
    %swap3A_1372 = arith.constant 0 : index
    %swap3A_1373 = tpu.vector_load %arg8[%swap3A_1371, %swap3A_1372] {strides = array<i32>} : memref<32x64xf32, #tpu.memory_space<vmem>>, vector<1x16xf32>,
    %swap3A_1374 = vector.shape_cast %swap3A_1373 : vector<1x16xf32> to vector<16xf32>
    %swap3A_1375 = vector.shape_cast %select_n3A_1369 : vector<16xf32> to vector<1x16xf32>
    tpu.vector_store %arg8[%swap3A_1371, %swap3A_1372], %swap3A_1375 {strides = array<i32>} : memref<32x64xf32, #tpu.memory_space<vmem>>, vector<1x16xf32>,
    %get3A_1376 = arith.constant 18 : i32
    %get3A_1377 = arith.index_cast %get3A_1376 : i32 to index
    %get3A_1378 = arith.constant 16 : index
    %get3A_1379 = tpu.vector_load %arg7[%get3A_1377, %get3A_1378] {strides = array<i32>} : memref<32x128xf32, #tpu.memory_space<vmem>>, vector<1x16xf32>,
    %get3A_1380 = vector.shape_cast %get3A_1379 : vector<1x16xf32> to vector<16xf32>
    %get3A_1381 = arith.constant 18 : i32
    %get3A_1382 = arith.index_cast %get3A_1381 : i32 to index
    %get3A_1383 = arith.constant 80 : index
    %get3A_1384 = tpu.vector_load %arg7[%get3A_1382, %get3A_1383] {strides = array<i32>} : memref<32x128xf32, #tpu.memory_space<vmem>>, vector<1x16xf32>,
    %get3A_1385 = vector.shape_cast %get3A_1384 : vector<1x16xf32> to vector<16xf32>
    %select_n3A_1386 = arith.select %eq3A_1358, %get3A_1385, %get3A_1380 : vector<16xf32>
    %swap3A_1387 = arith.constant 18 : i32
    %swap3A_1388 = arith.index_cast %swap3A_1387 : i32 to index
    %swap3A_1389 = arith.constant 16 : index
    %swap3A_1390 = tpu.vector_load %arg8[%swap3A_1388, %swap3A_1389] {strides = array<i32>} : memref<32x64xf32, #tpu.memory_space<vmem>>, vector<1x16xf32>,
    %swap3A_1391 = vector.shape_cast %swap3A_1390 : vector<1x16xf32> to vector<16xf32>
    %swap3A_1392 = vector.shape_cast %select_n3A_1386 : vector<16xf32> to vector<1x16xf32>
    tpu.vector_store %arg8[%swap3A_1388, %swap3A_1389], %swap3A_1392 {strides = array<i32>} : memref<32x64xf32, #tpu.memory_space<vmem>>, vector<1x16xf32>,
    %get3A_1393 = arith.constant 18 : i32
    %get3A_1394 = arith.index_cast %get3A_1393 : i32 to index
    %get3A_1395 = arith.constant 32 : index
    %get3A_1396 = tpu.vector_load %arg7[%get3A_1394, %get3A_1395] {strides = array<i32>} : memref<32x128xf32, #tpu.memory_space<vmem>>, vector<1x16xf32>,
    %get3A_1397 = vector.shape_cast %get3A_1396 : vector<1x16xf32> to vector<16xf32>
    %get3A_1398 = arith.constant 18 : i32
    %get3A_1399 = arith.index_cast %get3A_1398 : i32 to index
    %get3A_1400 = arith.constant 96 : index
    %get3A_1401 = tpu.vector_load %arg7[%get3A_1399, %get3A_1400] {strides = array<i32>} : memref<32x128xf32, #tpu.memory_space<vmem>>, vector<1x16xf32>,
    %get3A_1402 = vector.shape_cast %get3A_1401 : vector<1x16xf32> to vector<16xf32>
    %select_n3A_1403 = arith.select %eq3A_1358, %get3A_1402, %get3A_1397 : vector<16xf32>
    %swap3A_1404 = arith.constant 18 : i32
    %swap3A_1405 = arith.index_cast %swap3A_1404 : i32 to index
    %swap3A_1406 = arith.constant 32 : index
    %swap3A_1407 = tpu.vector_load %arg8[%swap3A_1405, %swap3A_1406] {strides = array<i32>} : memref<32x64xf32, #tpu.memory_space<vmem>>, vector<1x16xf32>,
    %swap3A_1408 = vector.shape_cast %swap3A_1407 : vector<1x16xf32> to vector<16xf32>
    %swap3A_1409 = vector.shape_cast %select_n3A_1403 : vector<16xf32> to vector<1x16xf32>
    tpu.vector_store %arg8[%swap3A_1405, %swap3A_1406], %swap3A_1409 {strides = array<i32>} : memref<32x64xf32, #tpu.memory_space<vmem>>, vector<1x16xf32>,
    %get3A_1410 = arith.constant 18 : i32
    %get3A_1411 = arith.index_cast %get3A_1410 : i32 to index
    %get3A_1412 = arith.constant 48 : index
    %get3A_1413 = tpu.vector_load %arg7[%get3A_1411, %get3A_1412] {strides = array<i32>} : memref<32x128xf32, #tpu.memory_space<vmem>>, vector<1x16xf32>,
    %get3A_1414 = vector.shape_cast %get3A_1413 : vector<1x16xf32> to vector<16xf32>
    %get3A_1415 = arith.constant 18 : i32
    %get3A_1416 = arith.index_cast %get3A_1415 : i32 to index
    %get3A_1417 = arith.constant 112 : index
    %get3A_1418 = tpu.vector_load %arg7[%get3A_1416, %get3A_1417] {strides = array<i32>} : memref<32x128xf32, #tpu.memory_space<vmem>>, vector<1x16xf32>,
    %get3A_1419 = vector.shape_cast %get3A_1418 : vector<1x16xf32> to vector<16xf32>
    %select_n3A_1420 = arith.select %eq3A_1358, %get3A_1419, %get3A_1414 : vector<16xf32>
    %swap3A_1421 = arith.constant 18 : i32
    %swap3A_1422 = arith.index_cast %swap3A_1421 : i32 to index
    %swap3A_1423 = arith.constant 48 : index
    %swap3A_1424 = tpu.vector_load %arg8[%swap3A_1422, %swap3A_1423] {strides = array<i32>} : memref<32x64xf32, #tpu.memory_space<vmem>>, vector<1x16xf32>,
    %swap3A_1425 = vector.shape_cast %swap3A_1424 : vector<1x16xf32> to vector<16xf32>
    %swap3A_1426 = vector.shape_cast %select_n3A_1420 : vector<16xf32> to vector<1x16xf32>
    tpu.vector_store %arg8[%swap3A_1422, %swap3A_1423], %swap3A_1426 {strides = array<i32>} : memref<32x64xf32, #tpu.memory_space<vmem>>, vector<1x16xf32>,
    %slice3A_1427 = vector.extract_strided_slice %get3A_1210 {offsets = [3], sizes = [1], strides = [1]} : vector<16xi32> to vector<1xi32>
    %squeeze3A_1428 = vector.extract %slice3A_1427[0] : i32 from vector<1xi32>
    %eq3A_1429 = arith.constant 1 : i32
    %eq3A_1430 = arith.cmpi eq, %squeeze3A_1428, %eq3A_1429 : i32
    %get3A_1431 = arith.constant 19 : i32
    %get3A_1432 = arith.index_cast %get3A_1431 : i32 to index
    %get3A_1433 = arith.constant 0 : index
    %get3A_1434 = tpu.vector_load %arg7[%get3A_1432, %get3A_1433] {strides = array<i32>} : memref<32x128xf32, #tpu.memory_space<vmem>>, vector<1x16xf32>,
    %get3A_1435 = vector.shape_cast %get3A_1434 : vector<1x16xf32> to vector<16xf32>
    %get3A_1436 = arith.constant 19 : i32
    %get3A_1437 = arith.index_cast %get3A_1436 : i32 to index
    %get3A_1438 = arith.constant 64 : index
    %get3A_1439 = tpu.vector_load %arg7[%get3A_1437, %get3A_1438] {strides = array<i32>} : memref<32x128xf32, #tpu.memory_space<vmem>>, vector<1x16xf32>,
    %get3A_1440 = vector.shape_cast %get3A_1439 : vector<1x16xf32> to vector<16xf32>
    %select_n3A_1441 = arith.select %eq3A_1430, %get3A_1440, %get3A_1435 : vector<16xf32>
    %swap3A_1442 = arith.constant 19 : i32
    %swap3A_1443 = arith.index_cast %swap3A_1442 : i32 to index
    %swap3A_1444 = arith.constant 0 : index
    %swap3A_1445 = tpu.vector_load %arg8[%swap3A_1443, %swap3A_1444] {strides = array<i32>} : memref<32x64xf32, #tpu.memory_space<vmem>>, vector<1x16xf32>,
    %swap3A_1446 = vector.shape_cast %swap3A_1445 : vector<1x16xf32> to vector<16xf32>
    %swap3A_1447 = vector.shape_cast %select_n3A_1441 : vector<16xf32> to vector<1x16xf32>
    tpu.vector_store %arg8[%swap3A_1443, %swap3A_1444], %swap3A_1447 {strides = array<i32>} : memref<32x64xf32, #tpu.memory_space<vmem>>, vector<1x16xf32>,
    %get3A_1448 = arith.constant 19 : i32
    %get3A_1449 = arith.index_cast %get3A_1448 : i32 to index
    %get3A_1450 = arith.constant 16 : index
    %get3A_1451 = tpu.vector_load %arg7[%get3A_1449, %get3A_1450] {strides = array<i32>} : memref<32x128xf32, #tpu.memory_space<vmem>>, vector<1x16xf32>,
    %get3A_1452 = vector.shape_cast %get3A_1451 : vector<1x16xf32> to vector<16xf32>
    %get3A_1453 = arith.constant 19 : i32
    %get3A_1454 = arith.index_cast %get3A_1453 : i32 to index
    %get3A_1455 = arith.constant 80 : index
    %get3A_1456 = tpu.vector_load %arg7[%get3A_1454, %get3A_1455] {strides = array<i32>} : memref<32x128xf32, #tpu.memory_space<vmem>>, vector<1x16xf32>,
    %get3A_1457 = vector.shape_cast %get3A_1456 : vector<1x16xf32> to vector<16xf32>
    %select_n3A_1458 = arith.select %eq3A_1430, %get3A_1457, %get3A_1452 : vector<16xf32>
    %swap3A_1459 = arith.constant 19 : i32
    %swap3A_1460 = arith.index_cast %swap3A_1459 : i32 to index
    %swap3A_1461 = arith.constant 16 : index
    %swap3A_1462 = tpu.vector_load %arg8[%swap3A_1460, %swap3A_1461] {strides = array<i32>} : memref<32x64xf32, #tpu.memory_space<vmem>>, vector<1x16xf32>,
    %swap3A_1463 = vector.shape_cast %swap3A_1462 : vector<1x16xf32> to vector<16xf32>
    %swap3A_1464 = vector.shape_cast %select_n3A_1458 : vector<16xf32> to vector<1x16xf32>
    tpu.vector_store %arg8[%swap3A_1460, %swap3A_1461], %swap3A_1464 {strides = array<i32>} : memref<32x64xf32, #tpu.memory_space<vmem>>, vector<1x16xf32>,
    %get3A_1465 = arith.constant 19 : i32
    %get3A_1466 = arith.index_cast %get3A_1465 : i32 to index
    %get3A_1467 = arith.constant 32 : index
    %get3A_1468 = tpu.vector_load %arg7[%get3A_1466, %get3A_1467] {strides = array<i32>} : memref<32x128xf32, #tpu.memory_space<vmem>>, vector<1x16xf32>,
    %get3A_1469 = vector.shape_cast %get3A_1468 : vector<1x16xf32> to vector<16xf32>
    %get3A_1470 = arith.constant 19 : i32
    %get3A_1471 = arith.index_cast %get3A_1470 : i32 to index
    %get3A_1472 = arith.constant 96 : index
    %get3A_1473 = tpu.vector_load %arg7[%get3A_1471, %get3A_1472] {strides = array<i32>} : memref<32x128xf32, #tpu.memory_space<vmem>>, vector<1x16xf32>,
    %get3A_1474 = vector.shape_cast %get3A_1473 : vector<1x16xf32> to vector<16xf32>
    %select_n3A_1475 = arith.select %eq3A_1430, %get3A_1474, %get3A_1469 : vector<16xf32>
    %swap3A_1476 = arith.constant 19 : i32
    %swap3A_1477 = arith.index_cast %swap3A_1476 : i32 to index
    %swap3A_1478 = arith.constant 32 : index
    %swap3A_1479 = tpu.vector_load %arg8[%swap3A_1477, %swap3A_1478] {strides = array<i32>} : memref<32x64xf32, #tpu.memory_space<vmem>>, vector<1x16xf32>,
    %swap3A_1480 = vector.shape_cast %swap3A_1479 : vector<1x16xf32> to vector<16xf32>
    %swap3A_1481 = vector.shape_cast %select_n3A_1475 : vector<16xf32> to vector<1x16xf32>
    tpu.vector_store %arg8[%swap3A_1477, %swap3A_1478], %swap3A_1481 {strides = array<i32>} : memref<32x64xf32, #tpu.memory_space<vmem>>, vector<1x16xf32>,
    %get3A_1482 = arith.constant 19 : i32
    %get3A_1483 = arith.index_cast %get3A_1482 : i32 to index
    %get3A_1484 = arith.constant 48 : index
    %get3A_1485 = tpu.vector_load %arg7[%get3A_1483, %get3A_1484] {strides = array<i32>} : memref<32x128xf32, #tpu.memory_space<vmem>>, vector<1x16xf32>,
    %get3A_1486 = vector.shape_cast %get3A_1485 : vector<1x16xf32> to vector<16xf32>
    %get3A_1487 = arith.constant 19 : i32
    %get3A_1488 = arith.index_cast %get3A_1487 : i32 to index
    %get3A_1489 = arith.constant 112 : index
    %get3A_1490 = tpu.vector_load %arg7[%get3A_1488, %get3A_1489] {strides = array<i32>} : memref<32x128xf32, #tpu.memory_space<vmem>>, vector<1x16xf32>,
    %get3A_1491 = vector.shape_cast %get3A_1490 : vector<1x16xf32> to vector<16xf32>
    %select_n3A_1492 = arith.select %eq3A_1430, %get3A_1491, %get3A_1486 : vector<16xf32>
    %swap3A_1493 = arith.constant 19 : i32
    %swap3A_1494 = arith.index_cast %swap3A_1493 : i32 to index
    %swap3A_1495 = arith.constant 48 : index
    %swap3A_1496 = tpu.vector_load %arg8[%swap3A_1494, %swap3A_1495] {strides = array<i32>} : memref<32x64xf32, #tpu.memory_space<vmem>>, vector<1x16xf32>,
    %swap3A_1497 = vector.shape_cast %swap3A_1496 : vector<1x16xf32> to vector<16xf32>
    %swap3A_1498 = vector.shape_cast %select_n3A_1492 : vector<16xf32> to vector<1x16xf32>
    tpu.vector_store %arg8[%swap3A_1494, %swap3A_1495], %swap3A_1498 {strides = array<i32>} : memref<32x64xf32, #tpu.memory_space<vmem>>, vector<1x16xf32>,
    %slice3A_1499 = vector.extract_strided_slice %get3A_1210 {offsets = [4], sizes = [1], strides = [1]} : vector<16xi32> to vector<1xi32>
    %squeeze3A_1500 = vector.extract %slice3A_1499[0] : i32 from vector<1xi32>
    %eq3A_1501 = arith.constant 1 : i32
    %eq3A_1502 = arith.cmpi eq, %squeeze3A_1500, %eq3A_1501 : i32
    %get3A_1503 = arith.constant 20 : i32
    %get3A_1504 = arith.index_cast %get3A_1503 : i32 to index
    %get3A_1505 = arith.constant 0 : index
    %get3A_1506 = tpu.vector_load %arg7[%get3A_1504, %get3A_1505] {strides = array<i32>} : memref<32x128xf32, #tpu.memory_space<vmem>>, vector<1x16xf32>,
    %get3A_1507 = vector.shape_cast %get3A_1506 : vector<1x16xf32> to vector<16xf32>
    %get3A_1508 = arith.constant 20 : i32
    %get3A_1509 = arith.index_cast %get3A_1508 : i32 to index
    %get3A_1510 = arith.constant 64 : index
    %get3A_1511 = tpu.vector_load %arg7[%get3A_1509, %get3A_1510] {strides = array<i32>} : memref<32x128xf32, #tpu.memory_space<vmem>>, vector<1x16xf32>,
    %get3A_1512 = vector.shape_cast %get3A_1511 : vector<1x16xf32> to vector<16xf32>
    %select_n3A_1513 = arith.select %eq3A_1502, %get3A_1512, %get3A_1507 : vector<16xf32>
    %swap3A_1514 = arith.constant 20 : i32
    %swap3A_1515 = arith.index_cast %swap3A_1514 : i32 to index
    %swap3A_1516 = arith.constant 0 : index
    %swap3A_1517 = tpu.vector_load %arg8[%swap3A_1515, %swap3A_1516] {strides = array<i32>} : memref<32x64xf32, #tpu.memory_space<vmem>>, vector<1x16xf32>,
    %swap3A_1518 = vector.shape_cast %swap3A_1517 : vector<1x16xf32> to vector<16xf32>
    %swap3A_1519 = vector.shape_cast %select_n3A_1513 : vector<16xf32> to vector<1x16xf32>
    tpu.vector_store %arg8[%swap3A_1515, %swap3A_1516], %swap3A_1519 {strides = array<i32>} : memref<32x64xf32, #tpu.memory_space<vmem>>, vector<1x16xf32>,
    %get3A_1520 = arith.constant 20 : i32
    %get3A_1521 = arith.index_cast %get3A_1520 : i32 to index
    %get3A_1522 = arith.constant 16 : index
    %get3A_1523 = tpu.vector_load %arg7[%get3A_1521, %get3A_1522] {strides = array<i32>} : memref<32x128xf32, #tpu.memory_space<vmem>>, vector<1x16xf32>,
    %get3A_1524 = vector.shape_cast %get3A_1523 : vector<1x16xf32> to vector<16xf32>
    %get3A_1525 = arith.constant 20 : i32
    %get3A_1526 = arith.index_cast %get3A_1525 : i32 to index
    %get3A_1527 = arith.constant 80 : index
    %get3A_1528 = tpu.vector_load %arg7[%get3A_1526, %get3A_1527] {strides = array<i32>} : memref<32x128xf32, #tpu.memory_space<vmem>>, vector<1x16xf32>,
    %get3A_1529 = vector.shape_cast %get3A_1528 : vector<1x16xf32> to vector<16xf32>
    %select_n3A_1530 = arith.select %eq3A_1502, %get3A_1529, %get3A_1524 : vector<16xf32>
    %swap3A_1531 = arith.constant 20 : i32
    %swap3A_1532 = arith.index_cast %swap3A_1531 : i32 to index
    %swap3A_1533 = arith.constant 16 : index
    %swap3A_1534 = tpu.vector_load %arg8[%swap3A_1532, %swap3A_1533] {strides = array<i32>} : memref<32x64xf32, #tpu.memory_space<vmem>>, vector<1x16xf32>,
    %swap3A_1535 = vector.shape_cast %swap3A_1534 : vector<1x16xf32> to vector<16xf32>
    %swap3A_1536 = vector.shape_cast %select_n3A_1530 : vector<16xf32> to vector<1x16xf32>
    tpu.vector_store %arg8[%swap3A_1532, %swap3A_1533], %swap3A_1536 {strides = array<i32>} : memref<32x64xf32, #tpu.memory_space<vmem>>, vector<1x16xf32>,
    %get3A_1537 = arith.constant 20 : i32
    %get3A_1538 = arith.index_cast %get3A_1537 : i32 to index
    %get3A_1539 = arith.constant 32 : index
    %get3A_1540 = tpu.vector_load %arg7[%get3A_1538, %get3A_1539] {strides = array<i32>} : memref<32x128xf32, #tpu.memory_space<vmem>>, vector<1x16xf32>,
    %get3A_1541 = vector.shape_cast %get3A_1540 : vector<1x16xf32> to vector<16xf32>
    %get3A_1542 = arith.constant 20 : i32
    %get3A_1543 = arith.index_cast %get3A_1542 : i32 to index
    %get3A_1544 = arith.constant 96 : index
    %get3A_1545 = tpu.vector_load %arg7[%get3A_1543, %get3A_1544] {strides = array<i32>} : memref<32x128xf32, #tpu.memory_space<vmem>>, vector<1x16xf32>,
    %get3A_1546 = vector.shape_cast %get3A_1545 : vector<1x16xf32> to vector<16xf32>
    %select_n3A_1547 = arith.select %eq3A_1502, %get3A_1546, %get3A_1541 : vector<16xf32>
    %swap3A_1548 = arith.constant 20 : i32
    %swap3A_1549 = arith.index_cast %swap3A_1548 : i32 to index
    %swap3A_1550 = arith.constant 32 : index
    %swap3A_1551 = tpu.vector_load %arg8[%swap3A_1549, %swap3A_1550] {strides = array<i32>} : memref<32x64xf32, #tpu.memory_space<vmem>>, vector<1x16xf32>,
    %swap3A_1552 = vector.shape_cast %swap3A_1551 : vector<1x16xf32> to vector<16xf32>
    %swap3A_1553 = vector.shape_cast %select_n3A_1547 : vector<16xf32> to vector<1x16xf32>
    tpu.vector_store %arg8[%swap3A_1549, %swap3A_1550], %swap3A_1553 {strides = array<i32>} : memref<32x64xf32, #tpu.memory_space<vmem>>, vector<1x16xf32>,
    %get3A_1554 = arith.constant 20 : i32
    %get3A_1555 = arith.index_cast %get3A_1554 : i32 to index
    %get3A_1556 = arith.constant 48 : index
    %get3A_1557 = tpu.vector_load %arg7[%get3A_1555, %get3A_1556] {strides = array<i32>} : memref<32x128xf32, #tpu.memory_space<vmem>>, vector<1x16xf32>,
    %get3A_1558 = vector.shape_cast %get3A_1557 : vector<1x16xf32> to vector<16xf32>
    %get3A_1559 = arith.constant 20 : i32
    %get3A_1560 = arith.index_cast %get3A_1559 : i32 to index
    %get3A_1561 = arith.constant 112 : index
    %get3A_1562 = tpu.vector_load %arg7[%get3A_1560, %get3A_1561] {strides = array<i32>} : memref<32x128xf32, #tpu.memory_space<vmem>>, vector<1x16xf32>,
    %get3A_1563 = vector.shape_cast %get3A_1562 : vector<1x16xf32> to vector<16xf32>
    %select_n3A_1564 = arith.select %eq3A_1502, %get3A_1563, %get3A_1558 : vector<16xf32>
    %swap3A_1565 = arith.constant 20 : i32
    %swap3A_1566 = arith.index_cast %swap3A_1565 : i32 to index
    %swap3A_1567 = arith.constant 48 : index
    %swap3A_1568 = tpu.vector_load %arg8[%swap3A_1566, %swap3A_1567] {strides = array<i32>} : memref<32x64xf32, #tpu.memory_space<vmem>>, vector<1x16xf32>,
    %swap3A_1569 = vector.shape_cast %swap3A_1568 : vector<1x16xf32> to vector<16xf32>
    %swap3A_1570 = vector.shape_cast %select_n3A_1564 : vector<16xf32> to vector<1x16xf32>
    tpu.vector_store %arg8[%swap3A_1566, %swap3A_1567], %swap3A_1570 {strides = array<i32>} : memref<32x64xf32, #tpu.memory_space<vmem>>, vector<1x16xf32>,
    %slice3A_1571 = vector.extract_strided_slice %get3A_1210 {offsets = [5], sizes = [1], strides = [1]} : vector<16xi32> to vector<1xi32>
    %squeeze3A_1572 = vector.extract %slice3A_1571[0] : i32 from vector<1xi32>
    %eq3A_1573 = arith.constant 1 : i32
    %eq3A_1574 = arith.cmpi eq, %squeeze3A_1572, %eq3A_1573 : i32
    %get3A_1575 = arith.constant 21 : i32
    %get3A_1576 = arith.index_cast %get3A_1575 : i32 to index
    %get3A_1577 = arith.constant 0 : index
    %get3A_1578 = tpu.vector_load %arg7[%get3A_1576, %get3A_1577] {strides = array<i32>} : memref<32x128xf32, #tpu.memory_space<vmem>>, vector<1x16xf32>,
    %get3A_1579 = vector.shape_cast %get3A_1578 : vector<1x16xf32> to vector<16xf32>
    %get3A_1580 = arith.constant 21 : i32
    %get3A_1581 = arith.index_cast %get3A_1580 : i32 to index
    %get3A_1582 = arith.constant 64 : index
    %get3A_1583 = tpu.vector_load %arg7[%get3A_1581, %get3A_1582] {strides = array<i32>} : memref<32x128xf32, #tpu.memory_space<vmem>>, vector<1x16xf32>,
    %get3A_1584 = vector.shape_cast %get3A_1583 : vector<1x16xf32> to vector<16xf32>
    %select_n3A_1585 = arith.select %eq3A_1574, %get3A_1584, %get3A_1579 : vector<16xf32>
    %swap3A_1586 = arith.constant 21 : i32
    %swap3A_1587 = arith.index_cast %swap3A_1586 : i32 to index
    %swap3A_1588 = arith.constant 0 : index
    %swap3A_1589 = tpu.vector_load %arg8[%swap3A_1587, %swap3A_1588] {strides = array<i32>} : memref<32x64xf32, #tpu.memory_space<vmem>>, vector<1x16xf32>,
    %swap3A_1590 = vector.shape_cast %swap3A_1589 : vector<1x16xf32> to vector<16xf32>
    %swap3A_1591 = vector.shape_cast %select_n3A_1585 : vector<16xf32> to vector<1x16xf32>
    tpu.vector_store %arg8[%swap3A_1587, %swap3A_1588], %swap3A_1591 {strides = array<i32>} : memref<32x64xf32, #tpu.memory_space<vmem>>, vector<1x16xf32>,
    %get3A_1592 = arith.constant 21 : i32
    %get3A_1593 = arith.index_cast %get3A_1592 : i32 to index
    %get3A_1594 = arith.constant 16 : index
    %get3A_1595 = tpu.vector_load %arg7[%get3A_1593, %get3A_1594] {strides = array<i32>} : memref<32x128xf32, #tpu.memory_space<vmem>>, vector<1x16xf32>,
    %get3A_1596 = vector.shape_cast %get3A_1595 : vector<1x16xf32> to vector<16xf32>
    %get3A_1597 = arith.constant 21 : i32
    %get3A_1598 = arith.index_cast %get3A_1597 : i32 to index
    %get3A_1599 = arith.constant 80 : index
    %get3A_1600 = tpu.vector_load %arg7[%get3A_1598, %get3A_1599] {strides = array<i32>} : memref<32x128xf32, #tpu.memory_space<vmem>>, vector<1x16xf32>,
    %get3A_1601 = vector.shape_cast %get3A_1600 : vector<1x16xf32> to vector<16xf32>
    %select_n3A_1602 = arith.select %eq3A_1574, %get3A_1601, %get3A_1596 : vector<16xf32>
    %swap3A_1603 = arith.constant 21 : i32
    %swap3A_1604 = arith.index_cast %swap3A_1603 : i32 to index
    %swap3A_1605 = arith.constant 16 : index
    %swap3A_1606 = tpu.vector_load %arg8[%swap3A_1604, %swap3A_1605] {strides = array<i32>} : memref<32x64xf32, #tpu.memory_space<vmem>>, vector<1x16xf32>,
    %swap3A_1607 = vector.shape_cast %swap3A_1606 : vector<1x16xf32> to vector<16xf32>
    %swap3A_1608 = vector.shape_cast %select_n3A_1602 : vector<16xf32> to vector<1x16xf32>
    tpu.vector_store %arg8[%swap3A_1604, %swap3A_1605], %swap3A_1608 {strides = array<i32>} : memref<32x64xf32, #tpu.memory_space<vmem>>, vector<1x16xf32>,
    %get3A_1609 = arith.constant 21 : i32
    %get3A_1610 = arith.index_cast %get3A_1609 : i32 to index
    %get3A_1611 = arith.constant 32 : index
    %get3A_1612 = tpu.vector_load %arg7[%get3A_1610, %get3A_1611] {strides = array<i32>} : memref<32x128xf32, #tpu.memory_space<vmem>>, vector<1x16xf32>,
    %get3A_1613 = vector.shape_cast %get3A_1612 : vector<1x16xf32> to vector<16xf32>
    %get3A_1614 = arith.constant 21 : i32
    %get3A_1615 = arith.index_cast %get3A_1614 : i32 to index
    %get3A_1616 = arith.constant 96 : index
    %get3A_1617 = tpu.vector_load %arg7[%get3A_1615, %get3A_1616] {strides = array<i32>} : memref<32x128xf32, #tpu.memory_space<vmem>>, vector<1x16xf32>,
    %get3A_1618 = vector.shape_cast %get3A_1617 : vector<1x16xf32> to vector<16xf32>
    %select_n3A_1619 = arith.select %eq3A_1574, %get3A_1618, %get3A_1613 : vector<16xf32>
    %swap3A_1620 = arith.constant 21 : i32
    %swap3A_1621 = arith.index_cast %swap3A_1620 : i32 to index
    %swap3A_1622 = arith.constant 32 : index
    %swap3A_1623 = tpu.vector_load %arg8[%swap3A_1621, %swap3A_1622] {strides = array<i32>} : memref<32x64xf32, #tpu.memory_space<vmem>>, vector<1x16xf32>,
    %swap3A_1624 = vector.shape_cast %swap3A_1623 : vector<1x16xf32> to vector<16xf32>
    %swap3A_1625 = vector.shape_cast %select_n3A_1619 : vector<16xf32> to vector<1x16xf32>
    tpu.vector_store %arg8[%swap3A_1621, %swap3A_1622], %swap3A_1625 {strides = array<i32>} : memref<32x64xf32, #tpu.memory_space<vmem>>, vector<1x16xf32>,
    %get3A_1626 = arith.constant 21 : i32
    %get3A_1627 = arith.index_cast %get3A_1626 : i32 to index
    %get3A_1628 = arith.constant 48 : index
    %get3A_1629 = tpu.vector_load %arg7[%get3A_1627, %get3A_1628] {strides = array<i32>} : memref<32x128xf32, #tpu.memory_space<vmem>>, vector<1x16xf32>,
    %get3A_1630 = vector.shape_cast %get3A_1629 : vector<1x16xf32> to vector<16xf32>
    %get3A_1631 = arith.constant 21 : i32
    %get3A_1632 = arith.index_cast %get3A_1631 : i32 to index
    %get3A_1633 = arith.constant 112 : index
    %get3A_1634 = tpu.vector_load %arg7[%get3A_1632, %get3A_1633] {strides = array<i32>} : memref<32x128xf32, #tpu.memory_space<vmem>>, vector<1x16xf32>,
    %get3A_1635 = vector.shape_cast %get3A_1634 : vector<1x16xf32> to vector<16xf32>
    %select_n3A_1636 = arith.select %eq3A_1574, %get3A_1635, %get3A_1630 : vector<16xf32>
    %swap3A_1637 = arith.constant 21 : i32
    %swap3A_1638 = arith.index_cast %swap3A_1637 : i32 to index
    %swap3A_1639 = arith.constant 48 : index
    %swap3A_1640 = tpu.vector_load %arg8[%swap3A_1638, %swap3A_1639] {strides = array<i32>} : memref<32x64xf32, #tpu.memory_space<vmem>>, vector<1x16xf32>,
    %swap3A_1641 = vector.shape_cast %swap3A_1640 : vector<1x16xf32> to vector<16xf32>
    %swap3A_1642 = vector.shape_cast %select_n3A_1636 : vector<16xf32> to vector<1x16xf32>
    tpu.vector_store %arg8[%swap3A_1638, %swap3A_1639], %swap3A_1642 {strides = array<i32>} : memref<32x64xf32, #tpu.memory_space<vmem>>, vector<1x16xf32>,
    %slice3A_1643 = vector.extract_strided_slice %get3A_1210 {offsets = [6], sizes = [1], strides = [1]} : vector<16xi32> to vector<1xi32>
    %squeeze3A_1644 = vector.extract %slice3A_1643[0] : i32 from vector<1xi32>
    %eq3A_1645 = arith.constant 1 : i32
    %eq3A_1646 = arith.cmpi eq, %squeeze3A_1644, %eq3A_1645 : i32
    %get3A_1647 = arith.constant 22 : i32
    %get3A_1648 = arith.index_cast %get3A_1647 : i32 to index
    %get3A_1649 = arith.constant 0 : index
    %get3A_1650 = tpu.vector_load %arg7[%get3A_1648, %get3A_1649] {strides = array<i32>} : memref<32x128xf32, #tpu.memory_space<vmem>>, vector<1x16xf32>,
    %get3A_1651 = vector.shape_cast %get3A_1650 : vector<1x16xf32> to vector<16xf32>
    %get3A_1652 = arith.constant 22 : i32
    %get3A_1653 = arith.index_cast %get3A_1652 : i32 to index
    %get3A_1654 = arith.constant 64 : index
    %get3A_1655 = tpu.vector_load %arg7[%get3A_1653, %get3A_1654] {strides = array<i32>} : memref<32x128xf32, #tpu.memory_space<vmem>>, vector<1x16xf32>,
    %get3A_1656 = vector.shape_cast %get3A_1655 : vector<1x16xf32> to vector<16xf32>
    %select_n3A_1657 = arith.select %eq3A_1646, %get3A_1656, %get3A_1651 : vector<16xf32>
    %swap3A_1658 = arith.constant 22 : i32
    %swap3A_1659 = arith.index_cast %swap3A_1658 : i32 to index
    %swap3A_1660 = arith.constant 0 : index
    %swap3A_1661 = tpu.vector_load %arg8[%swap3A_1659, %swap3A_1660] {strides = array<i32>} : memref<32x64xf32, #tpu.memory_space<vmem>>, vector<1x16xf32>,
    %swap3A_1662 = vector.shape_cast %swap3A_1661 : vector<1x16xf32> to vector<16xf32>
    %swap3A_1663 = vector.shape_cast %select_n3A_1657 : vector<16xf32> to vector<1x16xf32>
    tpu.vector_store %arg8[%swap3A_1659, %swap3A_1660], %swap3A_1663 {strides = array<i32>} : memref<32x64xf32, #tpu.memory_space<vmem>>, vector<1x16xf32>,
    %get3A_1664 = arith.constant 22 : i32
    %get3A_1665 = arith.index_cast %get3A_1664 : i32 to index
    %get3A_1666 = arith.constant 16 : index
    %get3A_1667 = tpu.vector_load %arg7[%get3A_1665, %get3A_1666] {strides = array<i32>} : memref<32x128xf32, #tpu.memory_space<vmem>>, vector<1x16xf32>,
    %get3A_1668 = vector.shape_cast %get3A_1667 : vector<1x16xf32> to vector<16xf32>
    %get3A_1669 = arith.constant 22 : i32
    %get3A_1670 = arith.index_cast %get3A_1669 : i32 to index
    %get3A_1671 = arith.constant 80 : index
    %get3A_1672 = tpu.vector_load %arg7[%get3A_1670, %get3A_1671] {strides = array<i32>} : memref<32x128xf32, #tpu.memory_space<vmem>>, vector<1x16xf32>,
    %get3A_1673 = vector.shape_cast %get3A_1672 : vector<1x16xf32> to vector<16xf32>
    %select_n3A_1674 = arith.select %eq3A_1646, %get3A_1673, %get3A_1668 : vector<16xf32>
    %swap3A_1675 = arith.constant 22 : i32
    %swap3A_1676 = arith.index_cast %swap3A_1675 : i32 to index
    %swap3A_1677 = arith.constant 16 : index
    %swap3A_1678 = tpu.vector_load %arg8[%swap3A_1676, %swap3A_1677] {strides = array<i32>} : memref<32x64xf32, #tpu.memory_space<vmem>>, vector<1x16xf32>,
    %swap3A_1679 = vector.shape_cast %swap3A_1678 : vector<1x16xf32> to vector<16xf32>
    %swap3A_1680 = vector.shape_cast %select_n3A_1674 : vector<16xf32> to vector<1x16xf32>
    tpu.vector_store %arg8[%swap3A_1676, %swap3A_1677], %swap3A_1680 {strides = array<i32>} : memref<32x64xf32, #tpu.memory_space<vmem>>, vector<1x16xf32>,
    %get3A_1681 = arith.constant 22 : i32
    %get3A_1682 = arith.index_cast %get3A_1681 : i32 to index
    %get3A_1683 = arith.constant 32 : index
    %get3A_1684 = tpu.vector_load %arg7[%get3A_1682, %get3A_1683] {strides = array<i32>} : memref<32x128xf32, #tpu.memory_space<vmem>>, vector<1x16xf32>,
    %get3A_1685 = vector.shape_cast %get3A_1684 : vector<1x16xf32> to vector<16xf32>
    %get3A_1686 = arith.constant 22 : i32
    %get3A_1687 = arith.index_cast %get3A_1686 : i32 to index
    %get3A_1688 = arith.constant 96 : index
    %get3A_1689 = tpu.vector_load %arg7[%get3A_1687, %get3A_1688] {strides = array<i32>} : memref<32x128xf32, #tpu.memory_space<vmem>>, vector<1x16xf32>,
    %get3A_1690 = vector.shape_cast %get3A_1689 : vector<1x16xf32> to vector<16xf32>
    %select_n3A_1691 = arith.select %eq3A_1646, %get3A_1690, %get3A_1685 : vector<16xf32>
    %swap3A_1692 = arith.constant 22 : i32
    %swap3A_1693 = arith.index_cast %swap3A_1692 : i32 to index
    %swap3A_1694 = arith.constant 32 : index
    %swap3A_1695 = tpu.vector_load %arg8[%swap3A_1693, %swap3A_1694] {strides = array<i32>} : memref<32x64xf32, #tpu.memory_space<vmem>>, vector<1x16xf32>,
    %swap3A_1696 = vector.shape_cast %swap3A_1695 : vector<1x16xf32> to vector<16xf32>
    %swap3A_1697 = vector.shape_cast %select_n3A_1691 : vector<16xf32> to vector<1x16xf32>
    tpu.vector_store %arg8[%swap3A_1693, %swap3A_1694], %swap3A_1697 {strides = array<i32>} : memref<32x64xf32, #tpu.memory_space<vmem>>, vector<1x16xf32>,
    %get3A_1698 = arith.constant 22 : i32
    %get3A_1699 = arith.index_cast %get3A_1698 : i32 to index
    %get3A_1700 = arith.constant 48 : index
    %get3A_1701 = tpu.vector_load %arg7[%get3A_1699, %get3A_1700] {strides = array<i32>} : memref<32x128xf32, #tpu.memory_space<vmem>>, vector<1x16xf32>,
    %get3A_1702 = vector.shape_cast %get3A_1701 : vector<1x16xf32> to vector<16xf32>
    %get3A_1703 = arith.constant 22 : i32
    %get3A_1704 = arith.index_cast %get3A_1703 : i32 to index
    %get3A_1705 = arith.constant 112 : index
    %get3A_1706 = tpu.vector_load %arg7[%get3A_1704, %get3A_1705] {strides = array<i32>} : memref<32x128xf32, #tpu.memory_space<vmem>>, vector<1x16xf32>,
    %get3A_1707 = vector.shape_cast %get3A_1706 : vector<1x16xf32> to vector<16xf32>
    %select_n3A_1708 = arith.select %eq3A_1646, %get3A_1707, %get3A_1702 : vector<16xf32>
    %swap3A_1709 = arith.constant 22 : i32
    %swap3A_1710 = arith.index_cast %swap3A_1709 : i32 to index
    %swap3A_1711 = arith.constant 48 : index
    %swap3A_1712 = tpu.vector_load %arg8[%swap3A_1710, %swap3A_1711] {strides = array<i32>} : memref<32x64xf32, #tpu.memory_space<vmem>>, vector<1x16xf32>,
    %swap3A_1713 = vector.shape_cast %swap3A_1712 : vector<1x16xf32> to vector<16xf32>
    %swap3A_1714 = vector.shape_cast %select_n3A_1708 : vector<16xf32> to vector<1x16xf32>
    tpu.vector_store %arg8[%swap3A_1710, %swap3A_1711], %swap3A_1714 {strides = array<i32>} : memref<32x64xf32, #tpu.memory_space<vmem>>, vector<1x16xf32>,
    %slice3A_1715 = vector.extract_strided_slice %get3A_1210 {offsets = [7], sizes = [1], strides = [1]} : vector<16xi32> to vector<1xi32>
    %squeeze3A_1716 = vector.extract %slice3A_1715[0] : i32 from vector<1xi32>
    %eq3A_1717 = arith.constant 1 : i32
    %eq3A_1718 = arith.cmpi eq, %squeeze3A_1716, %eq3A_1717 : i32
    %get3A_1719 = arith.constant 23 : i32
    %get3A_1720 = arith.index_cast %get3A_1719 : i32 to index
    %get3A_1721 = arith.constant 0 : index
    %get3A_1722 = tpu.vector_load %arg7[%get3A_1720, %get3A_1721] {strides = array<i32>} : memref<32x128xf32, #tpu.memory_space<vmem>>, vector<1x16xf32>,
    %get3A_1723 = vector.shape_cast %get3A_1722 : vector<1x16xf32> to vector<16xf32>
    %get3A_1724 = arith.constant 23 : i32
    %get3A_1725 = arith.index_cast %get3A_1724 : i32 to index
    %get3A_1726 = arith.constant 64 : index
    %get3A_1727 = tpu.vector_load %arg7[%get3A_1725, %get3A_1726] {strides = array<i32>} : memref<32x128xf32, #tpu.memory_space<vmem>>, vector<1x16xf32>,
    %get3A_1728 = vector.shape_cast %get3A_1727 : vector<1x16xf32> to vector<16xf32>
    %select_n3A_1729 = arith.select %eq3A_1718, %get3A_1728, %get3A_1723 : vector<16xf32>
    %swap3A_1730 = arith.constant 23 : i32
    %swap3A_1731 = arith.index_cast %swap3A_1730 : i32 to index
    %swap3A_1732 = arith.constant 0 : index
    %swap3A_1733 = tpu.vector_load %arg8[%swap3A_1731, %swap3A_1732] {strides = array<i32>} : memref<32x64xf32, #tpu.memory_space<vmem>>, vector<1x16xf32>,
    %swap3A_1734 = vector.shape_cast %swap3A_1733 : vector<1x16xf32> to vector<16xf32>
    %swap3A_1735 = vector.shape_cast %select_n3A_1729 : vector<16xf32> to vector<1x16xf32>
    tpu.vector_store %arg8[%swap3A_1731, %swap3A_1732], %swap3A_1735 {strides = array<i32>} : memref<32x64xf32, #tpu.memory_space<vmem>>, vector<1x16xf32>,
    %get3A_1736 = arith.constant 23 : i32
    %get3A_1737 = arith.index_cast %get3A_1736 : i32 to index
    %get3A_1738 = arith.constant 16 : index
    %get3A_1739 = tpu.vector_load %arg7[%get3A_1737, %get3A_1738] {strides = array<i32>} : memref<32x128xf32, #tpu.memory_space<vmem>>, vector<1x16xf32>,
    %get3A_1740 = vector.shape_cast %get3A_1739 : vector<1x16xf32> to vector<16xf32>
    %get3A_1741 = arith.constant 23 : i32
    %get3A_1742 = arith.index_cast %get3A_1741 : i32 to index
    %get3A_1743 = arith.constant 80 : index
    %get3A_1744 = tpu.vector_load %arg7[%get3A_1742, %get3A_1743] {strides = array<i32>} : memref<32x128xf32, #tpu.memory_space<vmem>>, vector<1x16xf32>,
    %get3A_1745 = vector.shape_cast %get3A_1744 : vector<1x16xf32> to vector<16xf32>
    %select_n3A_1746 = arith.select %eq3A_1718, %get3A_1745, %get3A_1740 : vector<16xf32>
    %swap3A_1747 = arith.constant 23 : i32
    %swap3A_1748 = arith.index_cast %swap3A_1747 : i32 to index
    %swap3A_1749 = arith.constant 16 : index
    %swap3A_1750 = tpu.vector_load %arg8[%swap3A_1748, %swap3A_1749] {strides = array<i32>} : memref<32x64xf32, #tpu.memory_space<vmem>>, vector<1x16xf32>,
    %swap3A_1751 = vector.shape_cast %swap3A_1750 : vector<1x16xf32> to vector<16xf32>
    %swap3A_1752 = vector.shape_cast %select_n3A_1746 : vector<16xf32> to vector<1x16xf32>
    tpu.vector_store %arg8[%swap3A_1748, %swap3A_1749], %swap3A_1752 {strides = array<i32>} : memref<32x64xf32, #tpu.memory_space<vmem>>, vector<1x16xf32>,
    %get3A_1753 = arith.constant 23 : i32
    %get3A_1754 = arith.index_cast %get3A_1753 : i32 to index
    %get3A_1755 = arith.constant 32 : index
    %get3A_1756 = tpu.vector_load %arg7[%get3A_1754, %get3A_1755] {strides = array<i32>} : memref<32x128xf32, #tpu.memory_space<vmem>>, vector<1x16xf32>,
    %get3A_1757 = vector.shape_cast %get3A_1756 : vector<1x16xf32> to vector<16xf32>
    %get3A_1758 = arith.constant 23 : i32
    %get3A_1759 = arith.index_cast %get3A_1758 : i32 to index
    %get3A_1760 = arith.constant 96 : index
    %get3A_1761 = tpu.vector_load %arg7[%get3A_1759, %get3A_1760] {strides = array<i32>} : memref<32x128xf32, #tpu.memory_space<vmem>>, vector<1x16xf32>,
    %get3A_1762 = vector.shape_cast %get3A_1761 : vector<1x16xf32> to vector<16xf32>
    %select_n3A_1763 = arith.select %eq3A_1718, %get3A_1762, %get3A_1757 : vector<16xf32>
    %swap3A_1764 = arith.constant 23 : i32
    %swap3A_1765 = arith.index_cast %swap3A_1764 : i32 to index
    %swap3A_1766 = arith.constant 32 : index
    %swap3A_1767 = tpu.vector_load %arg8[%swap3A_1765, %swap3A_1766] {strides = array<i32>} : memref<32x64xf32, #tpu.memory_space<vmem>>, vector<1x16xf32>,
    %swap3A_1768 = vector.shape_cast %swap3A_1767 : vector<1x16xf32> to vector<16xf32>
    %swap3A_1769 = vector.shape_cast %select_n3A_1763 : vector<16xf32> to vector<1x16xf32>
    tpu.vector_store %arg8[%swap3A_1765, %swap3A_1766], %swap3A_1769 {strides = array<i32>} : memref<32x64xf32, #tpu.memory_space<vmem>>, vector<1x16xf32>,
    %get3A_1770 = arith.constant 23 : i32
    %get3A_1771 = arith.index_cast %get3A_1770 : i32 to index
    %get3A_1772 = arith.constant 48 : index
    %get3A_1773 = tpu.vector_load %arg7[%get3A_1771, %get3A_1772] {strides = array<i32>} : memref<32x128xf32, #tpu.memory_space<vmem>>, vector<1x16xf32>,
    %get3A_1774 = vector.shape_cast %get3A_1773 : vector<1x16xf32> to vector<16xf32>
    %get3A_1775 = arith.constant 23 : i32
    %get3A_1776 = arith.index_cast %get3A_1775 : i32 to index
    %get3A_1777 = arith.constant 112 : index
    %get3A_1778 = tpu.vector_load %arg7[%get3A_1776, %get3A_1777] {strides = array<i32>} : memref<32x128xf32, #tpu.memory_space<vmem>>, vector<1x16xf32>,
    %get3A_1779 = vector.shape_cast %get3A_1778 : vector<1x16xf32> to vector<16xf32>
    %select_n3A_1780 = arith.select %eq3A_1718, %get3A_1779, %get3A_1774 : vector<16xf32>
    %swap3A_1781 = arith.constant 23 : i32
    %swap3A_1782 = arith.index_cast %swap3A_1781 : i32 to index
    %swap3A_1783 = arith.constant 48 : index
    %swap3A_1784 = tpu.vector_load %arg8[%swap3A_1782, %swap3A_1783] {strides = array<i32>} : memref<32x64xf32, #tpu.memory_space<vmem>>, vector<1x16xf32>,
    %swap3A_1785 = vector.shape_cast %swap3A_1784 : vector<1x16xf32> to vector<16xf32>
    %swap3A_1786 = vector.shape_cast %select_n3A_1780 : vector<16xf32> to vector<1x16xf32>
    tpu.vector_store %arg8[%swap3A_1782, %swap3A_1783], %swap3A_1786 {strides = array<i32>} : memref<32x64xf32, #tpu.memory_space<vmem>>, vector<1x16xf32>,
    %slice3A_1787 = vector.extract_strided_slice %get3A_1210 {offsets = [8], sizes = [1], strides = [1]} : vector<16xi32> to vector<1xi32>
    %squeeze3A_1788 = vector.extract %slice3A_1787[0] : i32 from vector<1xi32>
    %eq3A_1789 = arith.constant 1 : i32
    %eq3A_1790 = arith.cmpi eq, %squeeze3A_1788, %eq3A_1789 : i32
    %get3A_1791 = arith.constant 24 : i32
    %get3A_1792 = arith.index_cast %get3A_1791 : i32 to index
    %get3A_1793 = arith.constant 0 : index
    %get3A_1794 = tpu.vector_load %arg7[%get3A_1792, %get3A_1793] {strides = array<i32>} : memref<32x128xf32, #tpu.memory_space<vmem>>, vector<1x16xf32>,
    %get3A_1795 = vector.shape_cast %get3A_1794 : vector<1x16xf32> to vector<16xf32>
    %get3A_1796 = arith.constant 24 : i32
    %get3A_1797 = arith.index_cast %get3A_1796 : i32 to index
    %get3A_1798 = arith.constant 64 : index
    %get3A_1799 = tpu.vector_load %arg7[%get3A_1797, %get3A_1798] {strides = array<i32>} : memref<32x128xf32, #tpu.memory_space<vmem>>, vector<1x16xf32>,
    %get3A_1800 = vector.shape_cast %get3A_1799 : vector<1x16xf32> to vector<16xf32>
    %select_n3A_1801 = arith.select %eq3A_1790, %get3A_1800, %get3A_1795 : vector<16xf32>
    %swap3A_1802 = arith.constant 24 : i32
    %swap3A_1803 = arith.index_cast %swap3A_1802 : i32 to index
    %swap3A_1804 = arith.constant 0 : index
    %swap3A_1805 = tpu.vector_load %arg8[%swap3A_1803, %swap3A_1804] {strides = array<i32>} : memref<32x64xf32, #tpu.memory_space<vmem>>, vector<1x16xf32>,
    %swap3A_1806 = vector.shape_cast %swap3A_1805 : vector<1x16xf32> to vector<16xf32>
    %swap3A_1807 = vector.shape_cast %select_n3A_1801 : vector<16xf32> to vector<1x16xf32>
    tpu.vector_store %arg8[%swap3A_1803, %swap3A_1804], %swap3A_1807 {strides = array<i32>} : memref<32x64xf32, #tpu.memory_space<vmem>>, vector<1x16xf32>,
    %get3A_1808 = arith.constant 24 : i32
    %get3A_1809 = arith.index_cast %get3A_1808 : i32 to index
    %get3A_1810 = arith.constant 16 : index
    %get3A_1811 = tpu.vector_load %arg7[%get3A_1809, %get3A_1810] {strides = array<i32>} : memref<32x128xf32, #tpu.memory_space<vmem>>, vector<1x16xf32>,
    %get3A_1812 = vector.shape_cast %get3A_1811 : vector<1x16xf32> to vector<16xf32>
    %get3A_1813 = arith.constant 24 : i32
    %get3A_1814 = arith.index_cast %get3A_1813 : i32 to index
    %get3A_1815 = arith.constant 80 : index
    %get3A_1816 = tpu.vector_load %arg7[%get3A_1814, %get3A_1815] {strides = array<i32>} : memref<32x128xf32, #tpu.memory_space<vmem>>, vector<1x16xf32>,
    %get3A_1817 = vector.shape_cast %get3A_1816 : vector<1x16xf32> to vector<16xf32>
    %select_n3A_1818 = arith.select %eq3A_1790, %get3A_1817, %get3A_1812 : vector<16xf32>
    %swap3A_1819 = arith.constant 24 : i32
    %swap3A_1820 = arith.index_cast %swap3A_1819 : i32 to index
    %swap3A_1821 = arith.constant 16 : index
    %swap3A_1822 = tpu.vector_load %arg8[%swap3A_1820, %swap3A_1821] {strides = array<i32>} : memref<32x64xf32, #tpu.memory_space<vmem>>, vector<1x16xf32>,
    %swap3A_1823 = vector.shape_cast %swap3A_1822 : vector<1x16xf32> to vector<16xf32>
    %swap3A_1824 = vector.shape_cast %select_n3A_1818 : vector<16xf32> to vector<1x16xf32>
    tpu.vector_store %arg8[%swap3A_1820, %swap3A_1821], %swap3A_1824 {strides = array<i32>} : memref<32x64xf32, #tpu.memory_space<vmem>>, vector<1x16xf32>,
    %get3A_1825 = arith.constant 24 : i32
    %get3A_1826 = arith.index_cast %get3A_1825 : i32 to index
    %get3A_1827 = arith.constant 32 : index
    %get3A_1828 = tpu.vector_load %arg7[%get3A_1826, %get3A_1827] {strides = array<i32>} : memref<32x128xf32, #tpu.memory_space<vmem>>, vector<1x16xf32>,
    %get3A_1829 = vector.shape_cast %get3A_1828 : vector<1x16xf32> to vector<16xf32>
    %get3A_1830 = arith.constant 24 : i32
    %get3A_1831 = arith.index_cast %get3A_1830 : i32 to index
    %get3A_1832 = arith.constant 96 : index
    %get3A_1833 = tpu.vector_load %arg7[%get3A_1831, %get3A_1832] {strides = array<i32>} : memref<32x128xf32, #tpu.memory_space<vmem>>, vector<1x16xf32>,
    %get3A_1834 = vector.shape_cast %get3A_1833 : vector<1x16xf32> to vector<16xf32>
    %select_n3A_1835 = arith.select %eq3A_1790, %get3A_1834, %get3A_1829 : vector<16xf32>
    %swap3A_1836 = arith.constant 24 : i32
    %swap3A_1837 = arith.index_cast %swap3A_1836 : i32 to index
    %swap3A_1838 = arith.constant 32 : index
    %swap3A_1839 = tpu.vector_load %arg8[%swap3A_1837, %swap3A_1838] {strides = array<i32>} : memref<32x64xf32, #tpu.memory_space<vmem>>, vector<1x16xf32>,
    %swap3A_1840 = vector.shape_cast %swap3A_1839 : vector<1x16xf32> to vector<16xf32>
    %swap3A_1841 = vector.shape_cast %select_n3A_1835 : vector<16xf32> to vector<1x16xf32>
    tpu.vector_store %arg8[%swap3A_1837, %swap3A_1838], %swap3A_1841 {strides = array<i32>} : memref<32x64xf32, #tpu.memory_space<vmem>>, vector<1x16xf32>,
    %get3A_1842 = arith.constant 24 : i32
    %get3A_1843 = arith.index_cast %get3A_1842 : i32 to index
    %get3A_1844 = arith.constant 48 : index
    %get3A_1845 = tpu.vector_load %arg7[%get3A_1843, %get3A_1844] {strides = array<i32>} : memref<32x128xf32, #tpu.memory_space<vmem>>, vector<1x16xf32>,
    %get3A_1846 = vector.shape_cast %get3A_1845 : vector<1x16xf32> to vector<16xf32>
    %get3A_1847 = arith.constant 24 : i32
    %get3A_1848 = arith.index_cast %get3A_1847 : i32 to index
    %get3A_1849 = arith.constant 112 : index
    %get3A_1850 = tpu.vector_load %arg7[%get3A_1848, %get3A_1849] {strides = array<i32>} : memref<32x128xf32, #tpu.memory_space<vmem>>, vector<1x16xf32>,
    %get3A_1851 = vector.shape_cast %get3A_1850 : vector<1x16xf32> to vector<16xf32>
    %select_n3A_1852 = arith.select %eq3A_1790, %get3A_1851, %get3A_1846 : vector<16xf32>
    %swap3A_1853 = arith.constant 24 : i32
    %swap3A_1854 = arith.index_cast %swap3A_1853 : i32 to index
    %swap3A_1855 = arith.constant 48 : index
    %swap3A_1856 = tpu.vector_load %arg8[%swap3A_1854, %swap3A_1855] {strides = array<i32>} : memref<32x64xf32, #tpu.memory_space<vmem>>, vector<1x16xf32>,
    %swap3A_1857 = vector.shape_cast %swap3A_1856 : vector<1x16xf32> to vector<16xf32>
    %swap3A_1858 = vector.shape_cast %select_n3A_1852 : vector<16xf32> to vector<1x16xf32>
    tpu.vector_store %arg8[%swap3A_1854, %swap3A_1855], %swap3A_1858 {strides = array<i32>} : memref<32x64xf32, #tpu.memory_space<vmem>>, vector<1x16xf32>,
    %slice3A_1859 = vector.extract_strided_slice %get3A_1210 {offsets = [9], sizes = [1], strides = [1]} : vector<16xi32> to vector<1xi32>
    %squeeze3A_1860 = vector.extract %slice3A_1859[0] : i32 from vector<1xi32>
    %eq3A_1861 = arith.constant 1 : i32
    %eq3A_1862 = arith.cmpi eq, %squeeze3A_1860, %eq3A_1861 : i32
    %get3A_1863 = arith.constant 25 : i32
    %get3A_1864 = arith.index_cast %get3A_1863 : i32 to index
    %get3A_1865 = arith.constant 0 : index
    %get3A_1866 = tpu.vector_load %arg7[%get3A_1864, %get3A_1865] {strides = array<i32>} : memref<32x128xf32, #tpu.memory_space<vmem>>, vector<1x16xf32>,
    %get3A_1867 = vector.shape_cast %get3A_1866 : vector<1x16xf32> to vector<16xf32>
    %get3A_1868 = arith.constant 25 : i32
    %get3A_1869 = arith.index_cast %get3A_1868 : i32 to index
    %get3A_1870 = arith.constant 64 : index
    %get3A_1871 = tpu.vector_load %arg7[%get3A_1869, %get3A_1870] {strides = array<i32>} : memref<32x128xf32, #tpu.memory_space<vmem>>, vector<1x16xf32>,
    %get3A_1872 = vector.shape_cast %get3A_1871 : vector<1x16xf32> to vector<16xf32>
    %select_n3A_1873 = arith.select %eq3A_1862, %get3A_1872, %get3A_1867 : vector<16xf32>
    %swap3A_1874 = arith.constant 25 : i32
    %swap3A_1875 = arith.index_cast %swap3A_1874 : i32 to index
    %swap3A_1876 = arith.constant 0 : index
    %swap3A_1877 = tpu.vector_load %arg8[%swap3A_1875, %swap3A_1876] {strides = array<i32>} : memref<32x64xf32, #tpu.memory_space<vmem>>, vector<1x16xf32>,
    %swap3A_1878 = vector.shape_cast %swap3A_1877 : vector<1x16xf32> to vector<16xf32>
    %swap3A_1879 = vector.shape_cast %select_n3A_1873 : vector<16xf32> to vector<1x16xf32>
    tpu.vector_store %arg8[%swap3A_1875, %swap3A_1876], %swap3A_1879 {strides = array<i32>} : memref<32x64xf32, #tpu.memory_space<vmem>>, vector<1x16xf32>,
    %get3A_1880 = arith.constant 25 : i32
    %get3A_1881 = arith.index_cast %get3A_1880 : i32 to index
    %get3A_1882 = arith.constant 16 : index
    %get3A_1883 = tpu.vector_load %arg7[%get3A_1881, %get3A_1882] {strides = array<i32>} : memref<32x128xf32, #tpu.memory_space<vmem>>, vector<1x16xf32>,
    %get3A_1884 = vector.shape_cast %get3A_1883 : vector<1x16xf32> to vector<16xf32>
    %get3A_1885 = arith.constant 25 : i32
    %get3A_1886 = arith.index_cast %get3A_1885 : i32 to index
    %get3A_1887 = arith.constant 80 : index
    %get3A_1888 = tpu.vector_load %arg7[%get3A_1886, %get3A_1887] {strides = array<i32>} : memref<32x128xf32, #tpu.memory_space<vmem>>, vector<1x16xf32>,
    %get3A_1889 = vector.shape_cast %get3A_1888 : vector<1x16xf32> to vector<16xf32>
    %select_n3A_1890 = arith.select %eq3A_1862, %get3A_1889, %get3A_1884 : vector<16xf32>
    %swap3A_1891 = arith.constant 25 : i32
    %swap3A_1892 = arith.index_cast %swap3A_1891 : i32 to index
    %swap3A_1893 = arith.constant 16 : index
    %swap3A_1894 = tpu.vector_load %arg8[%swap3A_1892, %swap3A_1893] {strides = array<i32>} : memref<32x64xf32, #tpu.memory_space<vmem>>, vector<1x16xf32>,
    %swap3A_1895 = vector.shape_cast %swap3A_1894 : vector<1x16xf32> to vector<16xf32>
    %swap3A_1896 = vector.shape_cast %select_n3A_1890 : vector<16xf32> to vector<1x16xf32>
    tpu.vector_store %arg8[%swap3A_1892, %swap3A_1893], %swap3A_1896 {strides = array<i32>} : memref<32x64xf32, #tpu.memory_space<vmem>>, vector<1x16xf32>,
    %get3A_1897 = arith.constant 25 : i32
    %get3A_1898 = arith.index_cast %get3A_1897 : i32 to index
    %get3A_1899 = arith.constant 32 : index
    %get3A_1900 = tpu.vector_load %arg7[%get3A_1898, %get3A_1899] {strides = array<i32>} : memref<32x128xf32, #tpu.memory_space<vmem>>, vector<1x16xf32>,
    %get3A_1901 = vector.shape_cast %get3A_1900 : vector<1x16xf32> to vector<16xf32>
    %get3A_1902 = arith.constant 25 : i32
    %get3A_1903 = arith.index_cast %get3A_1902 : i32 to index
    %get3A_1904 = arith.constant 96 : index
    %get3A_1905 = tpu.vector_load %arg7[%get3A_1903, %get3A_1904] {strides = array<i32>} : memref<32x128xf32, #tpu.memory_space<vmem>>, vector<1x16xf32>,
    %get3A_1906 = vector.shape_cast %get3A_1905 : vector<1x16xf32> to vector<16xf32>
    %select_n3A_1907 = arith.select %eq3A_1862, %get3A_1906, %get3A_1901 : vector<16xf32>
    %swap3A_1908 = arith.constant 25 : i32
    %swap3A_1909 = arith.index_cast %swap3A_1908 : i32 to index
    %swap3A_1910 = arith.constant 32 : index
    %swap3A_1911 = tpu.vector_load %arg8[%swap3A_1909, %swap3A_1910] {strides = array<i32>} : memref<32x64xf32, #tpu.memory_space<vmem>>, vector<1x16xf32>,
    %swap3A_1912 = vector.shape_cast %swap3A_1911 : vector<1x16xf32> to vector<16xf32>
    %swap3A_1913 = vector.shape_cast %select_n3A_1907 : vector<16xf32> to vector<1x16xf32>
    tpu.vector_store %arg8[%swap3A_1909, %swap3A_1910], %swap3A_1913 {strides = array<i32>} : memref<32x64xf32, #tpu.memory_space<vmem>>, vector<1x16xf32>,
    %get3A_1914 = arith.constant 25 : i32
    %get3A_1915 = arith.index_cast %get3A_1914 : i32 to index
    %get3A_1916 = arith.constant 48 : index
    %get3A_1917 = tpu.vector_load %arg7[%get3A_1915, %get3A_1916] {strides = array<i32>} : memref<32x128xf32, #tpu.memory_space<vmem>>, vector<1x16xf32>,
    %get3A_1918 = vector.shape_cast %get3A_1917 : vector<1x16xf32> to vector<16xf32>
    %get3A_1919 = arith.constant 25 : i32
    %get3A_1920 = arith.index_cast %get3A_1919 : i32 to index
    %get3A_1921 = arith.constant 112 : index
    %get3A_1922 = tpu.vector_load %arg7[%get3A_1920, %get3A_1921] {strides = array<i32>} : memref<32x128xf32, #tpu.memory_space<vmem>>, vector<1x16xf32>,
    %get3A_1923 = vector.shape_cast %get3A_1922 : vector<1x16xf32> to vector<16xf32>
    %select_n3A_1924 = arith.select %eq3A_1862, %get3A_1923, %get3A_1918 : vector<16xf32>
    %swap3A_1925 = arith.constant 25 : i32
    %swap3A_1926 = arith.index_cast %swap3A_1925 : i32 to index
    %swap3A_1927 = arith.constant 48 : index
    %swap3A_1928 = tpu.vector_load %arg8[%swap3A_1926, %swap3A_1927] {strides = array<i32>} : memref<32x64xf32, #tpu.memory_space<vmem>>, vector<1x16xf32>,
    %swap3A_1929 = vector.shape_cast %swap3A_1928 : vector<1x16xf32> to vector<16xf32>
    %swap3A_1930 = vector.shape_cast %select_n3A_1924 : vector<16xf32> to vector<1x16xf32>
    tpu.vector_store %arg8[%swap3A_1926, %swap3A_1927], %swap3A_1930 {strides = array<i32>} : memref<32x64xf32, #tpu.memory_space<vmem>>, vector<1x16xf32>,
    %slice3A_1931 = vector.extract_strided_slice %get3A_1210 {offsets = [10], sizes = [1], strides = [1]} : vector<16xi32> to vector<1xi32>
    %squeeze3A_1932 = vector.extract %slice3A_1931[0] : i32 from vector<1xi32>
    %eq3A_1933 = arith.constant 1 : i32
    %eq3A_1934 = arith.cmpi eq, %squeeze3A_1932, %eq3A_1933 : i32
    %get3A_1935 = arith.constant 26 : i32
    %get3A_1936 = arith.index_cast %get3A_1935 : i32 to index
    %get3A_1937 = arith.constant 0 : index
    %get3A_1938 = tpu.vector_load %arg7[%get3A_1936, %get3A_1937] {strides = array<i32>} : memref<32x128xf32, #tpu.memory_space<vmem>>, vector<1x16xf32>,
    %get3A_1939 = vector.shape_cast %get3A_1938 : vector<1x16xf32> to vector<16xf32>
    %get3A_1940 = arith.constant 26 : i32
    %get3A_1941 = arith.index_cast %get3A_1940 : i32 to index
    %get3A_1942 = arith.constant 64 : index
    %get3A_1943 = tpu.vector_load %arg7[%get3A_1941, %get3A_1942] {strides = array<i32>} : memref<32x128xf32, #tpu.memory_space<vmem>>, vector<1x16xf32>,
    %get3A_1944 = vector.shape_cast %get3A_1943 : vector<1x16xf32> to vector<16xf32>
    %select_n3A_1945 = arith.select %eq3A_1934, %get3A_1944, %get3A_1939 : vector<16xf32>
    %swap3A_1946 = arith.constant 26 : i32
    %swap3A_1947 = arith.index_cast %swap3A_1946 : i32 to index
    %swap3A_1948 = arith.constant 0 : index
    %swap3A_1949 = tpu.vector_load %arg8[%swap3A_1947, %swap3A_1948] {strides = array<i32>} : memref<32x64xf32, #tpu.memory_space<vmem>>, vector<1x16xf32>,
    %swap3A_1950 = vector.shape_cast %swap3A_1949 : vector<1x16xf32> to vector<16xf32>
    %swap3A_1951 = vector.shape_cast %select_n3A_1945 : vector<16xf32> to vector<1x16xf32>
    tpu.vector_store %arg8[%swap3A_1947, %swap3A_1948], %swap3A_1951 {strides = array<i32>} : memref<32x64xf32, #tpu.memory_space<vmem>>, vector<1x16xf32>,
    %get3A_1952 = arith.constant 26 : i32
    %get3A_1953 = arith.index_cast %get3A_1952 : i32 to index
    %get3A_1954 = arith.constant 16 : index
    %get3A_1955 = tpu.vector_load %arg7[%get3A_1953, %get3A_1954] {strides = array<i32>} : memref<32x128xf32, #tpu.memory_space<vmem>>, vector<1x16xf32>,
    %get3A_1956 = vector.shape_cast %get3A_1955 : vector<1x16xf32> to vector<16xf32>
    %get3A_1957 = arith.constant 26 : i32
    %get3A_1958 = arith.index_cast %get3A_1957 : i32 to index
    %get3A_1959 = arith.constant 80 : index
    %get3A_1960 = tpu.vector_load %arg7[%get3A_1958, %get3A_1959] {strides = array<i32>} : memref<32x128xf32, #tpu.memory_space<vmem>>, vector<1x16xf32>,
    %get3A_1961 = vector.shape_cast %get3A_1960 : vector<1x16xf32> to vector<16xf32>
    %select_n3A_1962 = arith.select %eq3A_1934, %get3A_1961, %get3A_1956 : vector<16xf32>
    %swap3A_1963 = arith.constant 26 : i32
    %swap3A_1964 = arith.index_cast %swap3A_1963 : i32 to index
    %swap3A_1965 = arith.constant 16 : index
    %swap3A_1966 = tpu.vector_load %arg8[%swap3A_1964, %swap3A_1965] {strides = array<i32>} : memref<32x64xf32, #tpu.memory_space<vmem>>, vector<1x16xf32>,
    %swap3A_1967 = vector.shape_cast %swap3A_1966 : vector<1x16xf32> to vector<16xf32>
    %swap3A_1968 = vector.shape_cast %select_n3A_1962 : vector<16xf32> to vector<1x16xf32>
    tpu.vector_store %arg8[%swap3A_1964, %swap3A_1965], %swap3A_1968 {strides = array<i32>} : memref<32x64xf32, #tpu.memory_space<vmem>>, vector<1x16xf32>,
    %get3A_1969 = arith.constant 26 : i32
    %get3A_1970 = arith.index_cast %get3A_1969 : i32 to index
    %get3A_1971 = arith.constant 32 : index
    %get3A_1972 = tpu.vector_load %arg7[%get3A_1970, %get3A_1971] {strides = array<i32>} : memref<32x128xf32, #tpu.memory_space<vmem>>, vector<1x16xf32>,
    %get3A_1973 = vector.shape_cast %get3A_1972 : vector<1x16xf32> to vector<16xf32>
    %get3A_1974 = arith.constant 26 : i32
    %get3A_1975 = arith.index_cast %get3A_1974 : i32 to index
    %get3A_1976 = arith.constant 96 : index
    %get3A_1977 = tpu.vector_load %arg7[%get3A_1975, %get3A_1976] {strides = array<i32>} : memref<32x128xf32, #tpu.memory_space<vmem>>, vector<1x16xf32>,
    %get3A_1978 = vector.shape_cast %get3A_1977 : vector<1x16xf32> to vector<16xf32>
    %select_n3A_1979 = arith.select %eq3A_1934, %get3A_1978, %get3A_1973 : vector<16xf32>
    %swap3A_1980 = arith.constant 26 : i32
    %swap3A_1981 = arith.index_cast %swap3A_1980 : i32 to index
    %swap3A_1982 = arith.constant 32 : index
    %swap3A_1983 = tpu.vector_load %arg8[%swap3A_1981, %swap3A_1982] {strides = array<i32>} : memref<32x64xf32, #tpu.memory_space<vmem>>, vector<1x16xf32>,
    %swap3A_1984 = vector.shape_cast %swap3A_1983 : vector<1x16xf32> to vector<16xf32>
    %swap3A_1985 = vector.shape_cast %select_n3A_1979 : vector<16xf32> to vector<1x16xf32>
    tpu.vector_store %arg8[%swap3A_1981, %swap3A_1982], %swap3A_1985 {strides = array<i32>} : memref<32x64xf32, #tpu.memory_space<vmem>>, vector<1x16xf32>,
    %get3A_1986 = arith.constant 26 : i32
    %get3A_1987 = arith.index_cast %get3A_1986 : i32 to index
    %get3A_1988 = arith.constant 48 : index
    %get3A_1989 = tpu.vector_load %arg7[%get3A_1987, %get3A_1988] {strides = array<i32>} : memref<32x128xf32, #tpu.memory_space<vmem>>, vector<1x16xf32>,
    %get3A_1990 = vector.shape_cast %get3A_1989 : vector<1x16xf32> to vector<16xf32>
    %get3A_1991 = arith.constant 26 : i32
    %get3A_1992 = arith.index_cast %get3A_1991 : i32 to index
    %get3A_1993 = arith.constant 112 : index
    %get3A_1994 = tpu.vector_load %arg7[%get3A_1992, %get3A_1993] {strides = array<i32>} : memref<32x128xf32, #tpu.memory_space<vmem>>, vector<1x16xf32>,
    %get3A_1995 = vector.shape_cast %get3A_1994 : vector<1x16xf32> to vector<16xf32>
    %select_n3A_1996 = arith.select %eq3A_1934, %get3A_1995, %get3A_1990 : vector<16xf32>
    %swap3A_1997 = arith.constant 26 : i32
    %swap3A_1998 = arith.index_cast %swap3A_1997 : i32 to index
    %swap3A_1999 = arith.constant 48 : index
    %swap3A_2000 = tpu.vector_load %arg8[%swap3A_1998, %swap3A_1999] {strides = array<i32>} : memref<32x64xf32, #tpu.memory_space<vmem>>, vector<1x16xf32>,
    %swap3A_2001 = vector.shape_cast %swap3A_2000 : vector<1x16xf32> to vector<16xf32>
    %swap3A_2002 = vector.shape_cast %select_n3A_1996 : vector<16xf32> to vector<1x16xf32>
    tpu.vector_store %arg8[%swap3A_1998, %swap3A_1999], %swap3A_2002 {strides = array<i32>} : memref<32x64xf32, #tpu.memory_space<vmem>>, vector<1x16xf32>,
    %slice3A_2003 = vector.extract_strided_slice %get3A_1210 {offsets = [11], sizes = [1], strides = [1]} : vector<16xi32> to vector<1xi32>
    %squeeze3A_2004 = vector.extract %slice3A_2003[0] : i32 from vector<1xi32>
    %eq3A_2005 = arith.constant 1 : i32
    %eq3A_2006 = arith.cmpi eq, %squeeze3A_2004, %eq3A_2005 : i32
    %get3A_2007 = arith.constant 27 : i32
    %get3A_2008 = arith.index_cast %get3A_2007 : i32 to index
    %get3A_2009 = arith.constant 0 : index
    %get3A_2010 = tpu.vector_load %arg7[%get3A_2008, %get3A_2009] {strides = array<i32>} : memref<32x128xf32, #tpu.memory_space<vmem>>, vector<1x16xf32>,
    %get3A_2011 = vector.shape_cast %get3A_2010 : vector<1x16xf32> to vector<16xf32>
    %get3A_2012 = arith.constant 27 : i32
    %get3A_2013 = arith.index_cast %get3A_2012 : i32 to index
    %get3A_2014 = arith.constant 64 : index
    %get3A_2015 = tpu.vector_load %arg7[%get3A_2013, %get3A_2014] {strides = array<i32>} : memref<32x128xf32, #tpu.memory_space<vmem>>, vector<1x16xf32>,
    %get3A_2016 = vector.shape_cast %get3A_2015 : vector<1x16xf32> to vector<16xf32>
    %select_n3A_2017 = arith.select %eq3A_2006, %get3A_2016, %get3A_2011 : vector<16xf32>
    %swap3A_2018 = arith.constant 27 : i32
    %swap3A_2019 = arith.index_cast %swap3A_2018 : i32 to index
    %swap3A_2020 = arith.constant 0 : index
    %swap3A_2021 = tpu.vector_load %arg8[%swap3A_2019, %swap3A_2020] {strides = array<i32>} : memref<32x64xf32, #tpu.memory_space<vmem>>, vector<1x16xf32>,
    %swap3A_2022 = vector.shape_cast %swap3A_2021 : vector<1x16xf32> to vector<16xf32>
    %swap3A_2023 = vector.shape_cast %select_n3A_2017 : vector<16xf32> to vector<1x16xf32>
    tpu.vector_store %arg8[%swap3A_2019, %swap3A_2020], %swap3A_2023 {strides = array<i32>} : memref<32x64xf32, #tpu.memory_space<vmem>>, vector<1x16xf32>,
    %get3A_2024 = arith.constant 27 : i32
    %get3A_2025 = arith.index_cast %get3A_2024 : i32 to index
    %get3A_2026 = arith.constant 16 : index
    %get3A_2027 = tpu.vector_load %arg7[%get3A_2025, %get3A_2026] {strides = array<i32>} : memref<32x128xf32, #tpu.memory_space<vmem>>, vector<1x16xf32>,
    %get3A_2028 = vector.shape_cast %get3A_2027 : vector<1x16xf32> to vector<16xf32>
    %get3A_2029 = arith.constant 27 : i32
    %get3A_2030 = arith.index_cast %get3A_2029 : i32 to index
    %get3A_2031 = arith.constant 80 : index
    %get3A_2032 = tpu.vector_load %arg7[%get3A_2030, %get3A_2031] {strides = array<i32>} : memref<32x128xf32, #tpu.memory_space<vmem>>, vector<1x16xf32>,
    %get3A_2033 = vector.shape_cast %get3A_2032 : vector<1x16xf32> to vector<16xf32>
    %select_n3A_2034 = arith.select %eq3A_2006, %get3A_2033, %get3A_2028 : vector<16xf32>
    %swap3A_2035 = arith.constant 27 : i32
    %swap3A_2036 = arith.index_cast %swap3A_2035 : i32 to index
    %swap3A_2037 = arith.constant 16 : index
    %swap3A_2038 = tpu.vector_load %arg8[%swap3A_2036, %swap3A_2037] {strides = array<i32>} : memref<32x64xf32, #tpu.memory_space<vmem>>, vector<1x16xf32>,
    %swap3A_2039 = vector.shape_cast %swap3A_2038 : vector<1x16xf32> to vector<16xf32>
    %swap3A_2040 = vector.shape_cast %select_n3A_2034 : vector<16xf32> to vector<1x16xf32>
    tpu.vector_store %arg8[%swap3A_2036, %swap3A_2037], %swap3A_2040 {strides = array<i32>} : memref<32x64xf32, #tpu.memory_space<vmem>>, vector<1x16xf32>,
    %get3A_2041 = arith.constant 27 : i32
    %get3A_2042 = arith.index_cast %get3A_2041 : i32 to index
    %get3A_2043 = arith.constant 32 : index
    %get3A_2044 = tpu.vector_load %arg7[%get3A_2042, %get3A_2043] {strides = array<i32>} : memref<32x128xf32, #tpu.memory_space<vmem>>, vector<1x16xf32>,
    %get3A_2045 = vector.shape_cast %get3A_2044 : vector<1x16xf32> to vector<16xf32>
    %get3A_2046 = arith.constant 27 : i32
    %get3A_2047 = arith.index_cast %get3A_2046 : i32 to index
    %get3A_2048 = arith.constant 96 : index
    %get3A_2049 = tpu.vector_load %arg7[%get3A_2047, %get3A_2048] {strides = array<i32>} : memref<32x128xf32, #tpu.memory_space<vmem>>, vector<1x16xf32>,
    %get3A_2050 = vector.shape_cast %get3A_2049 : vector<1x16xf32> to vector<16xf32>
    %select_n3A_2051 = arith.select %eq3A_2006, %get3A_2050, %get3A_2045 : vector<16xf32>
    %swap3A_2052 = arith.constant 27 : i32
    %swap3A_2053 = arith.index_cast %swap3A_2052 : i32 to index
    %swap3A_2054 = arith.constant 32 : index
    %swap3A_2055 = tpu.vector_load %arg8[%swap3A_2053, %swap3A_2054] {strides = array<i32>} : memref<32x64xf32, #tpu.memory_space<vmem>>, vector<1x16xf32>,
    %swap3A_2056 = vector.shape_cast %swap3A_2055 : vector<1x16xf32> to vector<16xf32>
    %swap3A_2057 = vector.shape_cast %select_n3A_2051 : vector<16xf32> to vector<1x16xf32>
    tpu.vector_store %arg8[%swap3A_2053, %swap3A_2054], %swap3A_2057 {strides = array<i32>} : memref<32x64xf32, #tpu.memory_space<vmem>>, vector<1x16xf32>,
    %get3A_2058 = arith.constant 27 : i32
    %get3A_2059 = arith.index_cast %get3A_2058 : i32 to index
    %get3A_2060 = arith.constant 48 : index
    %get3A_2061 = tpu.vector_load %arg7[%get3A_2059, %get3A_2060] {strides = array<i32>} : memref<32x128xf32, #tpu.memory_space<vmem>>, vector<1x16xf32>,
    %get3A_2062 = vector.shape_cast %get3A_2061 : vector<1x16xf32> to vector<16xf32>
    %get3A_2063 = arith.constant 27 : i32
    %get3A_2064 = arith.index_cast %get3A_2063 : i32 to index
    %get3A_2065 = arith.constant 112 : index
    %get3A_2066 = tpu.vector_load %arg7[%get3A_2064, %get3A_2065] {strides = array<i32>} : memref<32x128xf32, #tpu.memory_space<vmem>>, vector<1x16xf32>,
    %get3A_2067 = vector.shape_cast %get3A_2066 : vector<1x16xf32> to vector<16xf32>
    %select_n3A_2068 = arith.select %eq3A_2006, %get3A_2067, %get3A_2062 : vector<16xf32>
    %swap3A_2069 = arith.constant 27 : i32
    %swap3A_2070 = arith.index_cast %swap3A_2069 : i32 to index
    %swap3A_2071 = arith.constant 48 : index
    %swap3A_2072 = tpu.vector_load %arg8[%swap3A_2070, %swap3A_2071] {strides = array<i32>} : memref<32x64xf32, #tpu.memory_space<vmem>>, vector<1x16xf32>,
    %swap3A_2073 = vector.shape_cast %swap3A_2072 : vector<1x16xf32> to vector<16xf32>
    %swap3A_2074 = vector.shape_cast %select_n3A_2068 : vector<16xf32> to vector<1x16xf32>
    tpu.vector_store %arg8[%swap3A_2070, %swap3A_2071], %swap3A_2074 {strides = array<i32>} : memref<32x64xf32, #tpu.memory_space<vmem>>, vector<1x16xf32>,
    %slice3A_2075 = vector.extract_strided_slice %get3A_1210 {offsets = [12], sizes = [1], strides = [1]} : vector<16xi32> to vector<1xi32>
    %squeeze3A_2076 = vector.extract %slice3A_2075[0] : i32 from vector<1xi32>
    %eq3A_2077 = arith.constant 1 : i32
    %eq3A_2078 = arith.cmpi eq, %squeeze3A_2076, %eq3A_2077 : i32
    %get3A_2079 = arith.constant 28 : i32
    %get3A_2080 = arith.index_cast %get3A_2079 : i32 to index
    %get3A_2081 = arith.constant 0 : index
    %get3A_2082 = tpu.vector_load %arg7[%get3A_2080, %get3A_2081] {strides = array<i32>} : memref<32x128xf32, #tpu.memory_space<vmem>>, vector<1x16xf32>,
    %get3A_2083 = vector.shape_cast %get3A_2082 : vector<1x16xf32> to vector<16xf32>
    %get3A_2084 = arith.constant 28 : i32
    %get3A_2085 = arith.index_cast %get3A_2084 : i32 to index
    %get3A_2086 = arith.constant 64 : index
    %get3A_2087 = tpu.vector_load %arg7[%get3A_2085, %get3A_2086] {strides = array<i32>} : memref<32x128xf32, #tpu.memory_space<vmem>>, vector<1x16xf32>,
    %get3A_2088 = vector.shape_cast %get3A_2087 : vector<1x16xf32> to vector<16xf32>
    %select_n3A_2089 = arith.select %eq3A_2078, %get3A_2088, %get3A_2083 : vector<16xf32>
    %swap3A_2090 = arith.constant 28 : i32
    %swap3A_2091 = arith.index_cast %swap3A_2090 : i32 to index
    %swap3A_2092 = arith.constant 0 : index
    %swap3A_2093 = tpu.vector_load %arg8[%swap3A_2091, %swap3A_2092] {strides = array<i32>} : memref<32x64xf32, #tpu.memory_space<vmem>>, vector<1x16xf32>,
    %swap3A_2094 = vector.shape_cast %swap3A_2093 : vector<1x16xf32> to vector<16xf32>
    %swap3A_2095 = vector.shape_cast %select_n3A_2089 : vector<16xf32> to vector<1x16xf32>
    tpu.vector_store %arg8[%swap3A_2091, %swap3A_2092], %swap3A_2095 {strides = array<i32>} : memref<32x64xf32, #tpu.memory_space<vmem>>, vector<1x16xf32>,
    %get3A_2096 = arith.constant 28 : i32
    %get3A_2097 = arith.index_cast %get3A_2096 : i32 to index
    %get3A_2098 = arith.constant 16 : index
    %get3A_2099 = tpu.vector_load %arg7[%get3A_2097, %get3A_2098] {strides = array<i32>} : memref<32x128xf32, #tpu.memory_space<vmem>>, vector<1x16xf32>,
    %get3A_2100 = vector.shape_cast %get3A_2099 : vector<1x16xf32> to vector<16xf32>
    %get3A_2101 = arith.constant 28 : i32
    %get3A_2102 = arith.index_cast %get3A_2101 : i32 to index
    %get3A_2103 = arith.constant 80 : index
    %get3A_2104 = tpu.vector_load %arg7[%get3A_2102, %get3A_2103] {strides = array<i32>} : memref<32x128xf32, #tpu.memory_space<vmem>>, vector<1x16xf32>,
    %get3A_2105 = vector.shape_cast %get3A_2104 : vector<1x16xf32> to vector<16xf32>
    %select_n3A_2106 = arith.select %eq3A_2078, %get3A_2105, %get3A_2100 : vector<16xf32>
    %swap3A_2107 = arith.constant 28 : i32
    %swap3A_2108 = arith.index_cast %swap3A_2107 : i32 to index
    %swap3A_2109 = arith.constant 16 : index
    %swap3A_2110 = tpu.vector_load %arg8[%swap3A_2108, %swap3A_2109] {strides = array<i32>} : memref<32x64xf32, #tpu.memory_space<vmem>>, vector<1x16xf32>,
    %swap3A_2111 = vector.shape_cast %swap3A_2110 : vector<1x16xf32> to vector<16xf32>
    %swap3A_2112 = vector.shape_cast %select_n3A_2106 : vector<16xf32> to vector<1x16xf32>
    tpu.vector_store %arg8[%swap3A_2108, %swap3A_2109], %swap3A_2112 {strides = array<i32>} : memref<32x64xf32, #tpu.memory_space<vmem>>, vector<1x16xf32>,
    %get3A_2113 = arith.constant 28 : i32
    %get3A_2114 = arith.index_cast %get3A_2113 : i32 to index
    %get3A_2115 = arith.constant 32 : index
    %get3A_2116 = tpu.vector_load %arg7[%get3A_2114, %get3A_2115] {strides = array<i32>} : memref<32x128xf32, #tpu.memory_space<vmem>>, vector<1x16xf32>,
    %get3A_2117 = vector.shape_cast %get3A_2116 : vector<1x16xf32> to vector<16xf32>
    %get3A_2118 = arith.constant 28 : i32
    %get3A_2119 = arith.index_cast %get3A_2118 : i32 to index
    %get3A_2120 = arith.constant 96 : index
    %get3A_2121 = tpu.vector_load %arg7[%get3A_2119, %get3A_2120] {strides = array<i32>} : memref<32x128xf32, #tpu.memory_space<vmem>>, vector<1x16xf32>,
    %get3A_2122 = vector.shape_cast %get3A_2121 : vector<1x16xf32> to vector<16xf32>
    %select_n3A_2123 = arith.select %eq3A_2078, %get3A_2122, %get3A_2117 : vector<16xf32>
    %swap3A_2124 = arith.constant 28 : i32
    %swap3A_2125 = arith.index_cast %swap3A_2124 : i32 to index
    %swap3A_2126 = arith.constant 32 : index
    %swap3A_2127 = tpu.vector_load %arg8[%swap3A_2125, %swap3A_2126] {strides = array<i32>} : memref<32x64xf32, #tpu.memory_space<vmem>>, vector<1x16xf32>,
    %swap3A_2128 = vector.shape_cast %swap3A_2127 : vector<1x16xf32> to vector<16xf32>
    %swap3A_2129 = vector.shape_cast %select_n3A_2123 : vector<16xf32> to vector<1x16xf32>
    tpu.vector_store %arg8[%swap3A_2125, %swap3A_2126], %swap3A_2129 {strides = array<i32>} : memref<32x64xf32, #tpu.memory_space<vmem>>, vector<1x16xf32>,
    %get3A_2130 = arith.constant 28 : i32
    %get3A_2131 = arith.index_cast %get3A_2130 : i32 to index
    %get3A_2132 = arith.constant 48 : index
    %get3A_2133 = tpu.vector_load %arg7[%get3A_2131, %get3A_2132] {strides = array<i32>} : memref<32x128xf32, #tpu.memory_space<vmem>>, vector<1x16xf32>,
    %get3A_2134 = vector.shape_cast %get3A_2133 : vector<1x16xf32> to vector<16xf32>
    %get3A_2135 = arith.constant 28 : i32
    %get3A_2136 = arith.index_cast %get3A_2135 : i32 to index
    %get3A_2137 = arith.constant 112 : index
    %get3A_2138 = tpu.vector_load %arg7[%get3A_2136, %get3A_2137] {strides = array<i32>} : memref<32x128xf32, #tpu.memory_space<vmem>>, vector<1x16xf32>,
    %get3A_2139 = vector.shape_cast %get3A_2138 : vector<1x16xf32> to vector<16xf32>
    %select_n3A_2140 = arith.select %eq3A_2078, %get3A_2139, %get3A_2134 : vector<16xf32>
    %swap3A_2141 = arith.constant 28 : i32
    %swap3A_2142 = arith.index_cast %swap3A_2141 : i32 to index
    %swap3A_2143 = arith.constant 48 : index
    %swap3A_2144 = tpu.vector_load %arg8[%swap3A_2142, %swap3A_2143] {strides = array<i32>} : memref<32x64xf32, #tpu.memory_space<vmem>>, vector<1x16xf32>,
    %swap3A_2145 = vector.shape_cast %swap3A_2144 : vector<1x16xf32> to vector<16xf32>
    %swap3A_2146 = vector.shape_cast %select_n3A_2140 : vector<16xf32> to vector<1x16xf32>
    tpu.vector_store %arg8[%swap3A_2142, %swap3A_2143], %swap3A_2146 {strides = array<i32>} : memref<32x64xf32, #tpu.memory_space<vmem>>, vector<1x16xf32>,
    %slice3A_2147 = vector.extract_strided_slice %get3A_1210 {offsets = [13], sizes = [1], strides = [1]} : vector<16xi32> to vector<1xi32>
    %squeeze3A_2148 = vector.extract %slice3A_2147[0] : i32 from vector<1xi32>
    %eq3A_2149 = arith.constant 1 : i32
    %eq3A_2150 = arith.cmpi eq, %squeeze3A_2148, %eq3A_2149 : i32
    %get3A_2151 = arith.constant 29 : i32
    %get3A_2152 = arith.index_cast %get3A_2151 : i32 to index
    %get3A_2153 = arith.constant 0 : index
    %get3A_2154 = tpu.vector_load %arg7[%get3A_2152, %get3A_2153] {strides = array<i32>} : memref<32x128xf32, #tpu.memory_space<vmem>>, vector<1x16xf32>,
    %get3A_2155 = vector.shape_cast %get3A_2154 : vector<1x16xf32> to vector<16xf32>
    %get3A_2156 = arith.constant 29 : i32
    %get3A_2157 = arith.index_cast %get3A_2156 : i32 to index
    %get3A_2158 = arith.constant 64 : index
    %get3A_2159 = tpu.vector_load %arg7[%get3A_2157, %get3A_2158] {strides = array<i32>} : memref<32x128xf32, #tpu.memory_space<vmem>>, vector<1x16xf32>,
    %get3A_2160 = vector.shape_cast %get3A_2159 : vector<1x16xf32> to vector<16xf32>
    %select_n3A_2161 = arith.select %eq3A_2150, %get3A_2160, %get3A_2155 : vector<16xf32>
    %swap3A_2162 = arith.constant 29 : i32
    %swap3A_2163 = arith.index_cast %swap3A_2162 : i32 to index
    %swap3A_2164 = arith.constant 0 : index
    %swap3A_2165 = tpu.vector_load %arg8[%swap3A_2163, %swap3A_2164] {strides = array<i32>} : memref<32x64xf32, #tpu.memory_space<vmem>>, vector<1x16xf32>,
    %swap3A_2166 = vector.shape_cast %swap3A_2165 : vector<1x16xf32> to vector<16xf32>
    %swap3A_2167 = vector.shape_cast %select_n3A_2161 : vector<16xf32> to vector<1x16xf32>
    tpu.vector_store %arg8[%swap3A_2163, %swap3A_2164], %swap3A_2167 {strides = array<i32>} : memref<32x64xf32, #tpu.memory_space<vmem>>, vector<1x16xf32>,
    %get3A_2168 = arith.constant 29 : i32
    %get3A_2169 = arith.index_cast %get3A_2168 : i32 to index
    %get3A_2170 = arith.constant 16 : index
    %get3A_2171 = tpu.vector_load %arg7[%get3A_2169, %get3A_2170] {strides = array<i32>} : memref<32x128xf32, #tpu.memory_space<vmem>>, vector<1x16xf32>,
    %get3A_2172 = vector.shape_cast %get3A_2171 : vector<1x16xf32> to vector<16xf32>
    %get3A_2173 = arith.constant 29 : i32
    %get3A_2174 = arith.index_cast %get3A_2173 : i32 to index
    %get3A_2175 = arith.constant 80 : index
    %get3A_2176 = tpu.vector_load %arg7[%get3A_2174, %get3A_2175] {strides = array<i32>} : memref<32x128xf32, #tpu.memory_space<vmem>>, vector<1x16xf32>,
    %get3A_2177 = vector.shape_cast %get3A_2176 : vector<1x16xf32> to vector<16xf32>
    %select_n3A_2178 = arith.select %eq3A_2150, %get3A_2177, %get3A_2172 : vector<16xf32>
    %swap3A_2179 = arith.constant 29 : i32
    %swap3A_2180 = arith.index_cast %swap3A_2179 : i32 to index
    %swap3A_2181 = arith.constant 16 : index
    %swap3A_2182 = tpu.vector_load %arg8[%swap3A_2180, %swap3A_2181] {strides = array<i32>} : memref<32x64xf32, #tpu.memory_space<vmem>>, vector<1x16xf32>,
    %swap3A_2183 = vector.shape_cast %swap3A_2182 : vector<1x16xf32> to vector<16xf32>
    %swap3A_2184 = vector.shape_cast %select_n3A_2178 : vector<16xf32> to vector<1x16xf32>
    tpu.vector_store %arg8[%swap3A_2180, %swap3A_2181], %swap3A_2184 {strides = array<i32>} : memref<32x64xf32, #tpu.memory_space<vmem>>, vector<1x16xf32>,
    %get3A_2185 = arith.constant 29 : i32
    %get3A_2186 = arith.index_cast %get3A_2185 : i32 to index
    %get3A_2187 = arith.constant 32 : index
    %get3A_2188 = tpu.vector_load %arg7[%get3A_2186, %get3A_2187] {strides = array<i32>} : memref<32x128xf32, #tpu.memory_space<vmem>>, vector<1x16xf32>,
    %get3A_2189 = vector.shape_cast %get3A_2188 : vector<1x16xf32> to vector<16xf32>
    %get3A_2190 = arith.constant 29 : i32
    %get3A_2191 = arith.index_cast %get3A_2190 : i32 to index
    %get3A_2192 = arith.constant 96 : index
    %get3A_2193 = tpu.vector_load %arg7[%get3A_2191, %get3A_2192] {strides = array<i32>} : memref<32x128xf32, #tpu.memory_space<vmem>>, vector<1x16xf32>,
    %get3A_2194 = vector.shape_cast %get3A_2193 : vector<1x16xf32> to vector<16xf32>
    %select_n3A_2195 = arith.select %eq3A_2150, %get3A_2194, %get3A_2189 : vector<16xf32>
    %swap3A_2196 = arith.constant 29 : i32
    %swap3A_2197 = arith.index_cast %swap3A_2196 : i32 to index
    %swap3A_2198 = arith.constant 32 : index
    %swap3A_2199 = tpu.vector_load %arg8[%swap3A_2197, %swap3A_2198] {strides = array<i32>} : memref<32x64xf32, #tpu.memory_space<vmem>>, vector<1x16xf32>,
    %swap3A_2200 = vector.shape_cast %swap3A_2199 : vector<1x16xf32> to vector<16xf32>
    %swap3A_2201 = vector.shape_cast %select_n3A_2195 : vector<16xf32> to vector<1x16xf32>
    tpu.vector_store %arg8[%swap3A_2197, %swap3A_2198], %swap3A_2201 {strides = array<i32>} : memref<32x64xf32, #tpu.memory_space<vmem>>, vector<1x16xf32>,
    %get3A_2202 = arith.constant 29 : i32
    %get3A_2203 = arith.index_cast %get3A_2202 : i32 to index
    %get3A_2204 = arith.constant 48 : index
    %get3A_2205 = tpu.vector_load %arg7[%get3A_2203, %get3A_2204] {strides = array<i32>} : memref<32x128xf32, #tpu.memory_space<vmem>>, vector<1x16xf32>,
    %get3A_2206 = vector.shape_cast %get3A_2205 : vector<1x16xf32> to vector<16xf32>
    %get3A_2207 = arith.constant 29 : i32
    %get3A_2208 = arith.index_cast %get3A_2207 : i32 to index
    %get3A_2209 = arith.constant 112 : index
    %get3A_2210 = tpu.vector_load %arg7[%get3A_2208, %get3A_2209] {strides = array<i32>} : memref<32x128xf32, #tpu.memory_space<vmem>>, vector<1x16xf32>,
    %get3A_2211 = vector.shape_cast %get3A_2210 : vector<1x16xf32> to vector<16xf32>
    %select_n3A_2212 = arith.select %eq3A_2150, %get3A_2211, %get3A_2206 : vector<16xf32>
    %swap3A_2213 = arith.constant 29 : i32
    %swap3A_2214 = arith.index_cast %swap3A_2213 : i32 to index
    %swap3A_2215 = arith.constant 48 : index
    %swap3A_2216 = tpu.vector_load %arg8[%swap3A_2214, %swap3A_2215] {strides = array<i32>} : memref<32x64xf32, #tpu.memory_space<vmem>>, vector<1x16xf32>,
    %swap3A_2217 = vector.shape_cast %swap3A_2216 : vector<1x16xf32> to vector<16xf32>
    %swap3A_2218 = vector.shape_cast %select_n3A_2212 : vector<16xf32> to vector<1x16xf32>
    tpu.vector_store %arg8[%swap3A_2214, %swap3A_2215], %swap3A_2218 {strides = array<i32>} : memref<32x64xf32, #tpu.memory_space<vmem>>, vector<1x16xf32>,
    %slice3A_2219 = vector.extract_strided_slice %get3A_1210 {offsets = [14], sizes = [1], strides = [1]} : vector<16xi32> to vector<1xi32>
    %squeeze3A_2220 = vector.extract %slice3A_2219[0] : i32 from vector<1xi32>
    %eq3A_2221 = arith.constant 1 : i32
    %eq3A_2222 = arith.cmpi eq, %squeeze3A_2220, %eq3A_2221 : i32
    %get3A_2223 = arith.constant 30 : i32
    %get3A_2224 = arith.index_cast %get3A_2223 : i32 to index
    %get3A_2225 = arith.constant 0 : index
    %get3A_2226 = tpu.vector_load %arg7[%get3A_2224, %get3A_2225] {strides = array<i32>} : memref<32x128xf32, #tpu.memory_space<vmem>>, vector<1x16xf32>,
    %get3A_2227 = vector.shape_cast %get3A_2226 : vector<1x16xf32> to vector<16xf32>
    %get3A_2228 = arith.constant 30 : i32
    %get3A_2229 = arith.index_cast %get3A_2228 : i32 to index
    %get3A_2230 = arith.constant 64 : index
    %get3A_2231 = tpu.vector_load %arg7[%get3A_2229, %get3A_2230] {strides = array<i32>} : memref<32x128xf32, #tpu.memory_space<vmem>>, vector<1x16xf32>,
    %get3A_2232 = vector.shape_cast %get3A_2231 : vector<1x16xf32> to vector<16xf32>
    %select_n3A_2233 = arith.select %eq3A_2222, %get3A_2232, %get3A_2227 : vector<16xf32>
    %swap3A_2234 = arith.constant 30 : i32
    %swap3A_2235 = arith.index_cast %swap3A_2234 : i32 to index
    %swap3A_2236 = arith.constant 0 : index
    %swap3A_2237 = tpu.vector_load %arg8[%swap3A_2235, %swap3A_2236] {strides = array<i32>} : memref<32x64xf32, #tpu.memory_space<vmem>>, vector<1x16xf32>,
    %swap3A_2238 = vector.shape_cast %swap3A_2237 : vector<1x16xf32> to vector<16xf32>
    %swap3A_2239 = vector.shape_cast %select_n3A_2233 : vector<16xf32> to vector<1x16xf32>
    tpu.vector_store %arg8[%swap3A_2235, %swap3A_2236], %swap3A_2239 {strides = array<i32>} : memref<32x64xf32, #tpu.memory_space<vmem>>, vector<1x16xf32>,
    %get3A_2240 = arith.constant 30 : i32
    %get3A_2241 = arith.index_cast %get3A_2240 : i32 to index
    %get3A_2242 = arith.constant 16 : index
    %get3A_2243 = tpu.vector_load %arg7[%get3A_2241, %get3A_2242] {strides = array<i32>} : memref<32x128xf32, #tpu.memory_space<vmem>>, vector<1x16xf32>,
    %get3A_2244 = vector.shape_cast %get3A_2243 : vector<1x16xf32> to vector<16xf32>
    %get3A_2245 = arith.constant 30 : i32
    %get3A_2246 = arith.index_cast %get3A_2245 : i32 to index
    %get3A_2247 = arith.constant 80 : index
    %get3A_2248 = tpu.vector_load %arg7[%get3A_2246, %get3A_2247] {strides = array<i32>} : memref<32x128xf32, #tpu.memory_space<vmem>>, vector<1x16xf32>,
    %get3A_2249 = vector.shape_cast %get3A_2248 : vector<1x16xf32> to vector<16xf32>
    %select_n3A_2250 = arith.select %eq3A_2222, %get3A_2249, %get3A_2244 : vector<16xf32>
    %swap3A_2251 = arith.constant 30 : i32
    %swap3A_2252 = arith.index_cast %swap3A_2251 : i32 to index
    %swap3A_2253 = arith.constant 16 : index
    %swap3A_2254 = tpu.vector_load %arg8[%swap3A_2252, %swap3A_2253] {strides = array<i32>} : memref<32x64xf32, #tpu.memory_space<vmem>>, vector<1x16xf32>,
    %swap3A_2255 = vector.shape_cast %swap3A_2254 : vector<1x16xf32> to vector<16xf32>
    %swap3A_2256 = vector.shape_cast %select_n3A_2250 : vector<16xf32> to vector<1x16xf32>
    tpu.vector_store %arg8[%swap3A_2252, %swap3A_2253], %swap3A_2256 {strides = array<i32>} : memref<32x64xf32, #tpu.memory_space<vmem>>, vector<1x16xf32>,
    %get3A_2257 = arith.constant 30 : i32
    %get3A_2258 = arith.index_cast %get3A_2257 : i32 to index
    %get3A_2259 = arith.constant 32 : index
    %get3A_2260 = tpu.vector_load %arg7[%get3A_2258, %get3A_2259] {strides = array<i32>} : memref<32x128xf32, #tpu.memory_space<vmem>>, vector<1x16xf32>,
    %get3A_2261 = vector.shape_cast %get3A_2260 : vector<1x16xf32> to vector<16xf32>
    %get3A_2262 = arith.constant 30 : i32
    %get3A_2263 = arith.index_cast %get3A_2262 : i32 to index
    %get3A_2264 = arith.constant 96 : index
    %get3A_2265 = tpu.vector_load %arg7[%get3A_2263, %get3A_2264] {strides = array<i32>} : memref<32x128xf32, #tpu.memory_space<vmem>>, vector<1x16xf32>,
    %get3A_2266 = vector.shape_cast %get3A_2265 : vector<1x16xf32> to vector<16xf32>
    %select_n3A_2267 = arith.select %eq3A_2222, %get3A_2266, %get3A_2261 : vector<16xf32>
    %swap3A_2268 = arith.constant 30 : i32
    %swap3A_2269 = arith.index_cast %swap3A_2268 : i32 to index
    %swap3A_2270 = arith.constant 32 : index
    %swap3A_2271 = tpu.vector_load %arg8[%swap3A_2269, %swap3A_2270] {strides = array<i32>} : memref<32x64xf32, #tpu.memory_space<vmem>>, vector<1x16xf32>,
    %swap3A_2272 = vector.shape_cast %swap3A_2271 : vector<1x16xf32> to vector<16xf32>
    %swap3A_2273 = vector.shape_cast %select_n3A_2267 : vector<16xf32> to vector<1x16xf32>
    tpu.vector_store %arg8[%swap3A_2269, %swap3A_2270], %swap3A_2273 {strides = array<i32>} : memref<32x64xf32, #tpu.memory_space<vmem>>, vector<1x16xf32>,
    %get3A_2274 = arith.constant 30 : i32
    %get3A_2275 = arith.index_cast %get3A_2274 : i32 to index
    %get3A_2276 = arith.constant 48 : index
    %get3A_2277 = tpu.vector_load %arg7[%get3A_2275, %get3A_2276] {strides = array<i32>} : memref<32x128xf32, #tpu.memory_space<vmem>>, vector<1x16xf32>,
    %get3A_2278 = vector.shape_cast %get3A_2277 : vector<1x16xf32> to vector<16xf32>
    %get3A_2279 = arith.constant 30 : i32
    %get3A_2280 = arith.index_cast %get3A_2279 : i32 to index
    %get3A_2281 = arith.constant 112 : index
    %get3A_2282 = tpu.vector_load %arg7[%get3A_2280, %get3A_2281] {strides = array<i32>} : memref<32x128xf32, #tpu.memory_space<vmem>>, vector<1x16xf32>,
    %get3A_2283 = vector.shape_cast %get3A_2282 : vector<1x16xf32> to vector<16xf32>
    %select_n3A_2284 = arith.select %eq3A_2222, %get3A_2283, %get3A_2278 : vector<16xf32>
    %swap3A_2285 = arith.constant 30 : i32
    %swap3A_2286 = arith.index_cast %swap3A_2285 : i32 to index
    %swap3A_2287 = arith.constant 48 : index
    %swap3A_2288 = tpu.vector_load %arg8[%swap3A_2286, %swap3A_2287] {strides = array<i32>} : memref<32x64xf32, #tpu.memory_space<vmem>>, vector<1x16xf32>,
    %swap3A_2289 = vector.shape_cast %swap3A_2288 : vector<1x16xf32> to vector<16xf32>
    %swap3A_2290 = vector.shape_cast %select_n3A_2284 : vector<16xf32> to vector<1x16xf32>
    tpu.vector_store %arg8[%swap3A_2286, %swap3A_2287], %swap3A_2290 {strides = array<i32>} : memref<32x64xf32, #tpu.memory_space<vmem>>, vector<1x16xf32>,
    %slice3A_2291 = vector.extract_strided_slice %get3A_1210 {offsets = [15], sizes = [1], strides = [1]} : vector<16xi32> to vector<1xi32>
    %squeeze3A_2292 = vector.extract %slice3A_2291[0] : i32 from vector<1xi32>
    %eq3A_2293 = arith.constant 1 : i32
    %eq3A_2294 = arith.cmpi eq, %squeeze3A_2292, %eq3A_2293 : i32
    %get3A_2295 = arith.constant 31 : i32
    %get3A_2296 = arith.index_cast %get3A_2295 : i32 to index
    %get3A_2297 = arith.constant 0 : index
    %get3A_2298 = tpu.vector_load %arg7[%get3A_2296, %get3A_2297] {strides = array<i32>} : memref<32x128xf32, #tpu.memory_space<vmem>>, vector<1x16xf32>,
    %get3A_2299 = vector.shape_cast %get3A_2298 : vector<1x16xf32> to vector<16xf32>
    %get3A_2300 = arith.constant 31 : i32
    %get3A_2301 = arith.index_cast %get3A_2300 : i32 to index
    %get3A_2302 = arith.constant 64 : index
    %get3A_2303 = tpu.vector_load %arg7[%get3A_2301, %get3A_2302] {strides = array<i32>} : memref<32x128xf32, #tpu.memory_space<vmem>>, vector<1x16xf32>,
    %get3A_2304 = vector.shape_cast %get3A_2303 : vector<1x16xf32> to vector<16xf32>
    %select_n3A_2305 = arith.select %eq3A_2294, %get3A_2304, %get3A_2299 : vector<16xf32>
    %swap3A_2306 = arith.constant 31 : i32
    %swap3A_2307 = arith.index_cast %swap3A_2306 : i32 to index
    %swap3A_2308 = arith.constant 0 : index
    %swap3A_2309 = tpu.vector_load %arg8[%swap3A_2307, %swap3A_2308] {strides = array<i32>} : memref<32x64xf32, #tpu.memory_space<vmem>>, vector<1x16xf32>,
    %swap3A_2310 = vector.shape_cast %swap3A_2309 : vector<1x16xf32> to vector<16xf32>
    %swap3A_2311 = vector.shape_cast %select_n3A_2305 : vector<16xf32> to vector<1x16xf32>
    tpu.vector_store %arg8[%swap3A_2307, %swap3A_2308], %swap3A_2311 {strides = array<i32>} : memref<32x64xf32, #tpu.memory_space<vmem>>, vector<1x16xf32>,
    %get3A_2312 = arith.constant 31 : i32
    %get3A_2313 = arith.index_cast %get3A_2312 : i32 to index
    %get3A_2314 = arith.constant 16 : index
    %get3A_2315 = tpu.vector_load %arg7[%get3A_2313, %get3A_2314] {strides = array<i32>} : memref<32x128xf32, #tpu.memory_space<vmem>>, vector<1x16xf32>,
    %get3A_2316 = vector.shape_cast %get3A_2315 : vector<1x16xf32> to vector<16xf32>
    %get3A_2317 = arith.constant 31 : i32
    %get3A_2318 = arith.index_cast %get3A_2317 : i32 to index
    %get3A_2319 = arith.constant 80 : index
    %get3A_2320 = tpu.vector_load %arg7[%get3A_2318, %get3A_2319] {strides = array<i32>} : memref<32x128xf32, #tpu.memory_space<vmem>>, vector<1x16xf32>,
    %get3A_2321 = vector.shape_cast %get3A_2320 : vector<1x16xf32> to vector<16xf32>
    %select_n3A_2322 = arith.select %eq3A_2294, %get3A_2321, %get3A_2316 : vector<16xf32>
    %swap3A_2323 = arith.constant 31 : i32
    %swap3A_2324 = arith.index_cast %swap3A_2323 : i32 to index
    %swap3A_2325 = arith.constant 16 : index
    %swap3A_2326 = tpu.vector_load %arg8[%swap3A_2324, %swap3A_2325] {strides = array<i32>} : memref<32x64xf32, #tpu.memory_space<vmem>>, vector<1x16xf32>,
    %swap3A_2327 = vector.shape_cast %swap3A_2326 : vector<1x16xf32> to vector<16xf32>
    %swap3A_2328 = vector.shape_cast %select_n3A_2322 : vector<16xf32> to vector<1x16xf32>
    tpu.vector_store %arg8[%swap3A_2324, %swap3A_2325], %swap3A_2328 {strides = array<i32>} : memref<32x64xf32, #tpu.memory_space<vmem>>, vector<1x16xf32>,
    %get3A_2329 = arith.constant 31 : i32
    %get3A_2330 = arith.index_cast %get3A_2329 : i32 to index
    %get3A_2331 = arith.constant 32 : index
    %get3A_2332 = tpu.vector_load %arg7[%get3A_2330, %get3A_2331] {strides = array<i32>} : memref<32x128xf32, #tpu.memory_space<vmem>>, vector<1x16xf32>,
    %get3A_2333 = vector.shape_cast %get3A_2332 : vector<1x16xf32> to vector<16xf32>
    %get3A_2334 = arith.constant 31 : i32
    %get3A_2335 = arith.index_cast %get3A_2334 : i32 to index
    %get3A_2336 = arith.constant 96 : index
    %get3A_2337 = tpu.vector_load %arg7[%get3A_2335, %get3A_2336] {strides = array<i32>} : memref<32x128xf32, #tpu.memory_space<vmem>>, vector<1x16xf32>,
    %get3A_2338 = vector.shape_cast %get3A_2337 : vector<1x16xf32> to vector<16xf32>
    %select_n3A_2339 = arith.select %eq3A_2294, %get3A_2338, %get3A_2333 : vector<16xf32>
    %swap3A_2340 = arith.constant 31 : i32
    %swap3A_2341 = arith.index_cast %swap3A_2340 : i32 to index
    %swap3A_2342 = arith.constant 32 : index
    %swap3A_2343 = tpu.vector_load %arg8[%swap3A_2341, %swap3A_2342] {strides = array<i32>} : memref<32x64xf32, #tpu.memory_space<vmem>>, vector<1x16xf32>,
    %swap3A_2344 = vector.shape_cast %swap3A_2343 : vector<1x16xf32> to vector<16xf32>
    %swap3A_2345 = vector.shape_cast %select_n3A_2339 : vector<16xf32> to vector<1x16xf32>
    tpu.vector_store %arg8[%swap3A_2341, %swap3A_2342], %swap3A_2345 {strides = array<i32>} : memref<32x64xf32, #tpu.memory_space<vmem>>, vector<1x16xf32>,
    %get3A_2346 = arith.constant 31 : i32
    %get3A_2347 = arith.index_cast %get3A_2346 : i32 to index
    %get3A_2348 = arith.constant 48 : index
    %get3A_2349 = tpu.vector_load %arg7[%get3A_2347, %get3A_2348] {strides = array<i32>} : memref<32x128xf32, #tpu.memory_space<vmem>>, vector<1x16xf32>,
    %get3A_2350 = vector.shape_cast %get3A_2349 : vector<1x16xf32> to vector<16xf32>
    %get3A_2351 = arith.constant 31 : i32
    %get3A_2352 = arith.index_cast %get3A_2351 : i32 to index
    %get3A_2353 = arith.constant 112 : index
    %get3A_2354 = tpu.vector_load %arg7[%get3A_2352, %get3A_2353] {strides = array<i32>} : memref<32x128xf32, #tpu.memory_space<vmem>>, vector<1x16xf32>,
    %get3A_2355 = vector.shape_cast %get3A_2354 : vector<1x16xf32> to vector<16xf32>
    %select_n3A_2356 = arith.select %eq3A_2294, %get3A_2355, %get3A_2350 : vector<16xf32>
    %swap3A_2357 = arith.constant 31 : i32
    %swap3A_2358 = arith.index_cast %swap3A_2357 : i32 to index
    %swap3A_2359 = arith.constant 48 : index
    %swap3A_2360 = tpu.vector_load %arg8[%swap3A_2358, %swap3A_2359] {strides = array<i32>} : memref<32x64xf32, #tpu.memory_space<vmem>>, vector<1x16xf32>,
    %swap3A_2361 = vector.shape_cast %swap3A_2360 : vector<1x16xf32> to vector<16xf32>
    %swap3A_2362 = vector.shape_cast %select_n3A_2356 : vector<16xf32> to vector<1x16xf32>
    tpu.vector_store %arg8[%swap3A_2358, %swap3A_2359], %swap3A_2362 {strides = array<i32>} : memref<32x64xf32, #tpu.memory_space<vmem>>, vector<1x16xf32>,
    "tpu.region"() ({
      %run_scoped3A = tpu.sem_alloc : memref<!tpu.dma_semaphore, #tpu.memory_space<semaphore_mem>>
      %dma_start3A_2363 = arith.constant 0 : i32
      %dma_start3A_2364 = tpu.memref_slice %arg4[%mul3A_2, %dma_start3A_2363] : memref<1024x64xf32, #tpu.memory_space<hbm>> -> memref<32x64xf32, #tpu.memory_space<hbm>>
      %dma_start3A_2365 = arith.constant 0 : i32
      %dma_start3A_2366 = tpu.memref_slice %arg4[%mul3A_2, %dma_start3A_2365] : memref<1024x64xf32, #tpu.memory_space<hbm>> -> memref<32x64xf32, #tpu.memory_space<hbm>>
      tpu.enqueue_dma source(%arg8 : memref<32x64xf32, #tpu.memory_space<vmem>>) target(%dma_start3A_2366 : memref<32x64xf32, #tpu.memory_space<hbm>>) target_semaphore(%run_scoped3A : memref<!tpu.dma_semaphore, #tpu.memory_space<semaphore_mem>>)
      %dma_wait3A_2367 = arith.constant 0 : i32
      %dma_wait3A_2368 = tpu.memref_slice %arg4[%mul3A_2, %dma_wait3A_2367] : memref<1024x64xf32, #tpu.memory_space<hbm>> -> memref<32x64xf32, #tpu.memory_space<hbm>>
      %dma_wait3A_2369 = arith.constant 0 : i32
      %dma_wait3A_2370 = tpu.memref_slice %arg4[%mul3A_2, %dma_wait3A_2369] : memref<1024x64xf32, #tpu.memory_space<hbm>> -> memref<32x64xf32, #tpu.memory_space<hbm>>
      tpu.wait_dma2 semaphore(%run_scoped3A : memref<!tpu.dma_semaphore, #tpu.memory_space<semaphore_mem>>) src(%arg8 : memref<32x64xf32, #tpu.memory_space<vmem>>) dst(%dma_wait3A_2370 : memref<32x64xf32, #tpu.memory_space<hbm>>)
      tpu.yield
    }) : () -> ()
    return
  }
}

module attributes {stable_mosaic.version = 14 : i64} {
  func.func @_mm_body(%arg0: i32, %arg1: memref<64x6144xf32, #tpu.memory_space<vmem>>, %arg2: memref<1024x64xf32, #tpu.memory_space<vmem>>, %arg3: memref<6144xf32, #tpu.memory_space<vmem>>, %arg4: memref<6144x1024xf32, #tpu.memory_space<vmem>>) attributes {dimension_semantics = [#tpu.dimension_semantics<parallel>], iteration_bounds = array<i64: 17>, scalar_prefetch = 0 : i64, scratch_operands = 0 : i64, tpu.core_type = #tpu.core_type<tc>, window_params = [{transform_indices = @transform_0, window_bounds = array<i64: 64, 6144>}, {pipeline_mode = #tpu.pipeline_mode<synchronous>, transform_indices = @transform_1, window_bounds = array<i64: 1024, 64>}, {transform_indices = @transform_2, window_bounds = array<i64: 6144>}, {transform_indices = @transform_3, window_bounds = array<i64: 6144, 1024>}]} {
    %get3A = arith.constant 0 : index
    %get3A_0 = arith.constant 0 : index
    %get3A_1 = vector.load %arg1[%get3A, %get3A_0] : memref<64x6144xf32, #tpu.memory_space<vmem>>, vector<64x6144xf32>
    %get3A_2 = arith.constant 0 : index
    %get3A_3 = arith.constant 0 : index
    %get3A_4 = vector.load %arg2[%get3A_2, %get3A_3] : memref<1024x64xf32, #tpu.memory_space<vmem>>, vector<1024x64xf32>
    %dot_general3A = arith.constant dense<0.000000e+00> : vector<6144x1024xf32>
    %dot_general3A_5 = tpu.matmul %get3A_1, %get3A_4, %dot_general3A {dimension_numbers = #tpu.dot_dimension_numbers<[0], [1], [1], [0], [0, 1, 1, 0], [], []>, transpose_lhs_hint = false} : vector<64x6144xf32>, vector<1024x64xf32>, vector<6144x1024xf32> -> vector<6144x1024xf32>
    %get3A_6 = arith.constant 0 : index
    %get3A_7 = vector.load %arg3[%get3A_6] : memref<6144xf32, #tpu.memory_space<vmem>>, vector<6144xf32>
    %reshape3A = vector.shape_cast %get3A_7 : vector<6144xf32> to vector<6144x1xf32>
    %add3A = vector.broadcast %reshape3A : vector<6144x1xf32> to vector<6144x1024xf32>
    %add3A_8 = arith.addf %dot_general3A_5, %add3A : vector<6144x1024xf32>
    %swap3A = arith.constant 0 : index
    %swap3A_9 = arith.constant 0 : index
    %swap3A_10 = vector.load %arg4[%swap3A, %swap3A_9] : memref<6144x1024xf32, #tpu.memory_space<vmem>>, vector<6144x1024xf32>
    tpu.vector_store %arg4[%swap3A, %swap3A_9], %add3A_8 {strides = array<i32>} : memref<6144x1024xf32, #tpu.memory_space<vmem>>, vector<6144x1024xf32>,
    return
  }
  func.func @transform_0(%arg0: i32) -> (i32, i32) {
    %c0_i32 = arith.constant 0 : i32
    %c0_i32_0 = arith.constant 0 : i32
    return %c0_i32, %arg0 : i32, i32
  }
  func.func @transform_1(%arg0: i32) -> (i32, i32) {
    %c0_i32 = arith.constant 0 : i32
    %c0_i32_0 = arith.constant 0 : i32
    %c0_i32_1 = arith.constant 0 : i32
    return %c0_i32, %c0_i32_0 : i32, i32
  }
  func.func @transform_2(%arg0: i32) -> i32 {
    %c0_i32 = arith.constant 0 : i32
    return %arg0 : i32
  }
  func.func @transform_3(%arg0: i32) -> (i32, i32) {
    %c0_i32 = arith.constant 0 : i32
    %c0_i32_0 = arith.constant 0 : i32
    return %arg0, %c0_i32 : i32, i32
  }
}

module attributes {stable_mosaic.version = 14 : i64} {
  func.func @_transpose_body(%arg0: i32, %arg1: memref<64x16384xf32, #tpu.memory_space<vmem>>, %arg2: memref<8192x128xf32, #tpu.memory_space<vmem>>) attributes {dimension_semantics = [#tpu.dimension_semantics<parallel>], iteration_bounds = array<i64: 7>, scalar_prefetch = 0 : i64, scratch_operands = 0 : i64, tpu.core_type = #tpu.core_type<tc>, window_params = [{transform_indices = @transform_0, window_bounds = array<i64: 64, 16384>}, {transform_indices = @transform_1, window_bounds = array<i64: 8192, 128>}]} {
    %get3A = arith.constant 0 : index
    %get3A_0 = arith.constant 0 : index
    %get3A_1 = vector.load %arg1[%get3A, %get3A_0] : memref<64x16384xf32, #tpu.memory_space<vmem>>, vector<64x16384xf32>
    %slice3A = vector.extract_strided_slice %get3A_1 {offsets = [0, 0], sizes = [64, 8192], strides = [1, 1]} : vector<64x16384xf32> to vector<64x8192xf32>
    %slice3A_2 = vector.extract_strided_slice %get3A_1 {offsets = [0, 8192], sizes = [64, 8192], strides = [1, 1]} : vector<64x16384xf32> to vector<64x8192xf32>
    %transpose3A = tpu.transpose %slice3A, [1, 0] : vector<64x8192xf32> -> vector<8192x64xf32>
    %transpose3A_3 = tpu.transpose %slice3A_2, [1, 0] : vector<64x8192xf32> -> vector<8192x64xf32>
    %concatenate3A = tpu.concatenate %transpose3A, %transpose3A_3 in 1 : vector<8192x64xf32>, vector<8192x64xf32> -> vector<8192x128xf32>
    %swap3A = arith.constant 0 : index
    %swap3A_4 = arith.constant 0 : index
    %swap3A_5 = vector.load %arg2[%swap3A, %swap3A_4] : memref<8192x128xf32, #tpu.memory_space<vmem>>, vector<8192x128xf32>
    tpu.vector_store %arg2[%swap3A, %swap3A_4], %concatenate3A {strides = array<i32>} : memref<8192x128xf32, #tpu.memory_space<vmem>>, vector<8192x128xf32>,
    return
  }
  func.func @transform_0(%arg0: i32) -> (i32, i32) {
    %c0_i32 = arith.constant 0 : i32
    %c0_i32_0 = arith.constant 0 : i32
    return %c0_i32, %arg0 : i32, i32
  }
  func.func @transform_1(%arg0: i32) -> (i32, i32) {
    %c0_i32 = arith.constant 0 : i32
    %c0_i32_0 = arith.constant 0 : i32
    return %arg0, %c0_i32 : i32, i32
  }
}

</mosaic_0001>

<sc_bundles>
// kernel: kernel.5.cloned.1.call-start
scs
__scs_entry_jumppad:
0x0: {  	(pc) =	sbr.rel $0x88, $3  }
0x1: {  	(tag) =	ssettag $0x0;
	lr =	simm.s32 $0x1  }
0x2: {  	[smem:$0x3F9D] =	sst lr;
	_ =	strace $0xD0000000  }
0x3: {  	_ = 	snop  }
0x4: {  	_ = 	snop  }
0x5: {  	_ = 	snop  }
0x6: {  	_ = 	snop  }
0x7: {  	_ = 	snop  }
__scs_overlays_trampoline_lowered:
0x8: {  	[smem:$0x3FAC] =	sst s0  }
0x9: {  	[smem:$0x3FAD] =	sst s1  }
0xa: {  	[smem:$0x3FAE] =	sst s2  }
0xb: {  	[smem:$0x3FAF] =	sst s3  }
0xc: {  	[smem:$0x3FB0] =	sst s4  }
0xd: {  	[smem:$0x3FB1] =	sst s5  }
0xe: {  	[smem:$0x3FB2] =	sst s6  }
0xf: {  	[smem:$0x3FB3] =	sst s7  }
0x10: {  	[smem:$0x3FB4] =	sst s8  }
0x11: {  	[smem:$0x3FB5] =	sst s9;
	s0 =	simm.s32 @!p0 $0x0  }
0x12: {  	s1 =	sld [smem:$0x3F9B];
	s0 =	simm.s32 @p0 $0x1  }
0x13: {  	[smem:$0x3FB6] =	sst s0;
	s0 =	simm.s32 @!p1 $0x0  }
0x14: {  	s2 =	sld [smem:$0x3F9A];
	s0 =	simm.s32 @p1 $0x1  }
0x15: {  	[smem:$0x3FB7] =	sst s0;
	s0 =	simm.s32 @!p2 $0x0  }
0x16: {  	s3 =	sld [smem:$0x3FDB];
	s0 =	simm.s32 @p2 $0x1  }
0x17: {  	s4 =	simm.s32 $0x1BF5;
	[smem:$0x3FB9] =	sst s0  }
0x18: {  	s0 =	sld [smem:$0x3F9C];
	_ =	swait.ge [sflag:s4], $0x0  }
0x19: {  	s7 =	sld [smem:$0x3F9D]  }
0x1a: {  	s8 =	sadd.s32 $0xFFFFE003, lr  }
0x1b: {  	s9 =	sadd.s32 $0xFFFFFEF7, lr;
	s5 =	simm.s32 $0xFFFFFFFF;
	p2 =	slt.u32 s8, $0xFFFFF086  }
0x1c: {  	p1 =	slt.u32 s9, $0xF7A;
	s5 =	simm.s32 @!p2 $0x0  }
0x1d: {  	s5 =	simm.s32 @p1 $0x1;
	p0 =	seq.s32 s7, s2  }
0x1e: {  	s7 =	smul.u32 @!p0 $0xF7A, s2;
	p2 =	seq.s32 @!p0 s5, $0x0  }
0x1f: {  	s9 =	smul.u32 $0xF7A, s1;
	s8 =	simm.s32 @!p0 $0x1BF5;
	p2 =	por !p2, p0  }
0x20: {  	[sflag:s8] =	ssyncset.s32 @!p0 $0xFFFFF086;
	s6 =	sadd.s32 @!p0 s3, s7;
	s7 =	simm.s32 @!p0 $0x108  }
0x21: {  	s3 =	sadd.s32 s3, s9;
	s6 =	sadd.s32 @!p0 $0x88, s6;
	s7 =	simm.s32 @p2 $0x1082  }
0x22: {  	[simem:s7], [sflag:s8] =	dma.local @!p0 [hbm:s6], $0xF7A  }
0x23: {  	s9 =	sor.u32 $0xD0000000, s2;
	s6 =	simm.s32 $0x108;
	_ =	swait.ge @!p0 [sflag:s8], $0x0  }
0x24: {  	s3 =	sadd.s32 $0x88, s3;
	s6 =	simm.s32 @!p1 $0x1082;
	[sflag:s4] =	ssyncset.s32 $0xFFFFF086  }
0x25: {  	[simem:s6], [sflag:s4] =	dma.local [hbm:s3], $0xF7A  }
0x26: {  	[smem:$0x3F9D] =	sst s1;
	(tag) =	ssettag s2;
	_ =	strace s9  }
0x27: {  	s1 =	sld [smem:$0x3FAD]  }
0x28: {  	s2 =	sld [smem:$0x3FAE]  }
0x29: {  	s4 =	sld [smem:$0x3FB0]  }
0x2a: {  	p0 =	seq.s32 s5, $0x0;
	s5 =	sld [smem:$0x3FB1]  }
0x2b: {  	s6 =	sld [smem:$0x3FB2]  }
0x2c: {  	s7 =	sld [smem:$0x3FB3]  }
0x2d: {  	s3 =	simm.s32 $0x108;
	s8 =	sld [smem:$0x3FB4]  }
0x2e: {  	s3 =	simm.s32 @!p0 $0x1082;
	s9 =	sld [smem:$0x3FB5]  }
0x2f: {  	lr =	sadd.s32 s0, s3;
	s0 =	sld [smem:$0x3FAC]  }
0x30: {  	s3 =	sld [smem:$0x3FAF]  }
0x31: {  	[smem:$0x3FB8] =	sst s10  }
0x32: {  	s10 =	sld [smem:$0x3FB6];
	_ =	sdelay $0x3  }
0x33: {  	p0 =	seq.s32 s10, $0x1;
	s10 =	sld [smem:$0x3FB8];
	_ =	sdelay $0x3  }
0x34: {  	[smem:$0x3FB8] =	sst s10  }
0x35: {  	s10 =	sld [smem:$0x3FB7];
	_ =	sdelay $0x3  }
0x36: {  	p1 =	seq.s32 s10, $0x1;
	s10 =	sld [smem:$0x3FB8];
	_ =	sdelay $0x3  }
0x37: {  	[smem:$0x3FB8] =	sst s10  }
0x38: {  	s10 =	sld [smem:$0x3FB9]  }
0x39: {  	_ = 	snop;
	(pc) =	sbr.ind lr, $3  }
0x3a: {  	_ = 	snop  }
0x3b: {  	_ = 	snop  }
0x3c: {  	p2 =	seq.s32 s10, $0x1;
	s10 =	sld [smem:$0x3FB8]  }
0x3d: {  	_ =	shalt  }
0x3e: {  	_ =	shalt  }
0x3f: {  	_ =	shalt  }
0x40: {  	_ =	shalt  }
0x41: {  	_ =	shalt  }
0x42: {  	_ =	shalt  }
0x43: {  	_ =	shalt  }
0x44: {  	_ =	shalt  }
0x45: {  	_ =	shalt  }
0x46: {  	_ =	shalt  }
0x47: {  	_ =	shalt  }
0x48: {  	_ =	shalt  }
0x49: {  	_ =	shalt  }
0x4a: {  	_ =	shalt  }
0x4b: {  	_ =	shalt  }
0x4c: {  	_ =	shalt  }
0x4d: {  	_ =	shalt  }
0x4e: {  	_ =	shalt  }
0x4f: {  	_ =	shalt  }
0x50: {  	_ =	shalt  }
0x51: {  	_ =	shalt  }
0x52: {  	_ =	shalt  }
0x53: {  	_ =	shalt  }
0x54: {  	_ =	shalt  }
0x55: {  	_ =	shalt  }
0x56: {  	_ =	shalt  }
0x57: {  	_ =	shalt  }
0x58: {  	_ =	shalt  }
0x59: {  	_ =	shalt  }
0x5a: {  	_ =	shalt  }
0x5b: {  	_ =	shalt  }
0x5c: {  	_ =	shalt  }
0x5d: {  	_ =	shalt  }
0x5e: {  	_ =	shalt  }
0x5f: {  	_ =	shalt  }
0x60: {  	_ =	shalt  }
0x61: {  	_ =	shalt  }
0x62: {  	_ =	shalt  }
0x63: {  	_ =	shalt  }
0x64: {  	_ =	shalt  }
0x65: {  	_ =	shalt  }
0x66: {  	_ =	shalt  }
0x67: {  	_ =	shalt  }
0x68: {  	_ =	shalt  }
0x69: {  	_ =	shalt  }
0x6a: {  	_ =	shalt  }
0x6b: {  	_ =	shalt  }
0x6c: {  	_ =	shalt  }
0x6d: {  	_ =	shalt  }
0x6e: {  	_ =	shalt  }
0x6f: {  	_ =	shalt  }
0x70: {  	_ =	shalt  }
0x71: {  	_ =	shalt  }
0x72: {  	_ =	shalt  }
0x73: {  	_ =	shalt  }
0x74: {  	_ =	shalt  }
0x75: {  	_ =	shalt  }
0x76: {  	_ =	shalt  }
0x77: {  	_ =	shalt  }
0x78: {  	_ =	shalt  }
0x79: {  	_ =	shalt  }
0x7a: {  	_ =	shalt  }
0x7b: {  	_ =	shalt  }
0x7c: {  	_ =	shalt  }
0x7d: {  	_ =	shalt  }
0x7e: {  	_ =	shalt  }
0x7f: {  	_ =	shalt  }
0x80: {  	_ =	shalt  }
0x81: {  	_ =	shalt  }
0x82: {  	_ =	shalt  }
0x83: {  	_ =	shalt  }
0x84: {  	_ =	shalt  }
0x85: {  	_ =	shalt  }
0x86: {  	_ =	shalt  }
0x87: {  	_ =	shalt  }
.Lfunc_end0:
.L_simem_size_0:
called_computation_lowered:
.L_overlay_start_0:
0x88: {  	s2 =	sld [smem:$0x3FD9]  }
0x89: {  	s3 =	sld [smem:$0x3FFE];
	_ =	sdelay $0x1  }
0x8a: {  	s1 =	srdreg.scid  }
0x8b: {  	s0 =	sand.u32 $0x1, s1  }
0x8c: {  	s17 =	sshll.u32 s0, $0xA;
	s2 =	sadd.s32 s3, s2  }
0x8d: {  	s2 =	sadd.s32 s2, s17  }
0x8e: {  	[smem:$0x3FC4] =	sst s2  }
0x8f: {  	_ = 	snop  }
0x90: {  	s2 =	sld [smem:$0x3FC9]  }
0x91: {  	s18 =	sld [smem:$0x3FD0];
	(tm) =	ssettm $0x1  }
0x92: {  	s4 =	sld [smem:$0x3FFB];
	_ =	sdelay $0x3  }
0x93: {  	_ =	strace s4  }
0x94: {  	s4 =	sld [smem:$0x3FFC];
	_ =	sdelay $0x3  }
0x95: {  	_ =	strace s4  }
0x96: {  	s4 =	sld [smem:$0x3FFD];
	_ =	sdelay $0x3  }
0x97: {  	_ =	strace s4  }
0x98: {  	_ =	strace $0x8FFFFFFF  }
0x99: {  	s19 =	sld [smem:$0x3FDB];
	_ =	sdelay $0x1  }
0x9a: {  	s5 =	simm.s32 $_scs_section_size  }
0x9b: {  	s6 =	simm.s32 $_size__tile_overlayer_lowered;
	s7 =	simm.s32 $_tile_overlayer_lowered  }
0x9c: {  	s22 =	simm.s32 $0x1BFF;
	s21 =	sshll.u32 s7, $0x1;
	s4 =	sadd.s32 s5, s19  }
0x9d: {  	s8 =	simm.s32 $0x0;
	s20 =	sshll.u32 s6, $0x1;
	s6 =	sadd.s32 s21, s4  }
0x9e: {  	[timem:s8], [sflag:s22] =	dma.local [hbm:s6], s20  }
0x9f: {  	_ =	swait.ge [sflag:s22], s20  }
0xa0: {  	s5 =	ssub.s32 $0x0, s20;
	[sflag:s22] =	ssyncset.done $0x0  }
0xa1: {  	[sflag:s22] =	ssyncadd.s32 s5;
	_ =	sdelay $0x1  }
0xa2: {  	s23 =	simm.s32 $0x1B8B  }
0xa3: {  	_ =	swait.ge [sflag:s23], $0x1  }
0xa4: {  	[sflag:s23] =	ssyncset.done $0x0  }
0xa5: {  	s25 =	simm.s32 $0x1B8E;
	s24 =	sld [smem:$0x3FFE];
	[sflag:s23] =	ssyncadd.s32 $0xFFFFFFFF  }
0xa6: {  	s26 =	simm.s32 $execute0_lowered;
	[smem:$0x3FD2] =	sst s25  }
0xa7: {  	s6 =	sshll.u32 s26, $0x1;
	_ =	strace $0x80000046;
	[dreg:$0x1] =	wrdreg $0xFFFFFFFF  }
0xa8: {  	s28 =	simm.s32 $_size_execute0_lowered;
	s4 =	sadd.s32 s4, s6;
	[dreg:$0x0] =	wrdreg $0x0  }
0xa9: {  	s6 =	sshll.u32 s28, $0x1;
	[dreg:$0x2] =	wrdreg s4  }
0xaa: {  	[dreg:$0x3] =	wrdreg s6  }
0xab: {  	[dreg:$0x4] =	wrdreg $0xC0  }
0xac: {  	_ =	task [dreg:s8], $0x5FFFF  }
0xad: {  	[dreg:$0x1] =	wrdreg $0xFFFFFFFF  }
0xae: {  	[dreg:$0x0] =	wrdreg $0x60  }
0xaf: {  	[dreg:$0x2] =	wrdreg s18  }
0xb0: {  	[dreg:$0x3] =	wrdreg s2  }
0xb1: {  	[dreg:$0x4] =	wrdreg s24  }
0xb2: {  	[dreg:$0x5] =	wrdreg $0x9  }
0xb3: {  	_ =	task.clear_ibuf [dreg:s8], $0x6FFFF;
	_ =	strace $0x90000046  }
0xb4: {  	s29 =	simm.s32 $0x9;
	_ =	strace $0x80000048  }
0xb5: {  	_ =	swait.ge [sflag:s29], $0x1  }
0xb6: {  	[sflag:s29] =	ssyncadd.s32 $0xFFFFFFFF  }
0xb7: {  	_ =	strace $0x90000048  }
0xb8: {  	_ =	sfence  }
0xb9: {  	s30 =	sld [smem:$0x0];
	_ =	sdelay $0x2  }
0xba: {  	s31 =	sshll.u32 s1, $0xD;
	s1 =	sshrl.u32 s1, $0x2  }
0xbb: {  	s3 =	sand.u32 $0x4000, s31;
	s1 =	sadd.s32 s1, s30  }
0xbc: {  	s0 =	sor.u32 s3, s0;
	s1 =	sshll.u32 s1, $0x11  }
0xbd: {  	s0 =	sor.u32 s1, s0  }
0xbe: {  	s0 =	sadd.s32 $0x8F2B, s0  }
0xbf: {  	[sflag:s0] =	ssyncadd.remote.s32 $0x1  }
0xc0: {  	_ =	sfence.sel $0xFFFF  }
0xc1: {  	[dreg:$0x0] =	wrdreg $0xFFFFFFFF;
	(pc) =	sbr.abs _section_cstart, $3  }
0xc2: {  	[dreg:$0x1] =	wrdreg $0xFFFFFFFF  }
0xc3: {  	_ =	task.clear_ibuf [dreg:s8], $0x2FFFF;
	_ =	strace $0x9FFFFFFF  }
0xc4: {  	(tm) =	ssettm $0x7FFFFFFF  }
0xc5: {  	_ =	shalt  }
tec
execute0_lowered:
.L_overlay_start_1:
0x0: {  	(tag) =	ssettag $0x1  }
0x1: {  	s0 =	rddreg [dreg:$0x0]  }
0x2: {  	s4 =	rddreg [dreg:$0x1]  }
0x3: {  	s5 =	rddreg [dreg:$0x2]  }
0x4: {  	s1 =	srdreg.scid;
	[dreg:$0x4] =	wrdreg s0  }
0x5: {  	s2 =	simm.s32 $0x0;
	s3 =	sand.u32 $0x1, s1;
	s1 =	rddreg [dreg:$0x3]  }
0x6: {  	s30 =	simm.s32 $0x20;
	[smem:$0x7FF] =	sst s2  }
0x7: {  	s31 =	simm.s32 $0x100;
	_ =	strace $0x80000047;
	[dreg:$0x7] =	wrdreg s30  }
0x8: {  	s8 =	simm.s32 $0x170;
	[dreg:$0x8] =	wrdreg s31  }
0x9: {  	s9 =	simm.s32 $0x1C0;
	[dreg:$0xc] =	wrdreg s8  }
0xa: {  	s10 =	simm.s32 $0x1D0;
	[dreg:$0xd] =	wrdreg s9  }
0xb: {  	s11 =	simm.s32 $0x1E0;
	[dreg:$0xe] =	wrdreg s10  }
0xc: {  	s12 =	simm.s32 $0x1F0;
	[dreg:$0xf] =	wrdreg s11  }
0xd: {  	s13 =	simm.s32 $0x240;
	[dreg:$0x10] =	wrdreg s12  }
0xe: {  	s14 =	simm.s32 $0x250;
	[dreg:$0x11] =	wrdreg s13  }
0xf: {  	s15 =	simm.s32 $0x260;
	[dreg:$0x12] =	wrdreg s14  }
0x10: {  	s16 =	simm.s32 $0x270;
	[dreg:$0x13] =	wrdreg s15  }
0x11: {  	s17 =	simm.s32 $0x2C0;
	[dreg:$0x14] =	wrdreg s16  }
0x12: {  	s18 =	simm.s32 $0x2D0;
	[dreg:$0x15] =	wrdreg s17  }
0x13: {  	s19 =	simm.s32 $0x2E0;
	[dreg:$0x16] =	wrdreg s18  }
0x14: {  	s20 =	simm.s32 $0x2F0;
	[dreg:$0x17] =	wrdreg s19  }
0x15: {  	s21 =	simm.s32 $0x340;
	[dreg:$0x18] =	wrdreg s20  }
0x16: {  	s22 =	simm.s32 $0x350;
	[dreg:$0x19] =	wrdreg s21  }
0x17: {  	s23 =	simm.s32 $0x360;
	[dreg:$0x1a] =	wrdreg s22  }
0x18: {  	s24 =	simm.s32 $0x370;
	[dreg:$0x1b] =	wrdreg s23  }
0x19: {  	s25 =	simm.s32 $0x3C0;
	[dreg:$0x1c] =	wrdreg s24  }
0x1a: {  	s26 =	simm.s32 $0x3D0;
	[dreg:$0x1d] =	wrdreg s25  }
0x1b: {  	s28 =	simm.s32 $0x3E0;
	[dreg:$0x1e] =	wrdreg s26  }
0x1c: {  	[dreg:$0x1f] =	wrdreg s28;
	s30 =	simm.s32 $0x440  }
0x1d: {  	s31 =	simm.s32 $0x450;
	[smem:$0x795] =	sst s30  }
0x1e: {  	s8 =	simm.s32 $0x4D0;
	[smem:$0x796] =	sst s31  }
0x1f: {  	s9 =	simm.s32 $0x4E0;
	[smem:$0x79A] =	sst s8  }
0x20: {  	s10 =	simm.s32 $0x4F0;
	[smem:$0x79B] =	sst s9  }
0x21: {  	s11 =	simm.s32 $0x540;
	[smem:$0x79C] =	sst s10  }
0x22: {  	s12 =	simm.s32 $0x550;
	[smem:$0x79D] =	sst s11  }
0x23: {  	s13 =	simm.s32 $0x560;
	[smem:$0x79E] =	sst s12  }
0x24: {  	s14 =	simm.s32 $0x570;
	[smem:$0x79F] =	sst s13  }
0x25: {  	s15 =	simm.s32 $0x5C0;
	[smem:$0x7A0] =	sst s14  }
0x26: {  	s16 =	simm.s32 $0x5D0;
	[smem:$0x7A1] =	sst s15  }
0x27: {  	s17 =	simm.s32 $0x5E0;
	[smem:$0x7A2] =	sst s16  }
0x28: {  	s18 =	simm.s32 $0x5F0;
	[smem:$0x7A3] =	sst s17  }
0x29: {  	s19 =	simm.s32 $0x640;
	[smem:$0x7A4] =	sst s18  }
0x2a: {  	s20 =	simm.s32 $0x650;
	[smem:$0x7A5] =	sst s19  }
0x2b: {  	s21 =	simm.s32 $0x660;
	[smem:$0x7A6] =	sst s20  }
0x2c: {  	s22 =	simm.s32 $0x670;
	[smem:$0x7A7] =	sst s21  }
0x2d: {  	s23 =	simm.s32 $0x6C0;
	[smem:$0x7A8] =	sst s22  }
0x2e: {  	s24 =	simm.s32 $0x6D0;
	[smem:$0x7A9] =	sst s23  }
0x2f: {  	s25 =	simm.s32 $0x6E0;
	[smem:$0x7AA] =	sst s24  }
0x30: {  	s26 =	simm.s32 $0x6F0;
	[smem:$0x7AB] =	sst s25  }
0x31: {  	s28 =	simm.s32 $0x740;
	[smem:$0x7AC] =	sst s26  }
0x32: {  	[smem:$0x7AD] =	sst s28;
	s30 =	simm.s32 $0x760  }
0x33: {  	s31 =	simm.s32 $0x770;
	[smem:$0x7AF] =	sst s30  }
0x34: {  	s8 =	simm.s32 $0x7F0;
	[smem:$0x7B0] =	sst s31  }
0x35: {  	s9 =	simm.s32 $0x840;
	[smem:$0x7B4] =	sst s8  }
0x36: {  	s10 =	simm.s32 $0x850;
	[smem:$0x7B5] =	sst s9  }
0x37: {  	s11 =	simm.s32 $0x860;
	[smem:$0x7B6] =	sst s10  }
0x38: {  	s12 =	simm.s32 $0x870;
	[smem:$0x7B7] =	sst s11  }
0x39: {  	s13 =	simm.s32 $0x8C0;
	[smem:$0x7B8] =	sst s12  }
0x3a: {  	s14 =	simm.s32 $0x8D0;
	[smem:$0x7B9] =	sst s13  }
0x3b: {  	s15 =	simm.s32 $0x8E0;
	[smem:$0x7BA] =	sst s14  }
0x3c: {  	s16 =	simm.s32 $0x8F0;
	[smem:$0x7BB] =	sst s15  }
0x3d: {  	s17 =	simm.s32 $0x940;
	[smem:$0x7BC] =	sst s16  }
0x3e: {  	s18 =	simm.s32 $0x950;
	[smem:$0x7BD] =	sst s17  }
0x3f: {  	s19 =	simm.s32 $0x960;
	[smem:$0x7BE] =	sst s18  }
0x40: {  	s20 =	simm.s32 $0x970;
	[smem:$0x7BF] =	sst s19  }
0x41: {  	s21 =	simm.s32 $0x9C0;
	[smem:$0x7C0] =	sst s20  }
0x42: {  	s22 =	simm.s32 $0x9D0;
	[smem:$0x7C1] =	sst s21  }
0x43: {  	s23 =	simm.s32 $0x9E0;
	[smem:$0x7C2] =	sst s22  }
0x44: {  	s24 =	simm.s32 $0x9F0;
	[smem:$0x7C3] =	sst s23  }
0x45: {  	s25 =	simm.s32 $0xA40;
	[smem:$0x7C4] =	sst s24  }
0x46: {  	s26 =	simm.s32 $0xA50;
	[smem:$0x7C5] =	sst s25  }
0x47: {  	s28 =	simm.s32 $0xA60;
	[smem:$0x7C6] =	sst s26  }
0x48: {  	[smem:$0x7C7] =	sst s28;
	s30 =	simm.s32 $0xAC0  }
0x49: {  	s31 =	simm.s32 $0xAD0;
	[smem:$0x7C9] =	sst s30  }
0x4a: {  	s8 =	simm.s32 $0xB50;
	[smem:$0x7CA] =	sst s31  }
0x4b: {  	s9 =	simm.s32 $0xB60;
	[smem:$0x7CE] =	sst s8  }
0x4c: {  	s10 =	simm.s32 $0xB70;
	[smem:$0x7CF] =	sst s9  }
0x4d: {  	s11 =	simm.s32 $0xBC0;
	[smem:$0x7D0] =	sst s10  }
0x4e: {  	s12 =	simm.s32 $0xBD0;
	[smem:$0x7D1] =	sst s11  }
0x4f: {  	s13 =	simm.s32 $0xBE0;
	[smem:$0x7D2] =	sst s12  }
0x50: {  	s14 =	simm.s32 $0xBF0;
	[smem:$0x7D3] =	sst s13  }
0x51: {  	s15 =	simm.s32 $0xC40;
	[smem:$0x7D4] =	sst s14  }
0x52: {  	s16 =	simm.s32 $0xC50;
	[smem:$0x7D5] =	sst s15  }
0x53: {  	s17 =	simm.s32 $0xC60;
	[smem:$0x7D6] =	sst s16  }
0x54: {  	s18 =	simm.s32 $0xC70;
	[smem:$0x7D7] =	sst s17  }
0x55: {  	s19 =	simm.s32 $0xCC0;
	[smem:$0x7D8] =	sst s18  }
0x56: {  	s20 =	simm.s32 $0xCD0;
	[smem:$0x7D9] =	sst s19  }
0x57: {  	s21 =	simm.s32 $0xCE0;
	[smem:$0x7DA] =	sst s20  }
0x58: {  	s0 =	stileid.u32;
	s22 =	simm.s32 $0xCF0;
	[smem:$0x7DB] =	sst s21  }
0x59: {  	s6 =	sshll.u32 s0, $0x6;
	s23 =	simm.s32 $0xD40;
	[smem:$0x7DC] =	sst s22  }
0x5a: {  	s7 =	sshll.u32 s3, $0x5;
	s24 =	simm.s32 $0xD50;
	[smem:$0x7DD] =	sst s23  }
0x5b: {  	s6 =	sor.u32 s7, s6;
	s25 =	simm.s32 $0xD60;
	[smem:$0x7DE] =	sst s24  }
0x5c: {  	s7 =	sshll.u32 s6, $0x4;
	s26 =	simm.s32 $0xD70;
	[smem:$0x7DF] =	sst s25  }
0x5d: {  	s6 =	sshrl.u32 s6, $0x3;
	s28 =	simm.s32 $0xDC0;
	[smem:$0x7E0] =	sst s26  }
0x5e: {  	s4 =	sadd.s32 s4, s6;
	[smem:$0x7E1] =	sst s28  }
0x5f: {  	s6 =	simm.s32 $0x150;
	[dreg:$0x5] =	wrdreg s4  }
0x60: {  	s5 =	sadd.s32 s7, s5;
	s7 =	simm.s32 $0x160;
	[dreg:$0xa] =	wrdreg s6  }
0x61: {  	s30 =	simm.s32 $0xDE0;
	[dreg:$0xb] =	wrdreg s7  }
0x62: {  	s31 =	simm.s32 $0xDF0;
	[smem:$0x7E3] =	sst s30  }
0x63: {  	s8 =	simm.s32 $0xE70;
	[smem:$0x7E4] =	sst s31  }
0x64: {  	s9 =	simm.s32 $0xEC0;
	[smem:$0x7E8] =	sst s8  }
0x65: {  	s10 =	simm.s32 $0xED0;
	[smem:$0x7E9] =	sst s9  }
0x66: {  	s11 =	simm.s32 $0xEE0;
	[smem:$0x7EA] =	sst s10  }
0x67: {  	s12 =	simm.s32 $0xEF0;
	[smem:$0x7EB] =	sst s11  }
0x68: {  	s13 =	simm.s32 $0xF40;
	[smem:$0x7EC] =	sst s12  }
0x69: {  	s14 =	simm.s32 $0xF50;
	[smem:$0x7ED] =	sst s13  }
0x6a: {  	s15 =	simm.s32 $0xF60;
	[smem:$0x7EE] =	sst s14  }
0x6b: {  	s16 =	simm.s32 $0xF70;
	[smem:$0x7EF] =	sst s15  }
0x6c: {  	s17 =	simm.s32 $0xFC0;
	[smem:$0x7F0] =	sst s16  }
0x6d: {  	s18 =	simm.s32 $0xFD0;
	[smem:$0x7F1] =	sst s17  }
0x6e: {  	s19 =	simm.s32 $0xFE0;
	[smem:$0x7F2] =	sst s18  }
0x6f: {  	s20 =	simm.s32 $0xFF0;
	[smem:$0x7F3] =	sst s19  }
0x70: {  	s21 =	simm.s32 $0x1040;
	[smem:$0x7F4] =	sst s20  }
0x71: {  	s22 =	simm.s32 $0x1050;
	[smem:$0x7F5] =	sst s21  }
0x72: {  	s23 =	simm.s32 $0x1060;
	[smem:$0x7F6] =	sst s22  }
0x73: {  	s24 =	simm.s32 $0x1070;
	[smem:$0x7F7] =	sst s23  }
0x74: {  	s25 =	simm.s32 $0x10C0;
	[smem:$0x7F8] =	sst s24  }
0x75: {  	s26 =	simm.s32 $0x10D0;
	[smem:$0x7F9] =	sst s25  }
0x76: {  	s29 =	sadd.s32 $0x400, s5;
	[smem:$0x7FA] =	sst s26  }
0x77: {  	s5 =	simm.s32 $0x140;
	[dreg:$0x6] =	wrdreg s29  }
0x78: {  	s6 =	simm.s32 $0x470;
	[dreg:$0x9] =	wrdreg s5  }
0x79: {  	s7 =	simm.s32 $0x4C0;
	[smem:$0x798] =	sst s6  }
0x7a: {  	s30 =	simm.s32 $0x10F0;
	[smem:$0x799] =	sst s7  }
0x7b: {  	s31 =	simm.s32 $0x1100;
	[smem:$0x7FC] =	sst s30  }
0x7c: {  	s29 =	simm.s32 $0x3F0;
	[smem:$0x7FD] =	sst s31  }
0x7d: {  	s5 =	simm.s32 $0x460;
	[smem:$0x794] =	sst s29  }
0x7e: {  	s6 =	simm.s32 $0x7D0;
	[smem:$0x797] =	sst s5  }
0x7f: {  	s7 =	simm.s32 $0x7E0;
	[smem:$0x7B2] =	sst s6  }
0x80: {  	s29 =	simm.s32 $0x750;
	[smem:$0x7B3] =	sst s7  }
0x81: {  	s5 =	simm.s32 $0x7C0;
	[smem:$0x7AE] =	sst s29  }
0x82: {  	s6 =	simm.s32 $0xAF0;
	[smem:$0x7B1] =	sst s5  }
0x83: {  	s7 =	simm.s32 $0xB40;
	[smem:$0x7CC] =	sst s6  }
0x84: {  	s29 =	simm.s32 $0xA70;
	[smem:$0x7CD] =	sst s7  }
0x85: {  	s5 =	simm.s32 $0xAE0;
	[smem:$0x7C8] =	sst s29  }
0x86: {  	s6 =	simm.s32 $0xE50;
	[smem:$0x7CB] =	sst s5  }
0x87: {  	s3 =	ssub.s32 $0x2, s3;
	s7 =	simm.s32 $0xE60;
	[smem:$0x7E6] =	sst s6  }
0x88: {  	s28 =	sshrl.u32 s3, $0x1;
	s29 =	simm.s32 $0xDD0;
	[smem:$0x7E7] =	sst s7  }
0x89: {  	s3 =	ssub.s32 s3, s28;
	s5 =	simm.s32 $0xE40;
	[smem:$0x7E2] =	sst s29  }
0x8a: {  	s4 =	simm.s32 $0x2;
	[smem:$0x7E5] =	sst s5;
	s29 =	simm.s32 $0x10E0  }
0x8b: {  	s3 =	smax.u32 s3, $0x1;
	s5 =	simm.s32 $0x1;
	[smem:$0x7FB] =	sst s29  }
.LBB2_1:
0x8c: {  	s6 =	rddreg [dreg:$0x5]  }
0x8d: {  	[tilespmem:s2], [sflag:$0x2] =	stream.linear.gather [hbm4b:s6+s2], $0x20, $0x38;
	[tilespmem:$0x2100] =	vst v63  }
0x8e: {  	_ =	swait.ge [sflag:s4], $0x20  }
0x8f: {  	[sflag:s4] =	ssyncset.done $0x0  }
0x90: {  	[sflag:s4] =	ssyncadd.s32 $0xFFFFFFE0  }
0x91: {  	v0 =	vld [tilespmem:$0x0]  }
0x92: {  	v1 =	vld [tilespmem:$0x10];
	_ =	sdelay $0x3  }
0x93: {  	v2 =	vshrl.u32 v0, $0x1  }
0x94: {  	v3 =	vand.u32 $0x1FFF, v0;
	v0 =	vshrl.u32 v0, $0xD;
	v54 =	vshrl.u32 v1, $0x1  }
0x95: {  	v56 =	vand.u32 $0x1FFF, v1;
	v1 =	vshrl.u32 v1, $0xD;
	v0 =	vand.u32 $0x1, v0  }
0x96: {  	v2 =	vand.u32 $0x7FFFE000, v2;
	v58 =	vand.u32 $0x1, v1;
	[tilespmem:$0x80] =	vst v0  }
0x97: {  	s19 =	rddreg [dreg:$0x4];
	v55 =	vand.u32 $0x7FFFE000, v54;
	v2 =	vor.u32 v3, v2;
	[tilespmem:$0x90] =	vst v58  }
0x98: {  	s7 =	rddreg [dreg:$0x7];
	v57 =	vor.u32 v56, v55;
	[tilespmem:$0x0] =	vst v2  }
0x99: {  	s8 =	rddreg [dreg:$0x8];
	[tilespmem:$0x10] =	vst v57  }
0x9a: {  	[tilespmem:s8], [sflag:$0x1] =	stream.indirect.gather [hbm4b:s19+s7], $0x80, s2, s7, $0xb8;
	[tilespmem:$0x2100] =	vst v63  }
0x9b: {  	_ =	swait.ge [sflag:s5], $0x1000  }
0x9c: {  	[sflag:s5] =	ssyncset.done $0x0  }
0x9d: {  	[sflag:s5] =	ssyncadd.s32 $0xFFFFF000  }
0x9e: {  	v59 =	vld [tilespmem:$0x80];
	_ =	sdelay $0x4  }
0x9f: {  	(v2sf) =	vpush v59, $0x0;
	_ =	sdelay $0xe  }
0xa0: {  	s20 =	spop (v2sf)  }
0xa1: {  	s6 =	rddreg [dreg:$0x9];
	p0 =	seq.s32 s20, $0x1  }
0xa2: {  	s6 =	simm.s32 @!p0 $0x100  }
0xa3: {  	v60 =	vld [tilespmem:s6+$0x0];
	_ =	sdelay $0x3  }
0xa4: {  	s6 =	rddreg [dreg:$0xa]  }
0xa5: {  	s6 =	simm.s32 @!p0 $0x110;
	[tilespmem:$0x1100] =	vst v60  }
0xa6: {  	(v2sf) =	vpush v59, $0x1;
	v1 =	vld [tilespmem:s6+$0x0];
	_ =	sdelay $0x3  }
0xa7: {  	s6 =	rddreg [dreg:$0xb]  }
0xa8: {  	s6 =	simm.s32 @!p0 $0x120;
	[tilespmem:$0x1110] =	vst v1  }
0xa9: {  	v1 =	vld [tilespmem:s6+$0x0];
	_ =	sdelay $0x3  }
0xaa: {  	s6 =	rddreg [dreg:$0xc]  }
0xab: {  	s6 =	simm.s32 @!p0 $0x130;
	[tilespmem:$0x1120] =	vst v1  }
0xac: {  	v1 =	vld [tilespmem:s6+$0x0];
	_ =	sdelay $0x2  }
0xad: {  	s21 =	spop (v2sf)  }
0xae: {  	p0 =	seq.s32 s21, $0x1;
	s6 =	rddreg [dreg:$0xd]  }
0xaf: {  	s6 =	simm.s32 @!p0 $0x180;
	[tilespmem:$0x1130] =	vst v1  }
0xb0: {  	v1 =	vld [tilespmem:s6+$0x0];
	_ =	sdelay $0x3  }
0xb1: {  	s6 =	rddreg [dreg:$0xe]  }
0xb2: {  	s6 =	simm.s32 @!p0 $0x190;
	[tilespmem:$0x1180] =	vst v1  }
0xb3: {  	(v2sf) =	vpush v59, $0x2;
	v1 =	vld [tilespmem:s6+$0x0];
	_ =	sdelay $0x3  }
0xb4: {  	s6 =	rddreg [dreg:$0xf]  }
0xb5: {  	s6 =	simm.s32 @!p0 $0x1A0;
	[tilespmem:$0x1190] =	vst v1  }
0xb6: {  	v1 =	vld [tilespmem:s6+$0x0];
	_ =	sdelay $0x3  }
0xb7: {  	s6 =	rddreg [dreg:$0x10]  }
0xb8: {  	s6 =	simm.s32 @!p0 $0x1B0;
	[tilespmem:$0x11A0] =	vst v1  }
0xb9: {  	v1 =	vld [tilespmem:s6+$0x0];
	_ =	sdelay $0x2  }
0xba: {  	s22 =	spop (v2sf)  }
0xbb: {  	p0 =	seq.s32 s22, $0x1;
	s6 =	rddreg [dreg:$0x11]  }
0xbc: {  	s6 =	simm.s32 @!p0 $0x200;
	[tilespmem:$0x11B0] =	vst v1  }
0xbd: {  	v1 =	vld [tilespmem:s6+$0x0];
	_ =	sdelay $0x3  }
0xbe: {  	s6 =	rddreg [dreg:$0x12]  }
0xbf: {  	s6 =	simm.s32 @!p0 $0x210;
	[tilespmem:$0x1200] =	vst v1  }
0xc0: {  	(v2sf) =	vpush v59, $0x3;
	v1 =	vld [tilespmem:s6+$0x0];
	_ =	sdelay $0x3  }
0xc1: {  	s6 =	rddreg [dreg:$0x13]  }
0xc2: {  	s6 =	simm.s32 @!p0 $0x220;
	[tilespmem:$0x1210] =	vst v1  }
0xc3: {  	v1 =	vld [tilespmem:s6+$0x0];
	_ =	sdelay $0x3  }
0xc4: {  	s6 =	rddreg [dreg:$0x14]  }
0xc5: {  	s6 =	simm.s32 @!p0 $0x230;
	[tilespmem:$0x1220] =	vst v1  }
0xc6: {  	v1 =	vld [tilespmem:s6+$0x0];
	_ =	sdelay $0x2  }
0xc7: {  	s23 =	spop (v2sf)  }
0xc8: {  	p0 =	seq.s32 s23, $0x1;
	s6 =	rddreg [dreg:$0x15]  }
0xc9: {  	s6 =	simm.s32 @!p0 $0x280;
	[tilespmem:$0x1230] =	vst v1  }
0xca: {  	v1 =	vld [tilespmem:s6+$0x0];
	_ =	sdelay $0x3  }
0xcb: {  	s6 =	rddreg [dreg:$0x16]  }
0xcc: {  	s6 =	simm.s32 @!p0 $0x290;
	[tilespmem:$0x1280] =	vst v1  }
0xcd: {  	(v2sf) =	vpush v59, $0x4;
	v1 =	vld [tilespmem:s6+$0x0];
	_ =	sdelay $0x3  }
0xce: {  	s6 =	rddreg [dreg:$0x17]  }
0xcf: {  	s6 =	simm.s32 @!p0 $0x2A0;
	[tilespmem:$0x1290] =	vst v1  }
0xd0: {  	v1 =	vld [tilespmem:s6+$0x0];
	_ =	sdelay $0x3  }
0xd1: {  	s6 =	rddreg [dreg:$0x18]  }
0xd2: {  	s6 =	simm.s32 @!p0 $0x2B0;
	[tilespmem:$0x12A0] =	vst v1  }
0xd3: {  	v1 =	vld [tilespmem:s6+$0x0];
	_ =	sdelay $0x2  }
0xd4: {  	s24 =	spop (v2sf)  }
0xd5: {  	p0 =	seq.s32 s24, $0x1;
	s6 =	rddreg [dreg:$0x19]  }
0xd6: {  	s6 =	simm.s32 @!p0 $0x300;
	[tilespmem:$0x12B0] =	vst v1  }
0xd7: {  	v1 =	vld [tilespmem:s6+$0x0];
	_ =	sdelay $0x3  }
0xd8: {  	s6 =	rddreg [dreg:$0x1a]  }
0xd9: {  	s6 =	simm.s32 @!p0 $0x310;
	[tilespmem:$0x1300] =	vst v1  }
0xda: {  	(v2sf) =	vpush v59, $0x5;
	v1 =	vld [tilespmem:s6+$0x0];
	_ =	sdelay $0x3  }
0xdb: {  	s6 =	rddreg [dreg:$0x1b]  }
0xdc: {  	s6 =	simm.s32 @!p0 $0x320;
	[tilespmem:$0x1310] =	vst v1  }
0xdd: {  	v1 =	vld [tilespmem:s6+$0x0];
	_ =	sdelay $0x3  }
0xde: {  	s6 =	rddreg [dreg:$0x1c]  }
0xdf: {  	s6 =	simm.s32 @!p0 $0x330;
	[tilespmem:$0x1320] =	vst v1  }
0xe0: {  	v1 =	vld [tilespmem:s6+$0x0];
	_ =	sdelay $0x2  }
0xe1: {  	s25 =	spop (v2sf)  }
0xe2: {  	p0 =	seq.s32 s25, $0x1;
	s6 =	rddreg [dreg:$0x1d]  }
0xe3: {  	s6 =	simm.s32 @!p0 $0x380;
	[tilespmem:$0x1330] =	vst v1  }
0xe4: {  	v1 =	vld [tilespmem:s6+$0x0];
	_ =	sdelay $0x3  }
0xe5: {  	s6 =	rddreg [dreg:$0x1e]  }
0xe6: {  	s6 =	simm.s32 @!p0 $0x390;
	[tilespmem:$0x1380] =	vst v1  }
0xe7: {  	(v2sf) =	vpush v59, $0x6;
	v1 =	vld [tilespmem:s6+$0x0];
	_ =	sdelay $0x3  }
0xe8: {  	s6 =	rddreg [dreg:$0x1f]  }
0xe9: {  	s6 =	simm.s32 @!p0 $0x3A0;
	[tilespmem:$0x1390] =	vst v1  }
0xea: {  	v1 =	vld [tilespmem:s6+$0x0];
	_ =	sdelay $0x1  }
0xeb: {  	s6 =	sld [smem:$0x794];
	_ =	sdelay $0x2  }
0xec: {  	s6 =	simm.s32 @!p0 $0x3B0;
	[tilespmem:$0x13A0] =	vst v1  }
0xed: {  	v1 =	vld [tilespmem:s6+$0x0];
	_ =	sdelay $0x1  }
0xee: {  	s6 =	sld [smem:$0x795]  }
0xef: {  	s26 =	spop (v2sf)  }
0xf0: {  	p0 =	seq.s32 s26, $0x1  }
0xf1: {  	s6 =	simm.s32 @!p0 $0x400;
	[tilespmem:$0x13B0] =	vst v1  }
0xf2: {  	v1 =	vld [tilespmem:s6+$0x0];
	_ =	sdelay $0x1  }
0xf3: {  	s6 =	sld [smem:$0x796];
	_ =	sdelay $0x2  }
0xf4: {  	s6 =	simm.s32 @!p0 $0x410;
	[tilespmem:$0x1400] =	vst v1  }
0xf5: {  	(v2sf) =	vpush v59, $0x7;
	v1 =	vld [tilespmem:s6+$0x0];
	_ =	sdelay $0x1  }
0xf6: {  	s6 =	sld [smem:$0x797];
	_ =	sdelay $0x2  }
0xf7: {  	s6 =	simm.s32 @!p0 $0x420;
	[tilespmem:$0x1410] =	vst v1  }
0xf8: {  	v1 =	vld [tilespmem:s6+$0x0];
	_ =	sdelay $0x1  }
0xf9: {  	s6 =	sld [smem:$0x798];
	_ =	sdelay $0x2  }
0xfa: {  	s6 =	simm.s32 @!p0 $0x430;
	[tilespmem:$0x1420] =	vst v1  }
0xfb: {  	v1 =	vld [tilespmem:s6+$0x0];
	_ =	sdelay $0x1  }
0xfc: {  	s6 =	sld [smem:$0x799]  }
0xfd: {  	s28 =	spop (v2sf)  }
0xfe: {  	p0 =	seq.s32 s28, $0x1  }
0xff: {  	s6 =	simm.s32 @!p0 $0x480;
	[tilespmem:$0x1430] =	vst v1  }
0x100: {  	v1 =	vld [tilespmem:s6+$0x0];
	_ =	sdelay $0x1  }
0x101: {  	s6 =	sld [smem:$0x79A];
	_ =	sdelay $0x2  }
0x102: {  	s6 =	simm.s32 @!p0 $0x490;
	[tilespmem:$0x1480] =	vst v1  }
0x103: {  	(v2sf) =	vpush v59, $0x8;
	v1 =	vld [tilespmem:s6+$0x0];
	_ =	sdelay $0x1  }
0x104: {  	s6 =	sld [smem:$0x79B];
	_ =	sdelay $0x2  }
0x105: {  	s6 =	simm.s32 @!p0 $0x4A0;
	[tilespmem:$0x1490] =	vst v1  }
0x106: {  	v1 =	vld [tilespmem:s6+$0x0];
	_ =	sdelay $0x1  }
0x107: {  	s6 =	sld [smem:$0x79C];
	_ =	sdelay $0x2  }
0x108: {  	s6 =	simm.s32 @!p0 $0x4B0;
	[tilespmem:$0x14A0] =	vst v1  }
0x109: {  	v1 =	vld [tilespmem:s6+$0x0];
	_ =	sdelay $0x1  }
0x10a: {  	s6 =	sld [smem:$0x79D]  }
0x10b: {  	s29 =	spop (v2sf)  }
0x10c: {  	p0 =	seq.s32 s29, $0x1  }
0x10d: {  	s6 =	simm.s32 @!p0 $0x500;
	[tilespmem:$0x14B0] =	vst v1  }
0x10e: {  	v1 =	vld [tilespmem:s6+$0x0];
	_ =	sdelay $0x1  }
0x10f: {  	s6 =	sld [smem:$0x79E];
	_ =	sdelay $0x2  }
0x110: {  	s6 =	simm.s32 @!p0 $0x510;
	[tilespmem:$0x1500] =	vst v1  }
0x111: {  	(v2sf) =	vpush v59, $0x9;
	v1 =	vld [tilespmem:s6+$0x0];
	_ =	sdelay $0x1  }
0x112: {  	s6 =	sld [smem:$0x79F];
	_ =	sdelay $0x2  }
0x113: {  	s6 =	simm.s32 @!p0 $0x520;
	[tilespmem:$0x1510] =	vst v1  }
0x114: {  	v1 =	vld [tilespmem:s6+$0x0];
	_ =	sdelay $0x1  }
0x115: {  	s6 =	sld [smem:$0x7A0];
	_ =	sdelay $0x2  }
0x116: {  	s6 =	simm.s32 @!p0 $0x530;
	[tilespmem:$0x1520] =	vst v1  }
0x117: {  	v1 =	vld [tilespmem:s6+$0x0];
	_ =	sdelay $0x1  }
0x118: {  	s6 =	sld [smem:$0x7A1]  }
0x119: {  	s30 =	spop (v2sf)  }
0x11a: {  	p0 =	seq.s32 s30, $0x1  }
0x11b: {  	s6 =	simm.s32 @!p0 $0x580;
	[tilespmem:$0x1530] =	vst v1  }
0x11c: {  	v1 =	vld [tilespmem:s6+$0x0];
	_ =	sdelay $0x1  }
0x11d: {  	s6 =	sld [smem:$0x7A2];
	_ =	sdelay $0x2  }
0x11e: {  	s6 =	simm.s32 @!p0 $0x590;
	[tilespmem:$0x1580] =	vst v1  }
0x11f: {  	(v2sf) =	vpush v59, $0xA;
	v1 =	vld [tilespmem:s6+$0x0];
	_ =	sdelay $0x1  }
0x120: {  	s6 =	sld [smem:$0x7A3];
	_ =	sdelay $0x2  }
0x121: {  	s6 =	simm.s32 @!p0 $0x5A0;
	[tilespmem:$0x1590] =	vst v1  }
0x122: {  	v1 =	vld [tilespmem:s6+$0x0];
	_ =	sdelay $0x1  }
0x123: {  	s6 =	sld [smem:$0x7A4];
	_ =	sdelay $0x2  }
0x124: {  	s6 =	simm.s32 @!p0 $0x5B0;
	[tilespmem:$0x15A0] =	vst v1  }
0x125: {  	v1 =	vld [tilespmem:s6+$0x0];
	_ =	sdelay $0x1  }
0x126: {  	s6 =	sld [smem:$0x7A5]  }
0x127: {  	s31 =	spop (v2sf)  }
0x128: {  	p0 =	seq.s32 s31, $0x1  }
0x129: {  	s6 =	simm.s32 @!p0 $0x600;
	[tilespmem:$0x15B0] =	vst v1  }
0x12a: {  	v1 =	vld [tilespmem:s6+$0x0];
	_ =	sdelay $0x1  }
0x12b: {  	s6 =	sld [smem:$0x7A6];
	_ =	sdelay $0x2  }
0x12c: {  	s6 =	simm.s32 @!p0 $0x610;
	[tilespmem:$0x1600] =	vst v1  }
0x12d: {  	(v2sf) =	vpush v59, $0xB;
	v1 =	vld [tilespmem:s6+$0x0];
	_ =	sdelay $0x1  }
0x12e: {  	s6 =	sld [smem:$0x7A7];
	_ =	sdelay $0x2  }
0x12f: {  	s6 =	simm.s32 @!p0 $0x620;
	[tilespmem:$0x1610] =	vst v1  }
0x130: {  	v1 =	vld [tilespmem:s6+$0x0];
	_ =	sdelay $0x1  }
0x131: {  	s6 =	sld [smem:$0x7A8];
	_ =	sdelay $0x2  }
0x132: {  	s6 =	simm.s32 @!p0 $0x630;
	[tilespmem:$0x1620] =	vst v1  }
0x133: {  	v1 =	vld [tilespmem:s6+$0x0];
	_ =	sdelay $0x1  }
0x134: {  	s6 =	sld [smem:$0x7A9]  }
0x135: {  	s8 =	spop (v2sf)  }
0x136: {  	p0 =	seq.s32 s8, $0x1  }
0x137: {  	s6 =	simm.s32 @!p0 $0x680;
	[tilespmem:$0x1630] =	vst v1  }
0x138: {  	v1 =	vld [tilespmem:s6+$0x0];
	_ =	sdelay $0x1  }
0x139: {  	s6 =	sld [smem:$0x7AA];
	_ =	sdelay $0x2  }
0x13a: {  	s6 =	simm.s32 @!p0 $0x690;
	[tilespmem:$0x1680] =	vst v1  }
0x13b: {  	(v2sf) =	vpush v59, $0xC;
	v1 =	vld [tilespmem:s6+$0x0];
	_ =	sdelay $0x1  }
0x13c: {  	s6 =	sld [smem:$0x7AB];
	_ =	sdelay $0x2  }
0x13d: {  	s6 =	simm.s32 @!p0 $0x6A0;
	[tilespmem:$0x1690] =	vst v1  }
0x13e: {  	v1 =	vld [tilespmem:s6+$0x0];
	_ =	sdelay $0x1  }
0x13f: {  	s6 =	sld [smem:$0x7AC];
	_ =	sdelay $0x2  }
0x140: {  	s6 =	simm.s32 @!p0 $0x6B0;
	[tilespmem:$0x16A0] =	vst v1  }
0x141: {  	v1 =	vld [tilespmem:s6+$0x0];
	_ =	sdelay $0x1  }
0x142: {  	s6 =	sld [smem:$0x7AD]  }
0x143: {  	s9 =	spop (v2sf)  }
0x144: {  	p0 =	seq.s32 s9, $0x1  }
0x145: {  	s6 =	simm.s32 @!p0 $0x700;
	[tilespmem:$0x16B0] =	vst v1  }
0x146: {  	v1 =	vld [tilespmem:s6+$0x0];
	_ =	sdelay $0x1  }
0x147: {  	s6 =	sld [smem:$0x7AE];
	_ =	sdelay $0x2  }
0x148: {  	s6 =	simm.s32 @!p0 $0x710;
	[tilespmem:$0x1700] =	vst v1  }
0x149: {  	(v2sf) =	vpush v59, $0xD;
	v1 =	vld [tilespmem:s6+$0x0];
	_ =	sdelay $0x1  }
0x14a: {  	s6 =	sld [smem:$0x7AF];
	_ =	sdelay $0x2  }
0x14b: {  	s6 =	simm.s32 @!p0 $0x720;
	[tilespmem:$0x1710] =	vst v1  }
0x14c: {  	v1 =	vld [tilespmem:s6+$0x0];
	_ =	sdelay $0x1  }
0x14d: {  	s6 =	sld [smem:$0x7B0];
	_ =	sdelay $0x2  }
0x14e: {  	s6 =	simm.s32 @!p0 $0x730;
	[tilespmem:$0x1720] =	vst v1  }
0x14f: {  	v1 =	vld [tilespmem:s6+$0x0];
	_ =	sdelay $0x1  }
0x150: {  	s6 =	sld [smem:$0x7B1]  }
0x151: {  	s10 =	spop (v2sf)  }
0x152: {  	p0 =	seq.s32 s10, $0x1  }
0x153: {  	s6 =	simm.s32 @!p0 $0x780;
	[tilespmem:$0x1730] =	vst v1  }
0x154: {  	v1 =	vld [tilespmem:s6+$0x0];
	_ =	sdelay $0x1  }
0x155: {  	s6 =	sld [smem:$0x7B2];
	_ =	sdelay $0x2  }
0x156: {  	s6 =	simm.s32 @!p0 $0x790;
	[tilespmem:$0x1780] =	vst v1  }
0x157: {  	(v2sf) =	vpush v59, $0xE;
	v1 =	vld [tilespmem:s6+$0x0];
	_ =	sdelay $0x1  }
0x158: {  	s6 =	sld [smem:$0x7B3];
	_ =	sdelay $0x2  }
0x159: {  	s6 =	simm.s32 @!p0 $0x7A0;
	[tilespmem:$0x1790] =	vst v1  }
0x15a: {  	v1 =	vld [tilespmem:s6+$0x0];
	_ =	sdelay $0x1  }
0x15b: {  	s6 =	sld [smem:$0x7B4];
	_ =	sdelay $0x2  }
0x15c: {  	s6 =	simm.s32 @!p0 $0x7B0;
	[tilespmem:$0x17A0] =	vst v1  }
0x15d: {  	v1 =	vld [tilespmem:s6+$0x0];
	_ =	sdelay $0x1  }
0x15e: {  	s6 =	sld [smem:$0x7B5]  }
0x15f: {  	s11 =	spop (v2sf)  }
0x160: {  	p0 =	seq.s32 s11, $0x1  }
0x161: {  	s6 =	simm.s32 @!p0 $0x800;
	[tilespmem:$0x17B0] =	vst v1  }
0x162: {  	v1 =	vld [tilespmem:s6+$0x0];
	_ =	sdelay $0x1  }
0x163: {  	s6 =	sld [smem:$0x7B6];
	_ =	sdelay $0x2  }
0x164: {  	s6 =	simm.s32 @!p0 $0x810;
	[tilespmem:$0x1800] =	vst v1  }
0x165: {  	(v2sf) =	vpush v59, $0xF;
	v1 =	vld [tilespmem:s6+$0x0];
	_ =	sdelay $0x1  }
0x166: {  	s6 =	sld [smem:$0x7B7];
	_ =	sdelay $0x2  }
0x167: {  	s6 =	simm.s32 @!p0 $0x820;
	[tilespmem:$0x1810] =	vst v1  }
0x168: {  	v61 =	vld [tilespmem:s6+$0x0];
	_ =	sdelay $0x1  }
0x169: {  	s6 =	sld [smem:$0x7B8];
	_ =	sdelay $0x2  }
0x16a: {  	s6 =	simm.s32 @!p0 $0x830;
	[tilespmem:$0x1820] =	vst v61  }
0x16b: {  	v0 =	vld [tilespmem:s6+$0x0];
	_ =	sdelay $0x1  }
0x16c: {  	s6 =	sld [smem:$0x7B9]  }
0x16d: {  	s12 =	spop (v2sf)  }
0x16e: {  	p0 =	seq.s32 s12, $0x1  }
0x16f: {  	s6 =	simm.s32 @!p0 $0x880;
	[tilespmem:$0x1830] =	vst v0  }
0x170: {  	v1 =	vld [tilespmem:s6+$0x0]  }
0x171: {  	v62 =	vld [tilespmem:$0x90]  }
0x172: {  	s6 =	sld [smem:$0x7BA];
	_ =	sdelay $0x2  }
0x173: {  	s6 =	simm.s32 @!p0 $0x890;
	[tilespmem:$0x1880] =	vst v1  }
0x174: {  	(v2sf) =	vpush v62, $0x0;
	v1 =	vld [tilespmem:s6+$0x0];
	_ =	sdelay $0x1  }
0x175: {  	s6 =	sld [smem:$0x7BB];
	_ =	sdelay $0x2  }
0x176: {  	s6 =	simm.s32 @!p0 $0x8A0;
	[tilespmem:$0x1890] =	vst v1  }
0x177: {  	v1 =	vld [tilespmem:s6+$0x0];
	_ =	sdelay $0x1  }
0x178: {  	s6 =	sld [smem:$0x7BC];
	_ =	sdelay $0x2  }
0x179: {  	s6 =	simm.s32 @!p0 $0x8B0;
	[tilespmem:$0x18A0] =	vst v1  }
0x17a: {  	v1 =	vld [tilespmem:s6+$0x0];
	_ =	sdelay $0x1  }
0x17b: {  	s6 =	sld [smem:$0x7BD]  }
0x17c: {  	s13 =	spop (v2sf)  }
0x17d: {  	p0 =	seq.s32 s13, $0x1  }
0x17e: {  	s6 =	simm.s32 @!p0 $0x900;
	[tilespmem:$0x18B0] =	vst v1  }
0x17f: {  	v1 =	vld [tilespmem:s6+$0x0];
	_ =	sdelay $0x1  }
0x180: {  	s6 =	sld [smem:$0x7BE];
	_ =	sdelay $0x2  }
0x181: {  	s6 =	simm.s32 @!p0 $0x910;
	[tilespmem:$0x1900] =	vst v1  }
0x182: {  	(v2sf) =	vpush v62, $0x1;
	v1 =	vld [tilespmem:s6+$0x0];
	_ =	sdelay $0x1  }
0x183: {  	s6 =	sld [smem:$0x7BF];
	_ =	sdelay $0x2  }
0x184: {  	s6 =	simm.s32 @!p0 $0x920;
	[tilespmem:$0x1910] =	vst v1  }
0x185: {  	v1 =	vld [tilespmem:s6+$0x0];
	_ =	sdelay $0x1  }
0x186: {  	s6 =	sld [smem:$0x7C0];
	_ =	sdelay $0x2  }
0x187: {  	s6 =	simm.s32 @!p0 $0x930;
	[tilespmem:$0x1920] =	vst v1  }
0x188: {  	v1 =	vld [tilespmem:s6+$0x0];
	_ =	sdelay $0x1  }
0x189: {  	s6 =	sld [smem:$0x7C1]  }
0x18a: {  	s14 =	spop (v2sf)  }
0x18b: {  	p0 =	seq.s32 s14, $0x1  }
0x18c: {  	s6 =	simm.s32 @!p0 $0x980;
	[tilespmem:$0x1930] =	vst v1  }
0x18d: {  	v1 =	vld [tilespmem:s6+$0x0];
	_ =	sdelay $0x1  }
0x18e: {  	s6 =	sld [smem:$0x7C2];
	_ =	sdelay $0x2  }
0x18f: {  	s6 =	simm.s32 @!p0 $0x990;
	[tilespmem:$0x1980] =	vst v1  }
0x190: {  	(v2sf) =	vpush v62, $0x2;
	v1 =	vld [tilespmem:s6+$0x0];
	_ =	sdelay $0x1  }
0x191: {  	s6 =	sld [smem:$0x7C3];
	_ =	sdelay $0x2  }
0x192: {  	s6 =	simm.s32 @!p0 $0x9A0;
	[tilespmem:$0x1990] =	vst v1  }
0x193: {  	v1 =	vld [tilespmem:s6+$0x0];
	_ =	sdelay $0x1  }
0x194: {  	s6 =	sld [smem:$0x7C4];
	_ =	sdelay $0x2  }
0x195: {  	s6 =	simm.s32 @!p0 $0x9B0;
	[tilespmem:$0x19A0] =	vst v1  }
0x196: {  	v1 =	vld [tilespmem:s6+$0x0];
	_ =	sdelay $0x1  }
0x197: {  	s6 =	sld [smem:$0x7C5]  }
0x198: {  	s15 =	spop (v2sf)  }
0x199: {  	p0 =	seq.s32 s15, $0x1  }
0x19a: {  	s6 =	simm.s32 @!p0 $0xA00;
	[tilespmem:$0x19B0] =	vst v1  }
0x19b: {  	v1 =	vld [tilespmem:s6+$0x0];
	_ =	sdelay $0x1  }
0x19c: {  	s6 =	sld [smem:$0x7C6];
	_ =	sdelay $0x2  }
0x19d: {  	s6 =	simm.s32 @!p0 $0xA10;
	[tilespmem:$0x1A00] =	vst v1  }
0x19e: {  	(v2sf) =	vpush v62, $0x3;
	v1 =	vld [tilespmem:s6+$0x0];
	_ =	sdelay $0x1  }
0x19f: {  	s6 =	sld [smem:$0x7C7];
	_ =	sdelay $0x2  }
0x1a0: {  	s6 =	simm.s32 @!p0 $0xA20;
	[tilespmem:$0x1A10] =	vst v1  }
0x1a1: {  	v1 =	vld [tilespmem:s6+$0x0];
	_ =	sdelay $0x1  }
0x1a2: {  	s6 =	sld [smem:$0x7C8];
	_ =	sdelay $0x2  }
0x1a3: {  	s6 =	simm.s32 @!p0 $0xA30;
	[tilespmem:$0x1A20] =	vst v1  }
0x1a4: {  	v1 =	vld [tilespmem:s6+$0x0];
	_ =	sdelay $0x1  }
0x1a5: {  	s6 =	sld [smem:$0x7C9]  }
0x1a6: {  	s16 =	spop (v2sf)  }
0x1a7: {  	p0 =	seq.s32 s16, $0x1  }
0x1a8: {  	s6 =	simm.s32 @!p0 $0xA80;
	[tilespmem:$0x1A30] =	vst v1  }
0x1a9: {  	v1 =	vld [tilespmem:s6+$0x0];
	_ =	sdelay $0x1  }
0x1aa: {  	s6 =	sld [smem:$0x7CA];
	_ =	sdelay $0x2  }
0x1ab: {  	s6 =	simm.s32 @!p0 $0xA90;
	[tilespmem:$0x1A80] =	vst v1  }
0x1ac: {  	(v2sf) =	vpush v62, $0x4;
	v1 =	vld [tilespmem:s6+$0x0];
	_ =	sdelay $0x1  }
0x1ad: {  	s6 =	sld [smem:$0x7CB];
	_ =	sdelay $0x2  }
0x1ae: {  	s6 =	simm.s32 @!p0 $0xAA0;
	[tilespmem:$0x1A90] =	vst v1  }
0x1af: {  	v1 =	vld [tilespmem:s6+$0x0];
	_ =	sdelay $0x1  }
0x1b0: {  	s6 =	sld [smem:$0x7CC];
	_ =	sdelay $0x2  }
0x1b1: {  	s6 =	simm.s32 @!p0 $0xAB0;
	[tilespmem:$0x1AA0] =	vst v1  }
0x1b2: {  	v1 =	vld [tilespmem:s6+$0x0];
	_ =	sdelay $0x1  }
0x1b3: {  	s6 =	sld [smem:$0x7CD]  }
0x1b4: {  	s17 =	spop (v2sf)  }
0x1b5: {  	p0 =	seq.s32 s17, $0x1  }
0x1b6: {  	s6 =	simm.s32 @!p0 $0xB00;
	[tilespmem:$0x1AB0] =	vst v1  }
0x1b7: {  	v1 =	vld [tilespmem:s6+$0x0];
	_ =	sdelay $0x1  }
0x1b8: {  	s6 =	sld [smem:$0x7CE];
	_ =	sdelay $0x2  }
0x1b9: {  	s6 =	simm.s32 @!p0 $0xB10;
	[tilespmem:$0x1B00] =	vst v1  }
0x1ba: {  	(v2sf) =	vpush v62, $0x5;
	v1 =	vld [tilespmem:s6+$0x0];
	_ =	sdelay $0x1  }
0x1bb: {  	s6 =	sld [smem:$0x7CF];
	_ =	sdelay $0x2  }
0x1bc: {  	s6 =	simm.s32 @!p0 $0xB20;
	[tilespmem:$0x1B10] =	vst v1  }
0x1bd: {  	v1 =	vld [tilespmem:s6+$0x0];
	_ =	sdelay $0x1  }
0x1be: {  	s6 =	sld [smem:$0x7D0];
	_ =	sdelay $0x2  }
0x1bf: {  	s6 =	simm.s32 @!p0 $0xB30;
	[tilespmem:$0x1B20] =	vst v1  }
0x1c0: {  	v1 =	vld [tilespmem:s6+$0x0];
	_ =	sdelay $0x1  }
0x1c1: {  	s6 =	sld [smem:$0x7D1]  }
0x1c2: {  	s18 =	spop (v2sf)  }
0x1c3: {  	p0 =	seq.s32 s18, $0x1  }
0x1c4: {  	s6 =	simm.s32 @!p0 $0xB80;
	[tilespmem:$0x1B30] =	vst v1  }
0x1c5: {  	v1 =	vld [tilespmem:s6+$0x0];
	_ =	sdelay $0x1  }
0x1c6: {  	s6 =	sld [smem:$0x7D2];
	_ =	sdelay $0x2  }
0x1c7: {  	s6 =	simm.s32 @!p0 $0xB90;
	[tilespmem:$0x1B80] =	vst v1  }
0x1c8: {  	(v2sf) =	vpush v62, $0x6;
	v1 =	vld [tilespmem:s6+$0x0];
	_ =	sdelay $0x1  }
0x1c9: {  	s6 =	sld [smem:$0x7D3];
	_ =	sdelay $0x2  }
0x1ca: {  	s6 =	simm.s32 @!p0 $0xBA0;
	[tilespmem:$0x1B90] =	vst v1  }
0x1cb: {  	v1 =	vld [tilespmem:s6+$0x0];
	_ =	sdelay $0x1  }
0x1cc: {  	s6 =	sld [smem:$0x7D4];
	_ =	sdelay $0x2  }
0x1cd: {  	s6 =	simm.s32 @!p0 $0xBB0;
	[tilespmem:$0x1BA0] =	vst v1  }
0x1ce: {  	v1 =	vld [tilespmem:s6+$0x0];
	_ =	sdelay $0x1  }
0x1cf: {  	s6 =	sld [smem:$0x7D5]  }
0x1d0: {  	s19 =	spop (v2sf)  }
0x1d1: {  	p0 =	seq.s32 s19, $0x1  }
0x1d2: {  	s6 =	simm.s32 @!p0 $0xC00;
	[tilespmem:$0x1BB0] =	vst v1  }
0x1d3: {  	v1 =	vld [tilespmem:s6+$0x0];
	_ =	sdelay $0x1  }
0x1d4: {  	s6 =	sld [smem:$0x7D6];
	_ =	sdelay $0x2  }
0x1d5: {  	s6 =	simm.s32 @!p0 $0xC10;
	[tilespmem:$0x1C00] =	vst v1  }
0x1d6: {  	(v2sf) =	vpush v62, $0x7;
	v1 =	vld [tilespmem:s6+$0x0];
	_ =	sdelay $0x1  }
0x1d7: {  	s6 =	sld [smem:$0x7D7];
	_ =	sdelay $0x2  }
0x1d8: {  	s6 =	simm.s32 @!p0 $0xC20;
	[tilespmem:$0x1C10] =	vst v1  }
0x1d9: {  	v1 =	vld [tilespmem:s6+$0x0];
	_ =	sdelay $0x1  }
0x1da: {  	s6 =	sld [smem:$0x7D8];
	_ =	sdelay $0x2  }
0x1db: {  	s6 =	simm.s32 @!p0 $0xC30;
	[tilespmem:$0x1C20] =	vst v1  }
0x1dc: {  	v1 =	vld [tilespmem:s6+$0x0];
	_ =	sdelay $0x1  }
0x1dd: {  	s6 =	sld [smem:$0x7D9]  }
0x1de: {  	s20 =	spop (v2sf)  }
0x1df: {  	p0 =	seq.s32 s20, $0x1  }
0x1e0: {  	s6 =	simm.s32 @!p0 $0xC80;
	[tilespmem:$0x1C30] =	vst v1  }
0x1e1: {  	v1 =	vld [tilespmem:s6+$0x0];
	_ =	sdelay $0x1  }
0x1e2: {  	s6 =	sld [smem:$0x7DA];
	_ =	sdelay $0x2  }
0x1e3: {  	s6 =	simm.s32 @!p0 $0xC90;
	[tilespmem:$0x1C80] =	vst v1  }
0x1e4: {  	(v2sf) =	vpush v62, $0x8;
	v1 =	vld [tilespmem:s6+$0x0];
	_ =	sdelay $0x1  }
0x1e5: {  	s6 =	sld [smem:$0x7DB];
	_ =	sdelay $0x2  }
0x1e6: {  	s6 =	simm.s32 @!p0 $0xCA0;
	[tilespmem:$0x1C90] =	vst v1  }
0x1e7: {  	v1 =	vld [tilespmem:s6+$0x0];
	_ =	sdelay $0x1  }
0x1e8: {  	s6 =	sld [smem:$0x7DC];
	_ =	sdelay $0x2  }
0x1e9: {  	s6 =	simm.s32 @!p0 $0xCB0;
	[tilespmem:$0x1CA0] =	vst v1  }
0x1ea: {  	v1 =	vld [tilespmem:s6+$0x0];
	_ =	sdelay $0x1  }
0x1eb: {  	s6 =	sld [smem:$0x7DD]  }
0x1ec: {  	s21 =	spop (v2sf)  }
0x1ed: {  	p0 =	seq.s32 s21, $0x1  }
0x1ee: {  	s6 =	simm.s32 @!p0 $0xD00;
	[tilespmem:$0x1CB0] =	vst v1  }
0x1ef: {  	v1 =	vld [tilespmem:s6+$0x0];
	_ =	sdelay $0x1  }
0x1f0: {  	s6 =	sld [smem:$0x7DE];
	_ =	sdelay $0x2  }
0x1f1: {  	s6 =	simm.s32 @!p0 $0xD10;
	[tilespmem:$0x1D00] =	vst v1  }
0x1f2: {  	(v2sf) =	vpush v62, $0x9;
	v1 =	vld [tilespmem:s6+$0x0];
	_ =	sdelay $0x1  }
0x1f3: {  	s6 =	sld [smem:$0x7DF];
	_ =	sdelay $0x2  }
0x1f4: {  	s6 =	simm.s32 @!p0 $0xD20;
	[tilespmem:$0x1D10] =	vst v1  }
0x1f5: {  	v1 =	vld [tilespmem:s6+$0x0];
	_ =	sdelay $0x1  }
0x1f6: {  	s6 =	sld [smem:$0x7E0];
	_ =	sdelay $0x2  }
0x1f7: {  	s6 =	simm.s32 @!p0 $0xD30;
	[tilespmem:$0x1D20] =	vst v1  }
0x1f8: {  	v1 =	vld [tilespmem:s6+$0x0];
	_ =	sdelay $0x1  }
0x1f9: {  	s6 =	sld [smem:$0x7E1]  }
0x1fa: {  	s22 =	spop (v2sf)  }
0x1fb: {  	p0 =	seq.s32 s22, $0x1  }
0x1fc: {  	s6 =	simm.s32 @!p0 $0xD80;
	[tilespmem:$0x1D30] =	vst v1  }
0x1fd: {  	v1 =	vld [tilespmem:s6+$0x0];
	_ =	sdelay $0x1  }
0x1fe: {  	s6 =	sld [smem:$0x7E2];
	_ =	sdelay $0x2  }
0x1ff: {  	s6 =	simm.s32 @!p0 $0xD90;
	[tilespmem:$0x1D80] =	vst v1  }
0x200: {  	(v2sf) =	vpush v62, $0xA;
	v1 =	vld [tilespmem:s6+$0x0];
	_ =	sdelay $0x1  }
0x201: {  	s6 =	sld [smem:$0x7E3];
	_ =	sdelay $0x2  }
0x202: {  	s6 =	simm.s32 @!p0 $0xDA0;
	[tilespmem:$0x1D90] =	vst v1  }
0x203: {  	v1 =	vld [tilespmem:s6+$0x0];
	_ =	sdelay $0x1  }
0x204: {  	s6 =	sld [smem:$0x7E4];
	_ =	sdelay $0x2  }
0x205: {  	s6 =	simm.s32 @!p0 $0xDB0;
	[tilespmem:$0x1DA0] =	vst v1  }
0x206: {  	v1 =	vld [tilespmem:s6+$0x0];
	_ =	sdelay $0x1  }
0x207: {  	s6 =	sld [smem:$0x7E5]  }
0x208: {  	s23 =	spop (v2sf)  }
0x209: {  	p0 =	seq.s32 s23, $0x1  }
0x20a: {  	s6 =	simm.s32 @!p0 $0xE00;
	[tilespmem:$0x1DB0] =	vst v1  }
0x20b: {  	v1 =	vld [tilespmem:s6+$0x0];
	_ =	sdelay $0x1  }
0x20c: {  	s6 =	sld [smem:$0x7E6];
	_ =	sdelay $0x2  }
0x20d: {  	s6 =	simm.s32 @!p0 $0xE10;
	[tilespmem:$0x1E00] =	vst v1  }
0x20e: {  	(v2sf) =	vpush v62, $0xB;
	v1 =	vld [tilespmem:s6+$0x0];
	_ =	sdelay $0x1  }
0x20f: {  	s6 =	sld [smem:$0x7E7];
	_ =	sdelay $0x2  }
0x210: {  	s6 =	simm.s32 @!p0 $0xE20;
	[tilespmem:$0x1E10] =	vst v1  }
0x211: {  	v1 =	vld [tilespmem:s6+$0x0];
	_ =	sdelay $0x1  }
0x212: {  	s6 =	sld [smem:$0x7E8];
	_ =	sdelay $0x2  }
0x213: {  	s6 =	simm.s32 @!p0 $0xE30;
	[tilespmem:$0x1E20] =	vst v1  }
0x214: {  	v1 =	vld [tilespmem:s6+$0x0];
	_ =	sdelay $0x1  }
0x215: {  	s6 =	sld [smem:$0x7E9]  }
0x216: {  	s24 =	spop (v2sf)  }
0x217: {  	p0 =	seq.s32 s24, $0x1  }
0x218: {  	s6 =	simm.s32 @!p0 $0xE80;
	[tilespmem:$0x1E30] =	vst v1  }
0x219: {  	v1 =	vld [tilespmem:s6+$0x0];
	_ =	sdelay $0x1  }
0x21a: {  	s6 =	sld [smem:$0x7EA];
	_ =	sdelay $0x2  }
0x21b: {  	s6 =	simm.s32 @!p0 $0xE90;
	[tilespmem:$0x1E80] =	vst v1  }
0x21c: {  	(v2sf) =	vpush v62, $0xC;
	v1 =	vld [tilespmem:s6+$0x0];
	_ =	sdelay $0x1  }
0x21d: {  	s6 =	sld [smem:$0x7EB];
	_ =	sdelay $0x2  }
0x21e: {  	s6 =	simm.s32 @!p0 $0xEA0;
	[tilespmem:$0x1E90] =	vst v1  }
0x21f: {  	v1 =	vld [tilespmem:s6+$0x0];
	_ =	sdelay $0x1  }
0x220: {  	s6 =	sld [smem:$0x7EC];
	_ =	sdelay $0x2  }
0x221: {  	s6 =	simm.s32 @!p0 $0xEB0;
	[tilespmem:$0x1EA0] =	vst v1  }
0x222: {  	v1 =	vld [tilespmem:s6+$0x0];
	_ =	sdelay $0x1  }
0x223: {  	s6 =	sld [smem:$0x7ED]  }
0x224: {  	s25 =	spop (v2sf)  }
0x225: {  	p0 =	seq.s32 s25, $0x1  }
0x226: {  	s6 =	simm.s32 @!p0 $0xF00;
	[tilespmem:$0x1EB0] =	vst v1  }
0x227: {  	v1 =	vld [tilespmem:s6+$0x0];
	_ =	sdelay $0x1  }
0x228: {  	s6 =	sld [smem:$0x7EE];
	_ =	sdelay $0x2  }
0x229: {  	s6 =	simm.s32 @!p0 $0xF10;
	[tilespmem:$0x1F00] =	vst v1  }
0x22a: {  	(v2sf) =	vpush v62, $0xD;
	v1 =	vld [tilespmem:s6+$0x0];
	_ =	sdelay $0x1  }
0x22b: {  	s6 =	sld [smem:$0x7EF];
	_ =	sdelay $0x2  }
0x22c: {  	s6 =	simm.s32 @!p0 $0xF20;
	[tilespmem:$0x1F10] =	vst v1  }
0x22d: {  	v1 =	vld [tilespmem:s6+$0x0];
	_ =	sdelay $0x1  }
0x22e: {  	s6 =	sld [smem:$0x7F0];
	_ =	sdelay $0x2  }
0x22f: {  	s6 =	simm.s32 @!p0 $0xF30;
	[tilespmem:$0x1F20] =	vst v1  }
0x230: {  	v1 =	vld [tilespmem:s6+$0x0];
	_ =	sdelay $0x1  }
0x231: {  	s6 =	sld [smem:$0x7F1]  }
0x232: {  	s26 =	spop (v2sf)  }
0x233: {  	p0 =	seq.s32 s26, $0x1  }
0x234: {  	s6 =	simm.s32 @!p0 $0xF80;
	[tilespmem:$0x1F30] =	vst v1  }
0x235: {  	v1 =	vld [tilespmem:s6+$0x0];
	_ =	sdelay $0x1  }
0x236: {  	s6 =	sld [smem:$0x7F2];
	_ =	sdelay $0x2  }
0x237: {  	s6 =	simm.s32 @!p0 $0xF90;
	[tilespmem:$0x1F80] =	vst v1  }
0x238: {  	(v2sf) =	vpush v62, $0xE;
	v1 =	vld [tilespmem:s6+$0x0];
	_ =	sdelay $0x1  }
0x239: {  	s6 =	sld [smem:$0x7F3];
	_ =	sdelay $0x2  }
0x23a: {  	s6 =	simm.s32 @!p0 $0xFA0;
	[tilespmem:$0x1F90] =	vst v1  }
0x23b: {  	v1 =	vld [tilespmem:s6+$0x0];
	_ =	sdelay $0x1  }
0x23c: {  	s6 =	sld [smem:$0x7F4];
	_ =	sdelay $0x2  }
0x23d: {  	s6 =	simm.s32 @!p0 $0xFB0;
	[tilespmem:$0x1FA0] =	vst v1  }
0x23e: {  	v1 =	vld [tilespmem:s6+$0x0];
	_ =	sdelay $0x1  }
0x23f: {  	s6 =	sld [smem:$0x7F5]  }
0x240: {  	s28 =	spop (v2sf)  }
0x241: {  	p0 =	seq.s32 s28, $0x1  }
0x242: {  	s6 =	simm.s32 @!p0 $0x1000;
	[tilespmem:$0x1FB0] =	vst v1  }
0x243: {  	v1 =	vld [tilespmem:s6+$0x0];
	_ =	sdelay $0x1  }
0x244: {  	s6 =	sld [smem:$0x7F6];
	_ =	sdelay $0x2  }
0x245: {  	s6 =	simm.s32 @!p0 $0x1010;
	[tilespmem:$0x2000] =	vst v1  }
0x246: {  	(v2sf) =	vpush v62, $0xF;
	v1 =	vld [tilespmem:s6+$0x0];
	_ =	sdelay $0x1  }
0x247: {  	s6 =	sld [smem:$0x7F7];
	_ =	sdelay $0x2  }
0x248: {  	s6 =	simm.s32 @!p0 $0x1020;
	[tilespmem:$0x2010] =	vst v1  }
0x249: {  	v63 =	vld [tilespmem:s6+$0x0];
	_ =	sdelay $0x1  }
0x24a: {  	s6 =	sld [smem:$0x7F8];
	_ =	sdelay $0x2  }
0x24b: {  	s6 =	simm.s32 @!p0 $0x1030;
	[tilespmem:$0x2020] =	vst v63  }
0x24c: {  	v0 =	vld [tilespmem:s6+$0x0];
	_ =	sdelay $0x1  }
0x24d: {  	s6 =	sld [smem:$0x7F9]  }
0x24e: {  	s29 =	spop (v2sf)  }
0x24f: {  	p0 =	seq.s32 s29, $0x1  }
0x250: {  	s6 =	simm.s32 @!p0 $0x1080;
	[tilespmem:$0x2030] =	vst v0  }
0x251: {  	v0 =	vld [tilespmem:s6+$0x0];
	_ =	sdelay $0x1  }
0x252: {  	s6 =	sld [smem:$0x7FA];
	_ =	sdelay $0x2  }
0x253: {  	s6 =	simm.s32 @!p0 $0x1090;
	[tilespmem:$0x2080] =	vst v0  }
0x254: {  	v0 =	vld [tilespmem:s6+$0x0];
	_ =	sdelay $0x1  }
0x255: {  	s6 =	sld [smem:$0x7FB];
	_ =	sdelay $0x2  }
0x256: {  	s6 =	simm.s32 @!p0 $0x10A0;
	[tilespmem:$0x2090] =	vst v0  }
0x257: {  	v0 =	vld [tilespmem:s6+$0x0];
	_ =	sdelay $0x1  }
0x258: {  	s6 =	sld [smem:$0x7FC];
	_ =	sdelay $0x2  }
0x259: {  	s6 =	simm.s32 @!p0 $0x10B0;
	[tilespmem:$0x20A0] =	vst v0  }
0x25a: {  	v0 =	vld [tilespmem:s6+$0x0];
	_ =	sdelay $0x2  }
0x25b: {  	s31 =	sld [smem:$0x7FD]  }
0x25c: {  	p0 =	sne.s32 s3, $0x1  }
.Ltmp0:
0x25d: {  	s30 =	rddreg [dreg:$0x6];
	[tilespmem:$0x20B0] =	vst v0;
	(pc) =	sbr.rel @p0 .LBB2_1-.Ltmp0, $4  }
0x25e: {  	[hbm4b:s30+s2] =	stream.linear.scatter [tilespmem:s31], [sflag:$0x2], $0x1000, $0x38;
	[tilespmem:$0x2100] =	vst v63  }
0x25f: {  	_ =	swait.ge [sflag:s4], $0x1000  }
0x260: {  	[sflag:s4] =	ssyncset.done $0x0  }
0x261: {  	s3 =	sadd.s32 $0xFFFFFFFF, s3;
	[sflag:s4] =	ssyncadd.s32 $0xFFFFF000  }
0x262: {  	_ =	sfence.sel $0x180000  }
0x263: {  	[bflag:$0x0] =	sbarrier.arrive $0xFFFF  }
0x264: {  	p0 =	sne.s32 s0, $0x0;
	_ =	strace $0x90000047  }
0x265: {  	s0 =	sadd.s32 @!p0 $0x100000, s1;
	[bflag:$0x2] =	sbarrier.arrive $0xFFFF  }
0x266: {  	[sflag:s0] =	ssyncadd.tile.s32 @!p0 $0x1;
	_ =	shalt  }
.Lfunc_end2:
_tile_overlayer_lowered:
.L_overlay_start_2:
0x267: {  	(tag) =	ssettag $0x2  }
0x268: {  	s0 =	rddreg [dreg:$0x0];
	s2 =	stileid.u32  }
0x269: {  	s1 =	rddreg [dreg:$0x1];
	p0 =	sne.s32 s2, $0x0  }
0x26a: {  	s3 =	rddreg [dreg:$0x2];
	[bflag:$0x3] =	sbarrier.arrive $0xFFFF;
	s2 =	simm.s32 @!p0 $0x1C02  }
0x26b: {  	[timem:s3], [sflag:s2] =	dma.local @!p0 [hbm:s0], s1  }
0x26c: {  	s0 =	simm.s32 @!p0 $0x2  }
0x26d: {  	_ =	swait.ge @!p0 [sflag:s0], s1  }
0x26e: {  	s1 =	ssub.s32 @!p0 $0x0, s1;
	[sflag:s0] =	ssyncset.done @!p0 $0x0  }
0x26f: {  	[sflag:s0] =	ssyncadd.s32 @!p0 s1  }
0x270: {  	[bflag:$0x3] =	sbarrier.arrive $0xFFFF  }
0x271: {  	_ =	shalt  }

</sc_bundles>
